<compile_context>
chip_gen: v7x
topology: tpu7x:2x2x1
jax: 0.10.2.dev20260603
libtpu: 0.0.44.dev20260713+nightly
codegen_flags: <defaults>
</compile_context>

<pallas_src>
import jax
import jax.numpy as jnp
from jax import lax
from jax.experimental import pallas as pl
from jax.experimental.pallas import tpu as pltpu
from jax.experimental.pallas import tpu_sc as plsc

B = 2
S = 2048
HIDDEN = 1024
FFN = 3584
E = 8
TOPK = 2

T = B * S
A = T * TOPK
BLK = 256
NB = A // BLK + E
NPAD = NB * BLK
NF = 1
FBLK = FFN // NF

NC = 2
NS = 16
NW = NC * NS
LANES = 16

CH = 512
NCH = A // CH

_SC_MESH = dict(core_axis_name="c", subcore_axis_name="s",
                num_cores=NC, num_subcores=NS)


def _meta_body(x_ref, gw_ref, logits_ref, pos1_ref, pos2_ref, wa_ref, wb_ref,
               be_ref, xi_ref, o_scr, r_scr):
    x = x_ref[...]
    bits = lax.bitcast_convert_type(x, jnp.int32)
    rb = lax.shift_right_logical(
        bits + 0x7FFF + jnp.bitwise_and(lax.shift_right_logical(bits, 16), 1),
        16)
    lo = rb[:, 0:HIDDEN // 2]
    hi = rb[:, HIDDEN // 2:HIDDEN]
    xi_ref[...] = jnp.bitwise_or(lo, lax.shift_left(hi, 16))
    gw = gw_ref[...]
    logits = lax.dot_general(x, gw, (((1,), (1,)), ((), ())),
                             preferred_element_type=jnp.float32)
    logits_ref[...] = logits

    p = jax.nn.softmax(logits, axis=1)
    ii = lax.broadcasted_iota(jnp.int32, (T, E), 1).astype(jnp.float32)
    m1 = jnp.max(p, axis=1, keepdims=True)
    i1 = jnp.min(jnp.where(p == m1, ii, float(E)), axis=1, keepdims=True)
    oh1 = (ii == i1).astype(jnp.float32)
    pm = jnp.where(oh1 > 0.0, -1.0, p)
    m2 = jnp.max(pm, axis=1, keepdims=True)
    i2 = jnp.min(jnp.where(pm == m2, ii, float(E)), axis=1, keepdims=True)
    oh2 = (ii == i2).astype(jnp.float32)
    ssum = m1 + m2
    wa = m1 / ssum
    wb = m2 / ssum
    wa_ref[...] = wa
    wb_ref[...] = wb

    o_scr[0:T, :] = oh1
    o_scr[T:A, :] = oh2

    tri = (lax.broadcasted_iota(jnp.int32, (CH, CH), 0)
           >= lax.broadcasted_iota(jnp.int32, (CH, CH), 1)
           ).astype(jnp.float32)

    def step(c, carry):
        blk = o_scr[pl.ds(c * CH, CH), :]
        cum = lax.dot_general(tri, blk, (((1,), (0,)), ((), ())),
                              preferred_element_type=jnp.float32) + carry
        r_scr[pl.ds(c * CH, CH), :] = jnp.sum(
            blk * (cum - 1.0), axis=1, keepdims=True)
        return carry + jnp.sum(blk, axis=0, keepdims=True)

    counts = lax.fori_loop(0, NCH, step, jnp.zeros((1, E), jnp.float32))

    bc = jnp.floor((counts + float(BLK - 1)) / float(BLK)) * float(BLK)
    lt = (lax.broadcasted_iota(jnp.int32, (E, E), 0)
          < lax.broadcasted_iota(jnp.int32, (E, E), 1)).astype(jnp.float32)
    off = lax.dot_general(bc, lt, (((1,), (0,)), ((), ())),
                          preferred_element_type=jnp.float32)

    r = r_scr[...]
    pos1 = r[0:T, :] + jnp.sum(oh1 * off, axis=1, keepdims=True)
    pos2 = r[T:A, :] + jnp.sum(oh2 * off, axis=1, keepdims=True)
    pos1_ref[...] = pos1.astype(jnp.int32)
    pos2_ref[...] = pos2.astype(jnp.int32)

    bidx = lax.broadcasted_iota(jnp.int32, (1, 64), 1).astype(jnp.float32)
    be = jnp.zeros((1, 64), jnp.float32)
    off_blocks = off / float(BLK)
    for e in range(E):
        be = be + (bidx >= off_blocks[0:1, e:e + 1]).astype(jnp.float32)
    nbu = jnp.sum(jnp.floor((counts + float(BLK - 1)) / float(BLK)),
                  axis=1, keepdims=True)
    be = jnp.where(bidx == 63.0, nbu, be - 1.0)
    be_ref[...] = be.astype(jnp.int32)


def _run_meta(x, gate_w):
    return pl.pallas_call(
        _meta_body,
        out_shape=(
            jax.ShapeDtypeStruct((T, E), jnp.float32),
            jax.ShapeDtypeStruct((T, 1), jnp.int32),
            jax.ShapeDtypeStruct((T, 1), jnp.int32),
            jax.ShapeDtypeStruct((T, 1), jnp.float32),
            jax.ShapeDtypeStruct((T, 1), jnp.float32),
            jax.ShapeDtypeStruct((1, 64), jnp.int32),
            jax.ShapeDtypeStruct((T, HIDDEN // 2), jnp.int32),
        ),
        scratch_shapes=[
            pltpu.VMEM((A, E), jnp.float32),
            pltpu.VMEM((A, 1), jnp.float32),
        ],
    )(x, gate_w)


_G_PER_W = NPAD // NW
_G_CH = 80
_G_NCH = _G_PER_W // _G_CH
HID2 = HIDDEN // 2


def _dispatch_body(pos1_hbm, pos2_hbm, wa_hbm, wb_hbm, xi_hbm,
                   xs_hbm, wts_hbm,
                   p1_v, p2_v, wa_v, wb_v, tid_v, wts_v, tid_sh,
                   idx_v, rows_v, sem):
    cid = lax.axis_index("c")
    sid = lax.axis_index("s")
    wid = sid * NC + cid

    @pl.when(sid == 0)
    def _():
        pltpu.sync_copy(pos1_hbm, p1_v)
        pltpu.sync_copy(pos2_hbm, p2_v)
        pltpu.sync_copy(wa_hbm, wa_v)
        pltpu.sync_copy(wb_hbm, wb_v)

        zi = jnp.zeros((LANES,), jnp.int32)
        zf = jnp.zeros((LANES,), jnp.float32)

        def zero(i, _):
            tid_v[pl.ds(i * LANES, LANES)] = zi
            wts_v[pl.ds(i * LANES, LANES)] = zf
            return 0

        lax.fori_loop(0, NPAD // LANES, zero, 0)

        base_iota = lax.broadcasted_iota(jnp.int32, (LANES,), 0)

        def scat(i, _):
            tok = base_iota + i * LANES
            idx1 = p1_v[pl.ds(i * LANES, LANES)]
            plsc.store_scatter(tid_v, [idx1], tok)
            plsc.store_scatter(wts_v, [idx1], wa_v[pl.ds(i * LANES, LANES)])
            idx2 = p2_v[pl.ds(i * LANES, LANES)]
            plsc.store_scatter(tid_v, [idx2], tok)
            plsc.store_scatter(wts_v, [idx2], wb_v[pl.ds(i * LANES, LANES)])
            return 0

        lax.fori_loop(0, T // LANES, scat, 0)

        pltpu.sync_copy(tid_v, tid_sh)

        @pl.when(cid == 0)
        def _():
            pltpu.sync_copy(wts_v, wts_hbm)

    plsc.subcore_barrier()

    base = wid * _G_PER_W
    pltpu.sync_copy(tid_sh.at[pl.ds(base, _G_PER_W)], idx_v)
    for c in range(_G_NCH):
        pltpu.async_copy(xi_hbm.at[idx_v.at[pl.ds(c * _G_CH, _G_CH)]],
                         rows_v, sem).wait()
        pltpu.sync_copy(rows_v, xs_hbm.at[pl.ds(base + c * _G_CH, _G_CH)])


def _run_dispatch(pos1, pos2, wa, wb, xi):
    mesh = plsc.VectorSubcoreMesh(**_SC_MESH)
    return pl.kernel(
        _dispatch_body,
        out_type=(
            jax.ShapeDtypeStruct((NPAD, HID2), jnp.int32),
            jax.ShapeDtypeStruct((NPAD,), jnp.float32),
        ),
        mesh=mesh,
        compiler_params=pltpu.CompilerParams(needs_layout_passes=False),
        scratch_types=[
            pltpu.VMEM((T,), jnp.int32),
            pltpu.VMEM((T,), jnp.int32),
            pltpu.VMEM((T,), jnp.float32),
            pltpu.VMEM((T,), jnp.float32),
            pltpu.VMEM((NPAD,), jnp.int32),
            pltpu.VMEM((NPAD,), jnp.float32),
            pltpu.VMEM_SHARED((NPAD,), jnp.int32),
            pltpu.VMEM((_G_PER_W,), jnp.int32),
            pltpu.VMEM((_G_CH, HID2), jnp.int32),
            pltpu.SemaphoreType.DMA,
        ],
    )(pos1, pos2, wa, wb, xi)


def _gmm_body(be_ref, x_ref, w1_ref, w3_ref, w2_ref, wt_ref, o_ref,
              xs_scr):
    b = pl.program_id(0)
    f = pl.program_id(1)
    nbu = be_ref[63]

    @pl.when(b < nbu)
    def _():
        @pl.when(f == 0)
        def _():
            xi = x_ref[...]
            lo = lax.bitcast_convert_type(lax.shift_left(xi, 16),
                                          jnp.float32)
            hi = lax.bitcast_convert_type(
                jnp.bitwise_and(xi, jnp.int32(-65536)), jnp.float32)
            xs_scr[...] = jnp.concatenate([lo, hi],
                                          axis=1).astype(jnp.bfloat16)

        xs = xs_scr[...]
        a = lax.dot_general(xs, w1_ref[0], (((1,), (1,)), ((), ())),
                            preferred_element_type=jnp.float32)
        g = a * jax.nn.sigmoid(a)
        c = (g * lax.dot_general(xs, w3_ref[0], (((1,), (1,)), ((), ())),
                                 preferred_element_type=jnp.float32)
             ).astype(jnp.bfloat16)
        part = lax.dot_general(c, w2_ref[0], (((1,), (1,)), ((), ())),
                               preferred_element_type=jnp.float32)

        @pl.when(f == 0)
        def _():
            o_ref[...] = part

        @pl.when(f > 0)
        def _():
            o_ref[...] = o_ref[...] + part

        @pl.when(f == NF - 1)
        def _():
            o_ref[...] = o_ref[...] * wt_ref[0]


def _run_gmm(be_vec, x_sorted, w1, w3, w2, wts3d):
    grid_spec = pltpu.PrefetchScalarGridSpec(
        num_scalar_prefetch=1,
        grid=(NB, NF),
        in_specs=[
            pl.BlockSpec((BLK, HIDDEN // 2), lambda b, f, be: (b, 0)),
            pl.BlockSpec((1, FBLK, HIDDEN), lambda b, f, be: (be[b], f, 0)),
            pl.BlockSpec((1, FBLK, HIDDEN), lambda b, f, be: (be[b], f, 0)),
            pl.BlockSpec((1, HIDDEN, FBLK), lambda b, f, be: (be[b], 0, f)),
            pl.BlockSpec((1, BLK, 1), lambda b, f, be: (b, 0, 0)),
        ],
        out_specs=pl.BlockSpec((BLK, HIDDEN), lambda b, f, be: (b, 0)),
        scratch_shapes=[pltpu.VMEM((BLK, HIDDEN), jnp.bfloat16)],
    )
    return pl.pallas_call(
        _gmm_body,
        grid_spec=grid_spec,
        out_shape=jax.ShapeDtypeStruct((NPAD, HIDDEN), jnp.float32),
        compiler_params=pltpu.CompilerParams(
            dimension_semantics=("parallel", "arbitrary"),
            vmem_limit_bytes=110 * 1024 * 1024),
    )(be_vec, x_sorted, w1, w3, w2, wts3d)


_C_PER_W = T // NW
_C_CH = 16
_C_NCH = _C_PER_W // _C_CH


def _combine_body(os_hbm, p1_hbm, p2_hbm, out_hbm, p1_v, p2_v,
                  a0_v, a1_v, b0_v, b1_v, sa0, sa1, sb0, sb1):
    cid = lax.axis_index("c")
    sid = lax.axis_index("s")
    wid = sid * NC + cid
    base = wid * _C_PER_W
    pltpu.sync_copy(p1_hbm.at[pl.ds(base, _C_PER_W)], p1_v)
    pltpu.sync_copy(p2_hbm.at[pl.ds(base, _C_PER_W)], p2_v)
    abufs = (a0_v, a1_v)
    bbufs = (b0_v, b1_v)
    asems = (sa0, sa1)
    bsems = (sb0, sb1)

    def issue(c):
        da = pltpu.async_copy(os_hbm.at[p1_v.at[pl.ds(c * _C_CH, _C_CH)]],
                              abufs[c % 2], asems[c % 2])
        db = pltpu.async_copy(os_hbm.at[p2_v.at[pl.ds(c * _C_CH, _C_CH)]],
                              bbufs[c % 2], bsems[c % 2])
        return (da, db)

    descs = {0: issue(0)}
    for c in range(_C_NCH):
        if c + 1 < _C_NCH:
            descs[c + 1] = issue(c + 1)
        da, db = descs[c]
        da.wait()
        db.wait()
        av = abufs[c % 2]
        bv = bbufs[c % 2]

        def add_row(i, _):
            def add_col(j, _2):
                av[i, pl.ds(j * LANES, LANES)] = (
                    av[i, pl.ds(j * LANES, LANES)]
                    + bv[i, pl.ds(j * LANES, LANES)])
                return 0
            lax.fori_loop(0, HIDDEN // LANES, add_col, 0)
            return 0

        lax.fori_loop(0, _C_CH, add_row, 0)
        pltpu.sync_copy(av, out_hbm.at[pl.ds(base + c * _C_CH, _C_CH)])


def _run_combine(out_sorted, p1, p2):
    mesh = plsc.VectorSubcoreMesh(**_SC_MESH)
    return pl.kernel(
        _combine_body,
        out_type=jax.ShapeDtypeStruct((T, HIDDEN), jnp.float32),
        mesh=mesh,
        compiler_params=pltpu.CompilerParams(needs_layout_passes=False),
        scratch_types=[
            pltpu.VMEM((_C_PER_W,), jnp.int32),
            pltpu.VMEM((_C_PER_W,), jnp.int32),
            pltpu.VMEM((_C_CH, HIDDEN), jnp.float32),
            pltpu.VMEM((_C_CH, HIDDEN), jnp.float32),
            pltpu.VMEM((_C_CH, HIDDEN), jnp.float32),
            pltpu.VMEM((_C_CH, HIDDEN), jnp.float32),
            pltpu.SemaphoreType.DMA,
            pltpu.SemaphoreType.DMA,
            pltpu.SemaphoreType.DMA,
            pltpu.SemaphoreType.DMA,
        ],
    )(out_sorted, p1, p2)


def kernel(hidden_states, gate_w, w1, w2, w3, scales):
    x = hidden_states.reshape(T, HIDDEN)
    logits, pos1, pos2, wa, wb, be, xi = _run_meta(x, gate_w)
    x_sorted, wts_sorted = _run_dispatch(
        pos1.reshape(T), pos2.reshape(T), wa.reshape(T), wb.reshape(T), xi)
    inv_s = (1.0 / scales)[:, None, :]
    out_sorted = _run_gmm(be.reshape(64), x_sorted,
                          (w1 * inv_s).astype(jnp.bfloat16),
                          (w3 * inv_s).astype(jnp.bfloat16),
                          w2.astype(jnp.bfloat16),
                          wts_sorted.reshape(NB, BLK, 1))
    final = _run_combine(out_sorted, pos1.reshape(T), pos2.reshape(T))
    return (final.reshape(B, S, HIDDEN), logits)

# --- scband reference (transcript-rebuilt; emitter-appended) ---
"""Pipeline reference for scband-scaled-mixtral-sparse-moe-block-20280835571725 (READ-ONLY COPY).

The authoritative reference and input builder live on the scoring server;
editing this copy changes nothing except your own understanding.
"""

import jax, jax.numpy as jnp
import numpy as np

B = 2
S = 2048
HIDDEN = 1024
FFN = 3584
E = 8
TOPK = 2


def setup_inputs(seed: int = 0) -> dict:
    key = jax.random.key(seed)
    ks = jax.random.split(key, 6)
    hidden_states = jax.random.normal(ks[0], (B, S, HIDDEN), dtype=jnp.float32)
    gate_w = jax.random.normal(ks[1], (E, HIDDEN), dtype=jnp.float32) * 0.02
    w1 = jax.random.normal(ks[2], (E, FFN, HIDDEN), dtype=jnp.float32) * 0.02
    w3 = jax.random.normal(ks[3], (E, FFN, HIDDEN), dtype=jnp.float32) * 0.02
    w2 = jax.random.normal(ks[4], (E, HIDDEN, FFN), dtype=jnp.float32) * 0.02
    scales = jax.random.uniform(ks[5], (E, HIDDEN), dtype=jnp.float32, minval=0.5, maxval=2.0)
    return {"hidden_states": hidden_states, "gate_w": gate_w, "w1": w1, "w2": w2, "w3": w3, "scales": scales}


def reference(hidden_states, gate_w, w1, w2, w3, scales):
    bsz, seq, hd = hidden_states.shape
    x = hidden_states.reshape(-1, hd)
    # router
    router_logits = x @ gate_w.T
    routing_weights = jax.nn.softmax(router_logits.astype(jnp.float32), axis=1)
    top_w, selected_experts = jax.lax.top_k(routing_weights, TOPK)
    top_w = top_w / jnp.sum(top_w, axis=-1, keepdims=True)
    top_w = top_w.astype(x.dtype)
    final = jnp.zeros_like(x)
    for e in range(E):
        # per-token weight for expert e (0 if not selected) -- math-equivalent to
        # torch.where gather + index_add_ in the original module
        w_e = jnp.sum(jnp.where(selected_experts == e, top_w, 0.0), axis=-1)
        xs = x / scales[e][None, :]
        h = jax.nn.silu(xs @ w1[e].T) * (xs @ w3[e].T)
        out = h @ w2[e].T
        final = final + out * w_e[:, None]
    final = final.reshape(bsz, seq, hd)
    return (final, router_logits)

if __name__ == "__main__":
    import jax
    _d = setup_inputs()
    print(jax.jit(kernel)(*tuple(_d.values())))

</pallas_src>

<mosaic_0001>
#map = affine_map<(d0, d1) -> (0, 0)>
#map1 = affine_map<(d0, d1) -> (0)>
module attributes {stable_mosaic.version = 14 : i64} {
  func.func @_combine_body(%arg0: i32, %arg1: i32, %arg2: memref<10240x1024xf32, #tpu.memory_space<hbm>>, %arg3: memref<4096xi32, #tpu.memory_space<hbm>>, %arg4: memref<4096xi32, #tpu.memory_space<hbm>>, %arg5: memref<4096x1024xf32, #tpu.memory_space<hbm>>, %arg6: memref<128xi32, #tpu.memory_space<vmem>>, %arg7: memref<128xi32, #tpu.memory_space<vmem>>, %arg8: memref<16x1024xf32, #tpu.memory_space<vmem>>, %arg9: memref<16x1024xf32, #tpu.memory_space<vmem>>, %arg10: memref<16x1024xf32, #tpu.memory_space<vmem>>, %arg11: memref<16x1024xf32, #tpu.memory_space<vmem>>, %arg12: memref<!tpu.dma_semaphore, #tpu.memory_space<semaphore_mem>>, %arg13: memref<!tpu.dma_semaphore, #tpu.memory_space<semaphore_mem>>, %arg14: memref<!tpu.dma_semaphore, #tpu.memory_space<semaphore_mem>>, %arg15: memref<!tpu.dma_semaphore, #tpu.memory_space<semaphore_mem>>) attributes {dimension_semantics = [#tpu.dimension_semantics<core_parallel>, #tpu.dimension_semantics<subcore_parallel>], iteration_bounds = array<i64: 2, 16>, scalar_prefetch = 0 : i64, scratch_operands = 10 : i64, tpu.core_type = #tpu.core_type<sc_vector_subcore>, window_params = [{transform_indices = #map}, {transform_indices = #map1}, {transform_indices = #map1}, {transform_indices = #map}]} {
    %mul3A = arith.constant 2 : i32
    %mul3A_0 = arith.muli %arg1, %mul3A : i32
    %add3A = arith.addi %mul3A_0, %arg0 : i32
    %mul3A_1 = arith.constant 128 : i32
    %mul3A_2 = arith.muli %add3A, %mul3A_1 : i32
    "tpu.region"() ({
      %run_scoped3A = tpu.sem_alloc : memref<!tpu.dma_semaphore, #tpu.memory_space<semaphore_mem>>
      %dma_start3A_232 = tpu.memref_slice %arg3[%mul3A_2] : memref<4096xi32, #tpu.memory_space<hbm>> -> memref<128xi32, #tpu.memory_space<hbm>>
      %dma_start3A_233 = tpu.memref_slice %arg3[%mul3A_2] : memref<4096xi32, #tpu.memory_space<hbm>> -> memref<128xi32, #tpu.memory_space<hbm>>
      tpu.enqueue_dma source(%dma_start3A_233 : memref<128xi32, #tpu.memory_space<hbm>>) target(%arg6 : memref<128xi32, #tpu.memory_space<vmem>>) target_semaphore(%run_scoped3A : memref<!tpu.dma_semaphore, #tpu.memory_space<semaphore_mem>>)
      %dma_wait3A_234 = tpu.memref_slice %arg3[%mul3A_2] : memref<4096xi32, #tpu.memory_space<hbm>> -> memref<128xi32, #tpu.memory_space<hbm>>
      %dma_wait3A_235 = tpu.memref_slice %arg3[%mul3A_2] : memref<4096xi32, #tpu.memory_space<hbm>> -> memref<128xi32, #tpu.memory_space<hbm>>
      tpu.wait_dma2 semaphore(%run_scoped3A : memref<!tpu.dma_semaphore, #tpu.memory_space<semaphore_mem>>) src(%dma_wait3A_235 : memref<128xi32, #tpu.memory_space<hbm>>) dst(%arg6 : memref<128xi32, #tpu.memory_space<vmem>>)
      tpu.yield
    }) : () -> ()
    "tpu.region"() ({
      %run_scoped3A = tpu.sem_alloc : memref<!tpu.dma_semaphore, #tpu.memory_space<semaphore_mem>>
      %dma_start3A_232 = tpu.memref_slice %arg4[%mul3A_2] : memref<4096xi32, #tpu.memory_space<hbm>> -> memref<128xi32, #tpu.memory_space<hbm>>
      %dma_start3A_233 = tpu.memref_slice %arg4[%mul3A_2] : memref<4096xi32, #tpu.memory_space<hbm>> -> memref<128xi32, #tpu.memory_space<hbm>>
      tpu.enqueue_dma source(%dma_start3A_233 : memref<128xi32, #tpu.memory_space<hbm>>) target(%arg7 : memref<128xi32, #tpu.memory_space<vmem>>) target_semaphore(%run_scoped3A : memref<!tpu.dma_semaphore, #tpu.memory_space<semaphore_mem>>)
      %dma_wait3A_234 = tpu.memref_slice %arg4[%mul3A_2] : memref<4096xi32, #tpu.memory_space<hbm>> -> memref<128xi32, #tpu.memory_space<hbm>>
      %dma_wait3A_235 = tpu.memref_slice %arg4[%mul3A_2] : memref<4096xi32, #tpu.memory_space<hbm>> -> memref<128xi32, #tpu.memory_space<hbm>>
      tpu.wait_dma2 semaphore(%run_scoped3A : memref<!tpu.dma_semaphore, #tpu.memory_space<semaphore_mem>>) src(%dma_wait3A_235 : memref<128xi32, #tpu.memory_space<hbm>>) dst(%arg7 : memref<128xi32, #tpu.memory_space<vmem>>)
      tpu.yield
    }) : () -> ()
    %dma_start3A = arith.constant 0 : i32
    %dma_start3A_3 = tpu.memref_slice %arg6[%dma_start3A] : memref<128xi32, #tpu.memory_space<vmem>> -> memref<16xi32, #tpu.memory_space<vmem>>
    %dma_start3A_4 = arith.constant 0 : i32
    %dma_start3A_5 = arith.constant 0 : i32
    %dma_start3A_6 = tpu.memref_slice %arg2[%dma_start3A_4, %dma_start3A_5] : memref<10240x1024xf32, #tpu.memory_space<hbm>> -> memref<10240x1024xf32, #tpu.memory_space<hbm>>
    tpu.enqueue_indirect_dma source(%dma_start3A_6 : memref<10240x1024xf32, #tpu.memory_space<hbm>>) target(%arg8 : memref<16x1024xf32, #tpu.memory_space<vmem>>) offsets(%dma_start3A_3 : memref<16xi32, #tpu.memory_space<vmem>>) semaphore(%arg12 : memref<!tpu.dma_semaphore, #tpu.memory_space<semaphore_mem>>)
    %dma_start3A_7 = arith.constant 0 : i32
    %dma_start3A_8 = tpu.memref_slice %arg7[%dma_start3A_7] : memref<128xi32, #tpu.memory_space<vmem>> -> memref<16xi32, #tpu.memory_space<vmem>>
    %dma_start3A_9 = arith.constant 0 : i32
    %dma_start3A_10 = arith.constant 0 : i32
    %dma_start3A_11 = tpu.memref_slice %arg2[%dma_start3A_9, %dma_start3A_10] : memref<10240x1024xf32, #tpu.memory_space<hbm>> -> memref<10240x1024xf32, #tpu.memory_space<hbm>>
    tpu.enqueue_indirect_dma source(%dma_start3A_11 : memref<10240x1024xf32, #tpu.memory_space<hbm>>) target(%arg10 : memref<16x1024xf32, #tpu.memory_space<vmem>>) offsets(%dma_start3A_8 : memref<16xi32, #tpu.memory_space<vmem>>) semaphore(%arg14 : memref<!tpu.dma_semaphore, #tpu.memory_space<semaphore_mem>>)
    %dma_start3A_12 = arith.constant 16 : i32
    %dma_start3A_13 = tpu.memref_slice %arg6[%dma_start3A_12] : memref<128xi32, #tpu.memory_space<vmem>> -> memref<16xi32, #tpu.memory_space<vmem>>
    %dma_start3A_14 = arith.constant 0 : i32
    %dma_start3A_15 = arith.constant 0 : i32
    %dma_start3A_16 = tpu.memref_slice %arg2[%dma_start3A_14, %dma_start3A_15] : memref<10240x1024xf32, #tpu.memory_space<hbm>> -> memref<10240x1024xf32, #tpu.memory_space<hbm>>
    tpu.enqueue_indirect_dma source(%dma_start3A_16 : memref<10240x1024xf32, #tpu.memory_space<hbm>>) target(%arg9 : memref<16x1024xf32, #tpu.memory_space<vmem>>) offsets(%dma_start3A_13 : memref<16xi32, #tpu.memory_space<vmem>>) semaphore(%arg13 : memref<!tpu.dma_semaphore, #tpu.memory_space<semaphore_mem>>)
    %dma_start3A_17 = arith.constant 16 : i32
    %dma_start3A_18 = tpu.memref_slice %arg7[%dma_start3A_17] : memref<128xi32, #tpu.memory_space<vmem>> -> memref<16xi32, #tpu.memory_space<vmem>>
    %dma_start3A_19 = arith.constant 0 : i32
    %dma_start3A_20 = arith.constant 0 : i32
    %dma_start3A_21 = tpu.memref_slice %arg2[%dma_start3A_19, %dma_start3A_20] : memref<10240x1024xf32, #tpu.memory_space<hbm>> -> memref<10240x1024xf32, #tpu.memory_space<hbm>>
    tpu.enqueue_indirect_dma source(%dma_start3A_21 : memref<10240x1024xf32, #tpu.memory_space<hbm>>) target(%arg11 : memref<16x1024xf32, #tpu.memory_space<vmem>>) offsets(%dma_start3A_18 : memref<16xi32, #tpu.memory_space<vmem>>) semaphore(%arg15 : memref<!tpu.dma_semaphore, #tpu.memory_space<semaphore_mem>>)
    %dma_wait3A = arith.constant 0 : i32
    %dma_wait3A_22 = tpu.memref_slice %arg6[%dma_wait3A] : memref<128xi32, #tpu.memory_space<vmem>> -> memref<16xi32, #tpu.memory_space<vmem>>
    %dma_wait3A_23 = arith.constant 0 : i32
    %dma_wait3A_24 = arith.constant 0 : i32
    %dma_wait3A_25 = tpu.memref_slice %arg2[%dma_wait3A_23, %dma_wait3A_24] : memref<10240x1024xf32, #tpu.memory_space<hbm>> -> memref<10240x1024xf32, #tpu.memory_space<hbm>>
    tpu.wait_indirect_dma semaphore(%arg12 : memref<!tpu.dma_semaphore, #tpu.memory_space<semaphore_mem>>) src(%dma_wait3A_25 : memref<10240x1024xf32, #tpu.memory_space<hbm>>) dst(%arg8 : memref<16x1024xf32, #tpu.memory_space<vmem>>)
    %dma_wait3A_26 = arith.constant 0 : i32
    %dma_wait3A_27 = tpu.memref_slice %arg7[%dma_wait3A_26] : memref<128xi32, #tpu.memory_space<vmem>> -> memref<16xi32, #tpu.memory_space<vmem>>
    %dma_wait3A_28 = arith.constant 0 : i32
    %dma_wait3A_29 = arith.constant 0 : i32
    %dma_wait3A_30 = tpu.memref_slice %arg2[%dma_wait3A_28, %dma_wait3A_29] : memref<10240x1024xf32, #tpu.memory_space<hbm>> -> memref<10240x1024xf32, #tpu.memory_space<hbm>>
    tpu.wait_indirect_dma semaphore(%arg14 : memref<!tpu.dma_semaphore, #tpu.memory_space<semaphore_mem>>) src(%dma_wait3A_30 : memref<10240x1024xf32, #tpu.memory_space<hbm>>) dst(%arg10 : memref<16x1024xf32, #tpu.memory_space<vmem>>)
    %scan3A = arith.constant 0 : i32
    %scan3A_31 = arith.constant 0 : i32
    %scan3A_32 = arith.constant 16 : i32
    %scan3A_33 = arith.addi %scan3A_31, %scan3A_32 : i32
    %scan3A_34 = arith.constant 1 : i32
    %scan3A_35 = scf.for %scan3A_232 = %scan3A_31 to %scan3A_33 step %scan3A_34 iter_args(%scan3A_233 = %scan3A) -> (i32)  : i32 {
      %scan3A_234 = arith.constant 0 : i32
      %scan3A_235 = arith.constant 0 : i32
      %scan3A_236 = arith.constant 64 : i32
      %scan3A_237 = arith.addi %scan3A_235, %scan3A_236 : i32
      %scan3A_238 = arith.constant 1 : i32
      %scan3A_239 = scf.for %scan3A_242 = %scan3A_235 to %scan3A_237 step %scan3A_238 iter_args(%scan3A_243 = %scan3A_234) -> (i32)  : i32 {
        %mul3A_244 = arith.constant 16 : i32
        %mul3A_245 = arith.muli %scan3A_242, %mul3A_244 : i32
        %get3A = arith.index_cast %scan3A_232 : i32 to index
        %get3A_246 = arith.index_cast %mul3A_245 : i32 to index
        %get3A_247 = tpu.vector_load %arg8[%get3A, %get3A_246] {strides = array<i32>} : memref<16x1024xf32, #tpu.memory_space<vmem>>, vector<16xf32>,
        %mul3A_248 = arith.constant 16 : i32
        %mul3A_249 = arith.muli %scan3A_242, %mul3A_248 : i32
        %get3A_250 = arith.index_cast %scan3A_232 : i32 to index
        %get3A_251 = arith.index_cast %mul3A_249 : i32 to index
        %get3A_252 = tpu.vector_load %arg10[%get3A_250, %get3A_251] {strides = array<i32>} : memref<16x1024xf32, #tpu.memory_space<vmem>>, vector<16xf32>,
        %add3A_253 = arith.addf %get3A_247, %get3A_252 : vector<16xf32>
        %mul3A_254 = arith.constant 16 : i32
        %mul3A_255 = arith.muli %scan3A_242, %mul3A_254 : i32
        %swap3A = arith.index_cast %scan3A_232 : i32 to index
        %swap3A_256 = arith.index_cast %mul3A_255 : i32 to index
        %swap3A_257 = tpu.vector_load %arg8[%swap3A, %swap3A_256] {strides = array<i32>} : memref<16x1024xf32, #tpu.memory_space<vmem>>, vector<16xf32>,
        tpu.vector_store %arg8[%swap3A, %swap3A_256], %add3A_253 {strides = array<i32>} : memref<16x1024xf32, #tpu.memory_space<vmem>>, vector<16xf32>,
        %scan3A_258 = arith.constant 0 : i32
        scf.yield %scan3A_258 : i32
      }
      %scan3A_240 = arith.constant 64 : i32
      %scan3A_241 = arith.constant 0 : i32
      scf.yield %scan3A_241 : i32
    }
    %scan3A_36 = arith.constant 16 : i32
    %add3A_37 = arith.constant 0 : i32
    %add3A_38 = arith.addi %mul3A_2, %add3A_37 : i32
    "tpu.region"() ({
      %run_scoped3A = tpu.sem_alloc : memref<!tpu.dma_semaphore, #tpu.memory_space<semaphore_mem>>
      %dma_start3A_232 = arith.constant 0 : i32
      %dma_start3A_233 = tpu.memref_slice %arg5[%add3A_38, %dma_start3A_232] : memref<4096x1024xf32, #tpu.memory_space<hbm>> -> memref<16x1024xf32, #tpu.memory_space<hbm>>
      %dma_start3A_234 = arith.constant 0 : i32
      %dma_start3A_235 = tpu.memref_slice %arg5[%add3A_38, %dma_start3A_234] : memref<4096x1024xf32, #tpu.memory_space<hbm>> -> memref<16x1024xf32, #tpu.memory_space<hbm>>
      tpu.enqueue_dma source(%arg8 : memref<16x1024xf32, #tpu.memory_space<vmem>>) target(%dma_start3A_235 : memref<16x1024xf32, #tpu.memory_space<hbm>>) target_semaphore(%run_scoped3A : memref<!tpu.dma_semaphore, #tpu.memory_space<semaphore_mem>>)
      %dma_wait3A_236 = arith.constant 0 : i32
      %dma_wait3A_237 = tpu.memref_slice %arg5[%add3A_38, %dma_wait3A_236] : memref<4096x1024xf32, #tpu.memory_space<hbm>> -> memref<16x1024xf32, #tpu.memory_space<hbm>>
      %dma_wait3A_238 = arith.constant 0 : i32
      %dma_wait3A_239 = tpu.memref_slice %arg5[%add3A_38, %dma_wait3A_238] : memref<4096x1024xf32, #tpu.memory_space<hbm>> -> memref<16x1024xf32, #tpu.memory_space<hbm>>
      tpu.wait_dma2 semaphore(%run_scoped3A : memref<!tpu.dma_semaphore, #tpu.memory_space<semaphore_mem>>) src(%arg8 : memref<16x1024xf32, #tpu.memory_space<vmem>>) dst(%dma_wait3A_239 : memref<16x1024xf32, #tpu.memory_space<hbm>>)
      tpu.yield
    }) : () -> ()
    %dma_start3A_39 = arith.constant 32 : i32
    %dma_start3A_40 = tpu.memref_slice %arg6[%dma_start3A_39] : memref<128xi32, #tpu.memory_space<vmem>> -> memref<16xi32, #tpu.memory_space<vmem>>
    %dma_start3A_41 = arith.constant 0 : i32
    %dma_start3A_42 = arith.constant 0 : i32
    %dma_start3A_43 = tpu.memref_slice %arg2[%dma_start3A_41, %dma_start3A_42] : memref<10240x1024xf32, #tpu.memory_space<hbm>> -> memref<10240x1024xf32, #tpu.memory_space<hbm>>
    tpu.enqueue_indirect_dma source(%dma_start3A_43 : memref<10240x1024xf32, #tpu.memory_space<hbm>>) target(%arg8 : memref<16x1024xf32, #tpu.memory_space<vmem>>) offsets(%dma_start3A_40 : memref<16xi32, #tpu.memory_space<vmem>>) semaphore(%arg12 : memref<!tpu.dma_semaphore, #tpu.memory_space<semaphore_mem>>)
    %dma_start3A_44 = arith.constant 32 : i32
    %dma_start3A_45 = tpu.memref_slice %arg7[%dma_start3A_44] : memref<128xi32, #tpu.memory_space<vmem>> -> memref<16xi32, #tpu.memory_space<vmem>>
    %dma_start3A_46 = arith.constant 0 : i32
    %dma_start3A_47 = arith.constant 0 : i32
    %dma_start3A_48 = tpu.memref_slice %arg2[%dma_start3A_46, %dma_start3A_47] : memref<10240x1024xf32, #tpu.memory_space<hbm>> -> memref<10240x1024xf32, #tpu.memory_space<hbm>>
    tpu.enqueue_indirect_dma source(%dma_start3A_48 : memref<10240x1024xf32, #tpu.memory_space<hbm>>) target(%arg10 : memref<16x1024xf32, #tpu.memory_space<vmem>>) offsets(%dma_start3A_45 : memref<16xi32, #tpu.memory_space<vmem>>) semaphore(%arg14 : memref<!tpu.dma_semaphore, #tpu.memory_space<semaphore_mem>>)
    %dma_wait3A_49 = arith.constant 16 : i32
    %dma_wait3A_50 = tpu.memref_slice %arg6[%dma_wait3A_49] : memref<128xi32, #tpu.memory_space<vmem>> -> memref<16xi32, #tpu.memory_space<vmem>>
    %dma_wait3A_51 = arith.constant 0 : i32
    %dma_wait3A_52 = arith.constant 0 : i32
    %dma_wait3A_53 = tpu.memref_slice %arg2[%dma_wait3A_51, %dma_wait3A_52] : memref<10240x1024xf32, #tpu.memory_space<hbm>> -> memref<10240x1024xf32, #tpu.memory_space<hbm>>
    tpu.wait_indirect_dma semaphore(%arg13 : memref<!tpu.dma_semaphore, #tpu.memory_space<semaphore_mem>>) src(%dma_wait3A_53 : memref<10240x1024xf32, #tpu.memory_space<hbm>>) dst(%arg9 : memref<16x1024xf32, #tpu.memory_space<vmem>>)
    %dma_wait3A_54 = arith.constant 16 : i32
    %dma_wait3A_55 = tpu.memref_slice %arg7[%dma_wait3A_54] : memref<128xi32, #tpu.memory_space<vmem>> -> memref<16xi32, #tpu.memory_space<vmem>>
    %dma_wait3A_56 = arith.constant 0 : i32
    %dma_wait3A_57 = arith.constant 0 : i32
    %dma_wait3A_58 = tpu.memref_slice %arg2[%dma_wait3A_56, %dma_wait3A_57] : memref<10240x1024xf32, #tpu.memory_space<hbm>> -> memref<10240x1024xf32, #tpu.memory_space<hbm>>
    tpu.wait_indirect_dma semaphore(%arg15 : memref<!tpu.dma_semaphore, #tpu.memory_space<semaphore_mem>>) src(%dma_wait3A_58 : memref<10240x1024xf32, #tpu.memory_space<hbm>>) dst(%arg11 : memref<16x1024xf32, #tpu.memory_space<vmem>>)
    %scan3A_59 = arith.constant 0 : i32
    %scan3A_60 = arith.constant 0 : i32
    %scan3A_61 = arith.constant 16 : i32
    %scan3A_62 = arith.addi %scan3A_60, %scan3A_61 : i32
    %scan3A_63 = arith.constant 1 : i32
    %scan3A_64 = scf.for %scan3A_232 = %scan3A_60 to %scan3A_62 step %scan3A_63 iter_args(%scan3A_233 = %scan3A_59) -> (i32)  : i32 {
      %scan3A_234 = arith.constant 0 : i32
      %scan3A_235 = arith.constant 0 : i32
      %scan3A_236 = arith.constant 64 : i32
      %scan3A_237 = arith.addi %scan3A_235, %scan3A_236 : i32
      %scan3A_238 = arith.constant 1 : i32
      %scan3A_239 = scf.for %scan3A_242 = %scan3A_235 to %scan3A_237 step %scan3A_238 iter_args(%scan3A_243 = %scan3A_234) -> (i32)  : i32 {
        %mul3A_244 = arith.constant 16 : i32
        %mul3A_245 = arith.muli %scan3A_242, %mul3A_244 : i32
        %get3A = arith.index_cast %scan3A_232 : i32 to index
        %get3A_246 = arith.index_cast %mul3A_245 : i32 to index
        %get3A_247 = tpu.vector_load %arg9[%get3A, %get3A_246] {strides = array<i32>} : memref<16x1024xf32, #tpu.memory_space<vmem>>, vector<16xf32>,
        %mul3A_248 = arith.constant 16 : i32
        %mul3A_249 = arith.muli %scan3A_242, %mul3A_248 : i32
        %get3A_250 = arith.index_cast %scan3A_232 : i32 to index
        %get3A_251 = arith.index_cast %mul3A_249 : i32 to index
        %get3A_252 = tpu.vector_load %arg11[%get3A_250, %get3A_251] {strides = array<i32>} : memref<16x1024xf32, #tpu.memory_space<vmem>>, vector<16xf32>,
        %add3A_253 = arith.addf %get3A_247, %get3A_252 : vector<16xf32>
        %mul3A_254 = arith.constant 16 : i32
        %mul3A_255 = arith.muli %scan3A_242, %mul3A_254 : i32
        %swap3A = arith.index_cast %scan3A_232 : i32 to index
        %swap3A_256 = arith.index_cast %mul3A_255 : i32 to index
        %swap3A_257 = tpu.vector_load %arg9[%swap3A, %swap3A_256] {strides = array<i32>} : memref<16x1024xf32, #tpu.memory_space<vmem>>, vector<16xf32>,
        tpu.vector_store %arg9[%swap3A, %swap3A_256], %add3A_253 {strides = array<i32>} : memref<16x1024xf32, #tpu.memory_space<vmem>>, vector<16xf32>,
        %scan3A_258 = arith.constant 0 : i32
        scf.yield %scan3A_258 : i32
      }
      %scan3A_240 = arith.constant 64 : i32
      %scan3A_241 = arith.constant 0 : i32
      scf.yield %scan3A_241 : i32
    }
    %scan3A_65 = arith.constant 16 : i32
    %add3A_66 = arith.constant 16 : i32
    %add3A_67 = arith.addi %mul3A_2, %add3A_66 : i32
    "tpu.region"() ({
      %run_scoped3A = tpu.sem_alloc : memref<!tpu.dma_semaphore, #tpu.memory_space<semaphore_mem>>
      %dma_start3A_232 = arith.constant 0 : i32
      %dma_start3A_233 = tpu.memref_slice %arg5[%add3A_67, %dma_start3A_232] : memref<4096x1024xf32, #tpu.memory_space<hbm>> -> memref<16x1024xf32, #tpu.memory_space<hbm>>
      %dma_start3A_234 = arith.constant 0 : i32
      %dma_start3A_235 = tpu.memref_slice %arg5[%add3A_67, %dma_start3A_234] : memref<4096x1024xf32, #tpu.memory_space<hbm>> -> memref<16x1024xf32, #tpu.memory_space<hbm>>
      tpu.enqueue_dma source(%arg9 : memref<16x1024xf32, #tpu.memory_space<vmem>>) target(%dma_start3A_235 : memref<16x1024xf32, #tpu.memory_space<hbm>>) target_semaphore(%run_scoped3A : memref<!tpu.dma_semaphore, #tpu.memory_space<semaphore_mem>>)
      %dma_wait3A_236 = arith.constant 0 : i32
      %dma_wait3A_237 = tpu.memref_slice %arg5[%add3A_67, %dma_wait3A_236] : memref<4096x1024xf32, #tpu.memory_space<hbm>> -> memref<16x1024xf32, #tpu.memory_space<hbm>>
      %dma_wait3A_238 = arith.constant 0 : i32
      %dma_wait3A_239 = tpu.memref_slice %arg5[%add3A_67, %dma_wait3A_238] : memref<4096x1024xf32, #tpu.memory_space<hbm>> -> memref<16x1024xf32, #tpu.memory_space<hbm>>
      tpu.wait_dma2 semaphore(%run_scoped3A : memref<!tpu.dma_semaphore, #tpu.memory_space<semaphore_mem>>) src(%arg9 : memref<16x1024xf32, #tpu.memory_space<vmem>>) dst(%dma_wait3A_239 : memref<16x1024xf32, #tpu.memory_space<hbm>>)
      tpu.yield
    }) : () -> ()
    %dma_start3A_68 = arith.constant 48 : i32
    %dma_start3A_69 = tpu.memref_slice %arg6[%dma_start3A_68] : memref<128xi32, #tpu.memory_space<vmem>> -> memref<16xi32, #tpu.memory_space<vmem>>
    %dma_start3A_70 = arith.constant 0 : i32
    %dma_start3A_71 = arith.constant 0 : i32
    %dma_start3A_72 = tpu.memref_slice %arg2[%dma_start3A_70, %dma_start3A_71] : memref<10240x1024xf32, #tpu.memory_space<hbm>> -> memref<10240x1024xf32, #tpu.memory_space<hbm>>
    tpu.enqueue_indirect_dma source(%dma_start3A_72 : memref<10240x1024xf32, #tpu.memory_space<hbm>>) target(%arg9 : memref<16x1024xf32, #tpu.memory_space<vmem>>) offsets(%dma_start3A_69 : memref<16xi32, #tpu.memory_space<vmem>>) semaphore(%arg13 : memref<!tpu.dma_semaphore, #tpu.memory_space<semaphore_mem>>)
    %dma_start3A_73 = arith.constant 48 : i32
    %dma_start3A_74 = tpu.memref_slice %arg7[%dma_start3A_73] : memref<128xi32, #tpu.memory_space<vmem>> -> memref<16xi32, #tpu.memory_space<vmem>>
    %dma_start3A_75 = arith.constant 0 : i32
    %dma_start3A_76 = arith.constant 0 : i32
    %dma_start3A_77 = tpu.memref_slice %arg2[%dma_start3A_75, %dma_start3A_76] : memref<10240x1024xf32, #tpu.memory_space<hbm>> -> memref<10240x1024xf32, #tpu.memory_space<hbm>>
    tpu.enqueue_indirect_dma source(%dma_start3A_77 : memref<10240x1024xf32, #tpu.memory_space<hbm>>) target(%arg11 : memref<16x1024xf32, #tpu.memory_space<vmem>>) offsets(%dma_start3A_74 : memref<16xi32, #tpu.memory_space<vmem>>) semaphore(%arg15 : memref<!tpu.dma_semaphore, #tpu.memory_space<semaphore_mem>>)
    %dma_wait3A_78 = arith.constant 32 : i32
    %dma_wait3A_79 = tpu.memref_slice %arg6[%dma_wait3A_78] : memref<128xi32, #tpu.memory_space<vmem>> -> memref<16xi32, #tpu.memory_space<vmem>>
    %dma_wait3A_80 = arith.constant 0 : i32
    %dma_wait3A_81 = arith.constant 0 : i32
    %dma_wait3A_82 = tpu.memref_slice %arg2[%dma_wait3A_80, %dma_wait3A_81] : memref<10240x1024xf32, #tpu.memory_space<hbm>> -> memref<10240x1024xf32, #tpu.memory_space<hbm>>
    tpu.wait_indirect_dma semaphore(%arg12 : memref<!tpu.dma_semaphore, #tpu.memory_space<semaphore_mem>>) src(%dma_wait3A_82 : memref<10240x1024xf32, #tpu.memory_space<hbm>>) dst(%arg8 : memref<16x1024xf32, #tpu.memory_space<vmem>>)
    %dma_wait3A_83 = arith.constant 32 : i32
    %dma_wait3A_84 = tpu.memref_slice %arg7[%dma_wait3A_83] : memref<128xi32, #tpu.memory_space<vmem>> -> memref<16xi32, #tpu.memory_space<vmem>>
    %dma_wait3A_85 = arith.constant 0 : i32
    %dma_wait3A_86 = arith.constant 0 : i32
    %dma_wait3A_87 = tpu.memref_slice %arg2[%dma_wait3A_85, %dma_wait3A_86] : memref<10240x1024xf32, #tpu.memory_space<hbm>> -> memref<10240x1024xf32, #tpu.memory_space<hbm>>
    tpu.wait_indirect_dma semaphore(%arg14 : memref<!tpu.dma_semaphore, #tpu.memory_space<semaphore_mem>>) src(%dma_wait3A_87 : memref<10240x1024xf32, #tpu.memory_space<hbm>>) dst(%arg10 : memref<16x1024xf32, #tpu.memory_space<vmem>>)
    %scan3A_88 = arith.constant 0 : i32
    %scan3A_89 = arith.constant 0 : i32
    %scan3A_90 = arith.constant 16 : i32
    %scan3A_91 = arith.addi %scan3A_89, %scan3A_90 : i32
    %scan3A_92 = arith.constant 1 : i32
    %scan3A_93 = scf.for %scan3A_232 = %scan3A_89 to %scan3A_91 step %scan3A_92 iter_args(%scan3A_233 = %scan3A_88) -> (i32)  : i32 {
      %scan3A_234 = arith.constant 0 : i32
      %scan3A_235 = arith.constant 0 : i32
      %scan3A_236 = arith.constant 64 : i32
      %scan3A_237 = arith.addi %scan3A_235, %scan3A_236 : i32
      %scan3A_238 = arith.constant 1 : i32
      %scan3A_239 = scf.for %scan3A_242 = %scan3A_235 to %scan3A_237 step %scan3A_238 iter_args(%scan3A_243 = %scan3A_234) -> (i32)  : i32 {
        %mul3A_244 = arith.constant 16 : i32
        %mul3A_245 = arith.muli %scan3A_242, %mul3A_244 : i32
        %get3A = arith.index_cast %scan3A_232 : i32 to index
        %get3A_246 = arith.index_cast %mul3A_245 : i32 to index
        %get3A_247 = tpu.vector_load %arg8[%get3A, %get3A_246] {strides = array<i32>} : memref<16x1024xf32, #tpu.memory_space<vmem>>, vector<16xf32>,
        %mul3A_248 = arith.constant 16 : i32
        %mul3A_249 = arith.muli %scan3A_242, %mul3A_248 : i32
        %get3A_250 = arith.index_cast %scan3A_232 : i32 to index
        %get3A_251 = arith.index_cast %mul3A_249 : i32 to index
        %get3A_252 = tpu.vector_load %arg10[%get3A_250, %get3A_251] {strides = array<i32>} : memref<16x1024xf32, #tpu.memory_space<vmem>>, vector<16xf32>,
        %add3A_253 = arith.addf %get3A_247, %get3A_252 : vector<16xf32>
        %mul3A_254 = arith.constant 16 : i32
        %mul3A_255 = arith.muli %scan3A_242, %mul3A_254 : i32
        %swap3A = arith.index_cast %scan3A_232 : i32 to index
        %swap3A_256 = arith.index_cast %mul3A_255 : i32 to index
        %swap3A_257 = tpu.vector_load %arg8[%swap3A, %swap3A_256] {strides = array<i32>} : memref<16x1024xf32, #tpu.memory_space<vmem>>, vector<16xf32>,
        tpu.vector_store %arg8[%swap3A, %swap3A_256], %add3A_253 {strides = array<i32>} : memref<16x1024xf32, #tpu.memory_space<vmem>>, vector<16xf32>,
        %scan3A_258 = arith.constant 0 : i32
        scf.yield %scan3A_258 : i32
      }
      %scan3A_240 = arith.constant 64 : i32
      %scan3A_241 = arith.constant 0 : i32
      scf.yield %scan3A_241 : i32
    }
    %scan3A_94 = arith.constant 16 : i32
    %add3A_95 = arith.constant 32 : i32
    %add3A_96 = arith.addi %mul3A_2, %add3A_95 : i32
    "tpu.region"() ({
      %run_scoped3A = tpu.sem_alloc : memref<!tpu.dma_semaphore, #tpu.memory_space<semaphore_mem>>
      %dma_start3A_232 = arith.constant 0 : i32
      %dma_start3A_233 = tpu.memref_slice %arg5[%add3A_96, %dma_start3A_232] : memref<4096x1024xf32, #tpu.memory_space<hbm>> -> memref<16x1024xf32, #tpu.memory_space<hbm>>
      %dma_start3A_234 = arith.constant 0 : i32
      %dma_start3A_235 = tpu.memref_slice %arg5[%add3A_96, %dma_start3A_234] : memref<4096x1024xf32, #tpu.memory_space<hbm>> -> memref<16x1024xf32, #tpu.memory_space<hbm>>
      tpu.enqueue_dma source(%arg8 : memref<16x1024xf32, #tpu.memory_space<vmem>>) target(%dma_start3A_235 : memref<16x1024xf32, #tpu.memory_space<hbm>>) target_semaphore(%run_scoped3A : memref<!tpu.dma_semaphore, #tpu.memory_space<semaphore_mem>>)
      %dma_wait3A_236 = arith.constant 0 : i32
      %dma_wait3A_237 = tpu.memref_slice %arg5[%add3A_96, %dma_wait3A_236] : memref<4096x1024xf32, #tpu.memory_space<hbm>> -> memref<16x1024xf32, #tpu.memory_space<hbm>>
      %dma_wait3A_238 = arith.constant 0 : i32
      %dma_wait3A_239 = tpu.memref_slice %arg5[%add3A_96, %dma_wait3A_238] : memref<4096x1024xf32, #tpu.memory_space<hbm>> -> memref<16x1024xf32, #tpu.memory_space<hbm>>
      tpu.wait_dma2 semaphore(%run_scoped3A : memref<!tpu.dma_semaphore, #tpu.memory_space<semaphore_mem>>) src(%arg8 : memref<16x1024xf32, #tpu.memory_space<vmem>>) dst(%dma_wait3A_239 : memref<16x1024xf32, #tpu.memory_space<hbm>>)
      tpu.yield
    }) : () -> ()
    %dma_start3A_97 = arith.constant 64 : i32
    %dma_start3A_98 = tpu.memref_slice %arg6[%dma_start3A_97] : memref<128xi32, #tpu.memory_space<vmem>> -> memref<16xi32, #tpu.memory_space<vmem>>
    %dma_start3A_99 = arith.constant 0 : i32
    %dma_start3A_100 = arith.constant 0 : i32
    %dma_start3A_101 = tpu.memref_slice %arg2[%dma_start3A_99, %dma_start3A_100] : memref<10240x1024xf32, #tpu.memory_space<hbm>> -> memref<10240x1024xf32, #tpu.memory_space<hbm>>
    tpu.enqueue_indirect_dma source(%dma_start3A_101 : memref<10240x1024xf32, #tpu.memory_space<hbm>>) target(%arg8 : memref<16x1024xf32, #tpu.memory_space<vmem>>) offsets(%dma_start3A_98 : memref<16xi32, #tpu.memory_space<vmem>>) semaphore(%arg12 : memref<!tpu.dma_semaphore, #tpu.memory_space<semaphore_mem>>)
    %dma_start3A_102 = arith.constant 64 : i32
    %dma_start3A_103 = tpu.memref_slice %arg7[%dma_start3A_102] : memref<128xi32, #tpu.memory_space<vmem>> -> memref<16xi32, #tpu.memory_space<vmem>>
    %dma_start3A_104 = arith.constant 0 : i32
    %dma_start3A_105 = arith.constant 0 : i32
    %dma_start3A_106 = tpu.memref_slice %arg2[%dma_start3A_104, %dma_start3A_105] : memref<10240x1024xf32, #tpu.memory_space<hbm>> -> memref<10240x1024xf32, #tpu.memory_space<hbm>>
    tpu.enqueue_indirect_dma source(%dma_start3A_106 : memref<10240x1024xf32, #tpu.memory_space<hbm>>) target(%arg10 : memref<16x1024xf32, #tpu.memory_space<vmem>>) offsets(%dma_start3A_103 : memref<16xi32, #tpu.memory_space<vmem>>) semaphore(%arg14 : memref<!tpu.dma_semaphore, #tpu.memory_space<semaphore_mem>>)
    %dma_wait3A_107 = arith.constant 48 : i32
    %dma_wait3A_108 = tpu.memref_slice %arg6[%dma_wait3A_107] : memref<128xi32, #tpu.memory_space<vmem>> -> memref<16xi32, #tpu.memory_space<vmem>>
    %dma_wait3A_109 = arith.constant 0 : i32
    %dma_wait3A_110 = arith.constant 0 : i32
    %dma_wait3A_111 = tpu.memref_slice %arg2[%dma_wait3A_109, %dma_wait3A_110] : memref<10240x1024xf32, #tpu.memory_space<hbm>> -> memref<10240x1024xf32, #tpu.memory_space<hbm>>
    tpu.wait_indirect_dma semaphore(%arg13 : memref<!tpu.dma_semaphore, #tpu.memory_space<semaphore_mem>>) src(%dma_wait3A_111 : memref<10240x1024xf32, #tpu.memory_space<hbm>>) dst(%arg9 : memref<16x1024xf32, #tpu.memory_space<vmem>>)
    %dma_wait3A_112 = arith.constant 48 : i32
    %dma_wait3A_113 = tpu.memref_slice %arg7[%dma_wait3A_112] : memref<128xi32, #tpu.memory_space<vmem>> -> memref<16xi32, #tpu.memory_space<vmem>>
    %dma_wait3A_114 = arith.constant 0 : i32
    %dma_wait3A_115 = arith.constant 0 : i32
    %dma_wait3A_116 = tpu.memref_slice %arg2[%dma_wait3A_114, %dma_wait3A_115] : memref<10240x1024xf32, #tpu.memory_space<hbm>> -> memref<10240x1024xf32, #tpu.memory_space<hbm>>
    tpu.wait_indirect_dma semaphore(%arg15 : memref<!tpu.dma_semaphore, #tpu.memory_space<semaphore_mem>>) src(%dma_wait3A_116 : memref<10240x1024xf32, #tpu.memory_space<hbm>>) dst(%arg11 : memref<16x1024xf32, #tpu.memory_space<vmem>>)
    %scan3A_117 = arith.constant 0 : i32
    %scan3A_118 = arith.constant 0 : i32
    %scan3A_119 = arith.constant 16 : i32
    %scan3A_120 = arith.addi %scan3A_118, %scan3A_119 : i32
    %scan3A_121 = arith.constant 1 : i32
    %scan3A_122 = scf.for %scan3A_232 = %scan3A_118 to %scan3A_120 step %scan3A_121 iter_args(%scan3A_233 = %scan3A_117) -> (i32)  : i32 {
      %scan3A_234 = arith.constant 0 : i32
      %scan3A_235 = arith.constant 0 : i32
      %scan3A_236 = arith.constant 64 : i32
      %scan3A_237 = arith.addi %scan3A_235, %scan3A_236 : i32
      %scan3A_238 = arith.constant 1 : i32
      %scan3A_239 = scf.for %scan3A_242 = %scan3A_235 to %scan3A_237 step %scan3A_238 iter_args(%scan3A_243 = %scan3A_234) -> (i32)  : i32 {
        %mul3A_244 = arith.constant 16 : i32
        %mul3A_245 = arith.muli %scan3A_242, %mul3A_244 : i32
        %get3A = arith.index_cast %scan3A_232 : i32 to index
        %get3A_246 = arith.index_cast %mul3A_245 : i32 to index
        %get3A_247 = tpu.vector_load %arg9[%get3A, %get3A_246] {strides = array<i32>} : memref<16x1024xf32, #tpu.memory_space<vmem>>, vector<16xf32>,
        %mul3A_248 = arith.constant 16 : i32
        %mul3A_249 = arith.muli %scan3A_242, %mul3A_248 : i32
        %get3A_250 = arith.index_cast %scan3A_232 : i32 to index
        %get3A_251 = arith.index_cast %mul3A_249 : i32 to index
        %get3A_252 = tpu.vector_load %arg11[%get3A_250, %get3A_251] {strides = array<i32>} : memref<16x1024xf32, #tpu.memory_space<vmem>>, vector<16xf32>,
        %add3A_253 = arith.addf %get3A_247, %get3A_252 : vector<16xf32>
        %mul3A_254 = arith.constant 16 : i32
        %mul3A_255 = arith.muli %scan3A_242, %mul3A_254 : i32
        %swap3A = arith.index_cast %scan3A_232 : i32 to index
        %swap3A_256 = arith.index_cast %mul3A_255 : i32 to index
        %swap3A_257 = tpu.vector_load %arg9[%swap3A, %swap3A_256] {strides = array<i32>} : memref<16x1024xf32, #tpu.memory_space<vmem>>, vector<16xf32>,
        tpu.vector_store %arg9[%swap3A, %swap3A_256], %add3A_253 {strides = array<i32>} : memref<16x1024xf32, #tpu.memory_space<vmem>>, vector<16xf32>,
        %scan3A_258 = arith.constant 0 : i32
        scf.yield %scan3A_258 : i32
      }
      %scan3A_240 = arith.constant 64 : i32
      %scan3A_241 = arith.constant 0 : i32
      scf.yield %scan3A_241 : i32
    }
    %scan3A_123 = arith.constant 16 : i32
    %add3A_124 = arith.constant 48 : i32
    %add3A_125 = arith.addi %mul3A_2, %add3A_124 : i32
    "tpu.region"() ({
      %run_scoped3A = tpu.sem_alloc : memref<!tpu.dma_semaphore, #tpu.memory_space<semaphore_mem>>
      %dma_start3A_232 = arith.constant 0 : i32
      %dma_start3A_233 = tpu.memref_slice %arg5[%add3A_125, %dma_start3A_232] : memref<4096x1024xf32, #tpu.memory_space<hbm>> -> memref<16x1024xf32, #tpu.memory_space<hbm>>
      %dma_start3A_234 = arith.constant 0 : i32
      %dma_start3A_235 = tpu.memref_slice %arg5[%add3A_125, %dma_start3A_234] : memref<4096x1024xf32, #tpu.memory_space<hbm>> -> memref<16x1024xf32, #tpu.memory_space<hbm>>
      tpu.enqueue_dma source(%arg9 : memref<16x1024xf32, #tpu.memory_space<vmem>>) target(%dma_start3A_235 : memref<16x1024xf32, #tpu.memory_space<hbm>>) target_semaphore(%run_scoped3A : memref<!tpu.dma_semaphore, #tpu.memory_space<semaphore_mem>>)
      %dma_wait3A_236 = arith.constant 0 : i32
      %dma_wait3A_237 = tpu.memref_slice %arg5[%add3A_125, %dma_wait3A_236] : memref<4096x1024xf32, #tpu.memory_space<hbm>> -> memref<16x1024xf32, #tpu.memory_space<hbm>>
      %dma_wait3A_238 = arith.constant 0 : i32
      %dma_wait3A_239 = tpu.memref_slice %arg5[%add3A_125, %dma_wait3A_238] : memref<4096x1024xf32, #tpu.memory_space<hbm>> -> memref<16x1024xf32, #tpu.memory_space<hbm>>
      tpu.wait_dma2 semaphore(%run_scoped3A : memref<!tpu.dma_semaphore, #tpu.memory_space<semaphore_mem>>) src(%arg9 : memref<16x1024xf32, #tpu.memory_space<vmem>>) dst(%dma_wait3A_239 : memref<16x1024xf32, #tpu.memory_space<hbm>>)
      tpu.yield
    }) : () -> ()
    %dma_start3A_126 = arith.constant 80 : i32
    %dma_start3A_127 = tpu.memref_slice %arg6[%dma_start3A_126] : memref<128xi32, #tpu.memory_space<vmem>> -> memref<16xi32, #tpu.memory_space<vmem>>
    %dma_start3A_128 = arith.constant 0 : i32
    %dma_start3A_129 = arith.constant 0 : i32
    %dma_start3A_130 = tpu.memref_slice %arg2[%dma_start3A_128, %dma_start3A_129] : memref<10240x1024xf32, #tpu.memory_space<hbm>> -> memref<10240x1024xf32, #tpu.memory_space<hbm>>
    tpu.enqueue_indirect_dma source(%dma_start3A_130 : memref<10240x1024xf32, #tpu.memory_space<hbm>>) target(%arg9 : memref<16x1024xf32, #tpu.memory_space<vmem>>) offsets(%dma_start3A_127 : memref<16xi32, #tpu.memory_space<vmem>>) semaphore(%arg13 : memref<!tpu.dma_semaphore, #tpu.memory_space<semaphore_mem>>)
    %dma_start3A_131 = arith.constant 80 : i32
    %dma_start3A_132 = tpu.memref_slice %arg7[%dma_start3A_131] : memref<128xi32, #tpu.memory_space<vmem>> -> memref<16xi32, #tpu.memory_space<vmem>>
    %dma_start3A_133 = arith.constant 0 : i32
    %dma_start3A_134 = arith.constant 0 : i32
    %dma_start3A_135 = tpu.memref_slice %arg2[%dma_start3A_133, %dma_start3A_134] : memref<10240x1024xf32, #tpu.memory_space<hbm>> -> memref<10240x1024xf32, #tpu.memory_space<hbm>>
    tpu.enqueue_indirect_dma source(%dma_start3A_135 : memref<10240x1024xf32, #tpu.memory_space<hbm>>) target(%arg11 : memref<16x1024xf32, #tpu.memory_space<vmem>>) offsets(%dma_start3A_132 : memref<16xi32, #tpu.memory_space<vmem>>) semaphore(%arg15 : memref<!tpu.dma_semaphore, #tpu.memory_space<semaphore_mem>>)
    %dma_wait3A_136 = arith.constant 64 : i32
    %dma_wait3A_137 = tpu.memref_slice %arg6[%dma_wait3A_136] : memref<128xi32, #tpu.memory_space<vmem>> -> memref<16xi32, #tpu.memory_space<vmem>>
    %dma_wait3A_138 = arith.constant 0 : i32
    %dma_wait3A_139 = arith.constant 0 : i32
    %dma_wait3A_140 = tpu.memref_slice %arg2[%dma_wait3A_138, %dma_wait3A_139] : memref<10240x1024xf32, #tpu.memory_space<hbm>> -> memref<10240x1024xf32, #tpu.memory_space<hbm>>
    tpu.wait_indirect_dma semaphore(%arg12 : memref<!tpu.dma_semaphore, #tpu.memory_space<semaphore_mem>>) src(%dma_wait3A_140 : memref<10240x1024xf32, #tpu.memory_space<hbm>>) dst(%arg8 : memref<16x1024xf32, #tpu.memory_space<vmem>>)
    %dma_wait3A_141 = arith.constant 64 : i32
    %dma_wait3A_142 = tpu.memref_slice %arg7[%dma_wait3A_141] : memref<128xi32, #tpu.memory_space<vmem>> -> memref<16xi32, #tpu.memory_space<vmem>>
    %dma_wait3A_143 = arith.constant 0 : i32
    %dma_wait3A_144 = arith.constant 0 : i32
    %dma_wait3A_145 = tpu.memref_slice %arg2[%dma_wait3A_143, %dma_wait3A_144] : memref<10240x1024xf32, #tpu.memory_space<hbm>> -> memref<10240x1024xf32, #tpu.memory_space<hbm>>
    tpu.wait_indirect_dma semaphore(%arg14 : memref<!tpu.dma_semaphore, #tpu.memory_space<semaphore_mem>>) src(%dma_wait3A_145 : memref<10240x1024xf32, #tpu.memory_space<hbm>>) dst(%arg10 : memref<16x1024xf32, #tpu.memory_space<vmem>>)
    %scan3A_146 = arith.constant 0 : i32
    %scan3A_147 = arith.constant 0 : i32
    %scan3A_148 = arith.constant 16 : i32
    %scan3A_149 = arith.addi %scan3A_147, %scan3A_148 : i32
    %scan3A_150 = arith.constant 1 : i32
    %scan3A_151 = scf.for %scan3A_232 = %scan3A_147 to %scan3A_149 step %scan3A_150 iter_args(%scan3A_233 = %scan3A_146) -> (i32)  : i32 {
      %scan3A_234 = arith.constant 0 : i32
      %scan3A_235 = arith.constant 0 : i32
      %scan3A_236 = arith.constant 64 : i32
      %scan3A_237 = arith.addi %scan3A_235, %scan3A_236 : i32
      %scan3A_238 = arith.constant 1 : i32
      %scan3A_239 = scf.for %scan3A_242 = %scan3A_235 to %scan3A_237 step %scan3A_238 iter_args(%scan3A_243 = %scan3A_234) -> (i32)  : i32 {
        %mul3A_244 = arith.constant 16 : i32
        %mul3A_245 = arith.muli %scan3A_242, %mul3A_244 : i32
        %get3A = arith.index_cast %scan3A_232 : i32 to index
        %get3A_246 = arith.index_cast %mul3A_245 : i32 to index
        %get3A_247 = tpu.vector_load %arg8[%get3A, %get3A_246] {strides = array<i32>} : memref<16x1024xf32, #tpu.memory_space<vmem>>, vector<16xf32>,
        %mul3A_248 = arith.constant 16 : i32
        %mul3A_249 = arith.muli %scan3A_242, %mul3A_248 : i32
        %get3A_250 = arith.index_cast %scan3A_232 : i32 to index
        %get3A_251 = arith.index_cast %mul3A_249 : i32 to index
        %get3A_252 = tpu.vector_load %arg10[%get3A_250, %get3A_251] {strides = array<i32>} : memref<16x1024xf32, #tpu.memory_space<vmem>>, vector<16xf32>,
        %add3A_253 = arith.addf %get3A_247, %get3A_252 : vector<16xf32>
        %mul3A_254 = arith.constant 16 : i32
        %mul3A_255 = arith.muli %scan3A_242, %mul3A_254 : i32
        %swap3A = arith.index_cast %scan3A_232 : i32 to index
        %swap3A_256 = arith.index_cast %mul3A_255 : i32 to index
        %swap3A_257 = tpu.vector_load %arg8[%swap3A, %swap3A_256] {strides = array<i32>} : memref<16x1024xf32, #tpu.memory_space<vmem>>, vector<16xf32>,
        tpu.vector_store %arg8[%swap3A, %swap3A_256], %add3A_253 {strides = array<i32>} : memref<16x1024xf32, #tpu.memory_space<vmem>>, vector<16xf32>,
        %scan3A_258 = arith.constant 0 : i32
        scf.yield %scan3A_258 : i32
      }
      %scan3A_240 = arith.constant 64 : i32
      %scan3A_241 = arith.constant 0 : i32
      scf.yield %scan3A_241 : i32
    }
    %scan3A_152 = arith.constant 16 : i32
    %add3A_153 = arith.constant 64 : i32
    %add3A_154 = arith.addi %mul3A_2, %add3A_153 : i32
    "tpu.region"() ({
      %run_scoped3A = tpu.sem_alloc : memref<!tpu.dma_semaphore, #tpu.memory_space<semaphore_mem>>
      %dma_start3A_232 = arith.constant 0 : i32
      %dma_start3A_233 = tpu.memref_slice %arg5[%add3A_154, %dma_start3A_232] : memref<4096x1024xf32, #tpu.memory_space<hbm>> -> memref<16x1024xf32, #tpu.memory_space<hbm>>
      %dma_start3A_234 = arith.constant 0 : i32
      %dma_start3A_235 = tpu.memref_slice %arg5[%add3A_154, %dma_start3A_234] : memref<4096x1024xf32, #tpu.memory_space<hbm>> -> memref<16x1024xf32, #tpu.memory_space<hbm>>
      tpu.enqueue_dma source(%arg8 : memref<16x1024xf32, #tpu.memory_space<vmem>>) target(%dma_start3A_235 : memref<16x1024xf32, #tpu.memory_space<hbm>>) target_semaphore(%run_scoped3A : memref<!tpu.dma_semaphore, #tpu.memory_space<semaphore_mem>>)
      %dma_wait3A_236 = arith.constant 0 : i32
      %dma_wait3A_237 = tpu.memref_slice %arg5[%add3A_154, %dma_wait3A_236] : memref<4096x1024xf32, #tpu.memory_space<hbm>> -> memref<16x1024xf32, #tpu.memory_space<hbm>>
      %dma_wait3A_238 = arith.constant 0 : i32
      %dma_wait3A_239 = tpu.memref_slice %arg5[%add3A_154, %dma_wait3A_238] : memref<4096x1024xf32, #tpu.memory_space<hbm>> -> memref<16x1024xf32, #tpu.memory_space<hbm>>
      tpu.wait_dma2 semaphore(%run_scoped3A : memref<!tpu.dma_semaphore, #tpu.memory_space<semaphore_mem>>) src(%arg8 : memref<16x1024xf32, #tpu.memory_space<vmem>>) dst(%dma_wait3A_239 : memref<16x1024xf32, #tpu.memory_space<hbm>>)
      tpu.yield
    }) : () -> ()
    %dma_start3A_155 = arith.constant 96 : i32
    %dma_start3A_156 = tpu.memref_slice %arg6[%dma_start3A_155] : memref<128xi32, #tpu.memory_space<vmem>> -> memref<16xi32, #tpu.memory_space<vmem>>
    %dma_start3A_157 = arith.constant 0 : i32
    %dma_start3A_158 = arith.constant 0 : i32
    %dma_start3A_159 = tpu.memref_slice %arg2[%dma_start3A_157, %dma_start3A_158] : memref<10240x1024xf32, #tpu.memory_space<hbm>> -> memref<10240x1024xf32, #tpu.memory_space<hbm>>
    tpu.enqueue_indirect_dma source(%dma_start3A_159 : memref<10240x1024xf32, #tpu.memory_space<hbm>>) target(%arg8 : memref<16x1024xf32, #tpu.memory_space<vmem>>) offsets(%dma_start3A_156 : memref<16xi32, #tpu.memory_space<vmem>>) semaphore(%arg12 : memref<!tpu.dma_semaphore, #tpu.memory_space<semaphore_mem>>)
    %dma_start3A_160 = arith.constant 96 : i32
    %dma_start3A_161 = tpu.memref_slice %arg7[%dma_start3A_160] : memref<128xi32, #tpu.memory_space<vmem>> -> memref<16xi32, #tpu.memory_space<vmem>>
    %dma_start3A_162 = arith.constant 0 : i32
    %dma_start3A_163 = arith.constant 0 : i32
    %dma_start3A_164 = tpu.memref_slice %arg2[%dma_start3A_162, %dma_start3A_163] : memref<10240x1024xf32, #tpu.memory_space<hbm>> -> memref<10240x1024xf32, #tpu.memory_space<hbm>>
    tpu.enqueue_indirect_dma source(%dma_start3A_164 : memref<10240x1024xf32, #tpu.memory_space<hbm>>) target(%arg10 : memref<16x1024xf32, #tpu.memory_space<vmem>>) offsets(%dma_start3A_161 : memref<16xi32, #tpu.memory_space<vmem>>) semaphore(%arg14 : memref<!tpu.dma_semaphore, #tpu.memory_space<semaphore_mem>>)
    %dma_wait3A_165 = arith.constant 80 : i32
    %dma_wait3A_166 = tpu.memref_slice %arg6[%dma_wait3A_165] : memref<128xi32, #tpu.memory_space<vmem>> -> memref<16xi32, #tpu.memory_space<vmem>>
    %dma_wait3A_167 = arith.constant 0 : i32
    %dma_wait3A_168 = arith.constant 0 : i32
    %dma_wait3A_169 = tpu.memref_slice %arg2[%dma_wait3A_167, %dma_wait3A_168] : memref<10240x1024xf32, #tpu.memory_space<hbm>> -> memref<10240x1024xf32, #tpu.memory_space<hbm>>
    tpu.wait_indirect_dma semaphore(%arg13 : memref<!tpu.dma_semaphore, #tpu.memory_space<semaphore_mem>>) src(%dma_wait3A_169 : memref<10240x1024xf32, #tpu.memory_space<hbm>>) dst(%arg9 : memref<16x1024xf32, #tpu.memory_space<vmem>>)
    %dma_wait3A_170 = arith.constant 80 : i32
    %dma_wait3A_171 = tpu.memref_slice %arg7[%dma_wait3A_170] : memref<128xi32, #tpu.memory_space<vmem>> -> memref<16xi32, #tpu.memory_space<vmem>>
    %dma_wait3A_172 = arith.constant 0 : i32
    %dma_wait3A_173 = arith.constant 0 : i32
    %dma_wait3A_174 = tpu.memref_slice %arg2[%dma_wait3A_172, %dma_wait3A_173] : memref<10240x1024xf32, #tpu.memory_space<hbm>> -> memref<10240x1024xf32, #tpu.memory_space<hbm>>
    tpu.wait_indirect_dma semaphore(%arg15 : memref<!tpu.dma_semaphore, #tpu.memory_space<semaphore_mem>>) src(%dma_wait3A_174 : memref<10240x1024xf32, #tpu.memory_space<hbm>>) dst(%arg11 : memref<16x1024xf32, #tpu.memory_space<vmem>>)
    %scan3A_175 = arith.constant 0 : i32
    %scan3A_176 = arith.constant 0 : i32
    %scan3A_177 = arith.constant 16 : i32
    %scan3A_178 = arith.addi %scan3A_176, %scan3A_177 : i32
    %scan3A_179 = arith.constant 1 : i32
    %scan3A_180 = scf.for %scan3A_232 = %scan3A_176 to %scan3A_178 step %scan3A_179 iter_args(%scan3A_233 = %scan3A_175) -> (i32)  : i32 {
      %scan3A_234 = arith.constant 0 : i32
      %scan3A_235 = arith.constant 0 : i32
      %scan3A_236 = arith.constant 64 : i32
      %scan3A_237 = arith.addi %scan3A_235, %scan3A_236 : i32
      %scan3A_238 = arith.constant 1 : i32
      %scan3A_239 = scf.for %scan3A_242 = %scan3A_235 to %scan3A_237 step %scan3A_238 iter_args(%scan3A_243 = %scan3A_234) -> (i32)  : i32 {
        %mul3A_244 = arith.constant 16 : i32
        %mul3A_245 = arith.muli %scan3A_242, %mul3A_244 : i32
        %get3A = arith.index_cast %scan3A_232 : i32 to index
        %get3A_246 = arith.index_cast %mul3A_245 : i32 to index
        %get3A_247 = tpu.vector_load %arg9[%get3A, %get3A_246] {strides = array<i32>} : memref<16x1024xf32, #tpu.memory_space<vmem>>, vector<16xf32>,
        %mul3A_248 = arith.constant 16 : i32
        %mul3A_249 = arith.muli %scan3A_242, %mul3A_248 : i32
        %get3A_250 = arith.index_cast %scan3A_232 : i32 to index
        %get3A_251 = arith.index_cast %mul3A_249 : i32 to index
        %get3A_252 = tpu.vector_load %arg11[%get3A_250, %get3A_251] {strides = array<i32>} : memref<16x1024xf32, #tpu.memory_space<vmem>>, vector<16xf32>,
        %add3A_253 = arith.addf %get3A_247, %get3A_252 : vector<16xf32>
        %mul3A_254 = arith.constant 16 : i32
        %mul3A_255 = arith.muli %scan3A_242, %mul3A_254 : i32
        %swap3A = arith.index_cast %scan3A_232 : i32 to index
        %swap3A_256 = arith.index_cast %mul3A_255 : i32 to index
        %swap3A_257 = tpu.vector_load %arg9[%swap3A, %swap3A_256] {strides = array<i32>} : memref<16x1024xf32, #tpu.memory_space<vmem>>, vector<16xf32>,
        tpu.vector_store %arg9[%swap3A, %swap3A_256], %add3A_253 {strides = array<i32>} : memref<16x1024xf32, #tpu.memory_space<vmem>>, vector<16xf32>,
        %scan3A_258 = arith.constant 0 : i32
        scf.yield %scan3A_258 : i32
      }
      %scan3A_240 = arith.constant 64 : i32
      %scan3A_241 = arith.constant 0 : i32
      scf.yield %scan3A_241 : i32
    }
    %scan3A_181 = arith.constant 16 : i32
    %add3A_182 = arith.constant 80 : i32
    %add3A_183 = arith.addi %mul3A_2, %add3A_182 : i32
    "tpu.region"() ({
      %run_scoped3A = tpu.sem_alloc : memref<!tpu.dma_semaphore, #tpu.memory_space<semaphore_mem>>
      %dma_start3A_232 = arith.constant 0 : i32
      %dma_start3A_233 = tpu.memref_slice %arg5[%add3A_183, %dma_start3A_232] : memref<4096x1024xf32, #tpu.memory_space<hbm>> -> memref<16x1024xf32, #tpu.memory_space<hbm>>
      %dma_start3A_234 = arith.constant 0 : i32
      %dma_start3A_235 = tpu.memref_slice %arg5[%add3A_183, %dma_start3A_234] : memref<4096x1024xf32, #tpu.memory_space<hbm>> -> memref<16x1024xf32, #tpu.memory_space<hbm>>
      tpu.enqueue_dma source(%arg9 : memref<16x1024xf32, #tpu.memory_space<vmem>>) target(%dma_start3A_235 : memref<16x1024xf32, #tpu.memory_space<hbm>>) target_semaphore(%run_scoped3A : memref<!tpu.dma_semaphore, #tpu.memory_space<semaphore_mem>>)
      %dma_wait3A_236 = arith.constant 0 : i32
      %dma_wait3A_237 = tpu.memref_slice %arg5[%add3A_183, %dma_wait3A_236] : memref<4096x1024xf32, #tpu.memory_space<hbm>> -> memref<16x1024xf32, #tpu.memory_space<hbm>>
      %dma_wait3A_238 = arith.constant 0 : i32
      %dma_wait3A_239 = tpu.memref_slice %arg5[%add3A_183, %dma_wait3A_238] : memref<4096x1024xf32, #tpu.memory_space<hbm>> -> memref<16x1024xf32, #tpu.memory_space<hbm>>
      tpu.wait_dma2 semaphore(%run_scoped3A : memref<!tpu.dma_semaphore, #tpu.memory_space<semaphore_mem>>) src(%arg9 : memref<16x1024xf32, #tpu.memory_space<vmem>>) dst(%dma_wait3A_239 : memref<16x1024xf32, #tpu.memory_space<hbm>>)
      tpu.yield
    }) : () -> ()
    %dma_start3A_184 = arith.constant 112 : i32
    %dma_start3A_185 = tpu.memref_slice %arg6[%dma_start3A_184] : memref<128xi32, #tpu.memory_space<vmem>> -> memref<16xi32, #tpu.memory_space<vmem>>
    %dma_start3A_186 = arith.constant 0 : i32
    %dma_start3A_187 = arith.constant 0 : i32
    %dma_start3A_188 = tpu.memref_slice %arg2[%dma_start3A_186, %dma_start3A_187] : memref<10240x1024xf32, #tpu.memory_space<hbm>> -> memref<10240x1024xf32, #tpu.memory_space<hbm>>
    tpu.enqueue_indirect_dma source(%dma_start3A_188 : memref<10240x1024xf32, #tpu.memory_space<hbm>>) target(%arg9 : memref<16x1024xf32, #tpu.memory_space<vmem>>) offsets(%dma_start3A_185 : memref<16xi32, #tpu.memory_space<vmem>>) semaphore(%arg13 : memref<!tpu.dma_semaphore, #tpu.memory_space<semaphore_mem>>)
    %dma_start3A_189 = arith.constant 112 : i32
    %dma_start3A_190 = tpu.memref_slice %arg7[%dma_start3A_189] : memref<128xi32, #tpu.memory_space<vmem>> -> memref<16xi32, #tpu.memory_space<vmem>>
    %dma_start3A_191 = arith.constant 0 : i32
    %dma_start3A_192 = arith.constant 0 : i32
    %dma_start3A_193 = tpu.memref_slice %arg2[%dma_start3A_191, %dma_start3A_192] : memref<10240x1024xf32, #tpu.memory_space<hbm>> -> memref<10240x1024xf32, #tpu.memory_space<hbm>>
    tpu.enqueue_indirect_dma source(%dma_start3A_193 : memref<10240x1024xf32, #tpu.memory_space<hbm>>) target(%arg11 : memref<16x1024xf32, #tpu.memory_space<vmem>>) offsets(%dma_start3A_190 : memref<16xi32, #tpu.memory_space<vmem>>) semaphore(%arg15 : memref<!tpu.dma_semaphore, #tpu.memory_space<semaphore_mem>>)
    %dma_wait3A_194 = arith.constant 96 : i32
    %dma_wait3A_195 = tpu.memref_slice %arg6[%dma_wait3A_194] : memref<128xi32, #tpu.memory_space<vmem>> -> memref<16xi32, #tpu.memory_space<vmem>>
    %dma_wait3A_196 = arith.constant 0 : i32
    %dma_wait3A_197 = arith.constant 0 : i32
    %dma_wait3A_198 = tpu.memref_slice %arg2[%dma_wait3A_196, %dma_wait3A_197] : memref<10240x1024xf32, #tpu.memory_space<hbm>> -> memref<10240x1024xf32, #tpu.memory_space<hbm>>
    tpu.wait_indirect_dma semaphore(%arg12 : memref<!tpu.dma_semaphore, #tpu.memory_space<semaphore_mem>>) src(%dma_wait3A_198 : memref<10240x1024xf32, #tpu.memory_space<hbm>>) dst(%arg8 : memref<16x1024xf32, #tpu.memory_space<vmem>>)
    %dma_wait3A_199 = arith.constant 96 : i32
    %dma_wait3A_200 = tpu.memref_slice %arg7[%dma_wait3A_199] : memref<128xi32, #tpu.memory_space<vmem>> -> memref<16xi32, #tpu.memory_space<vmem>>
    %dma_wait3A_201 = arith.constant 0 : i32
    %dma_wait3A_202 = arith.constant 0 : i32
    %dma_wait3A_203 = tpu.memref_slice %arg2[%dma_wait3A_201, %dma_wait3A_202] : memref<10240x1024xf32, #tpu.memory_space<hbm>> -> memref<10240x1024xf32, #tpu.memory_space<hbm>>
    tpu.wait_indirect_dma semaphore(%arg14 : memref<!tpu.dma_semaphore, #tpu.memory_space<semaphore_mem>>) src(%dma_wait3A_203 : memref<10240x1024xf32, #tpu.memory_space<hbm>>) dst(%arg10 : memref<16x1024xf32, #tpu.memory_space<vmem>>)
    %scan3A_204 = arith.constant 0 : i32
    %scan3A_205 = arith.constant 0 : i32
    %scan3A_206 = arith.constant 16 : i32
    %scan3A_207 = arith.addi %scan3A_205, %scan3A_206 : i32
    %scan3A_208 = arith.constant 1 : i32
    %scan3A_209 = scf.for %scan3A_232 = %scan3A_205 to %scan3A_207 step %scan3A_208 iter_args(%scan3A_233 = %scan3A_204) -> (i32)  : i32 {
      %scan3A_234 = arith.constant 0 : i32
      %scan3A_235 = arith.constant 0 : i32
      %scan3A_236 = arith.constant 64 : i32
      %scan3A_237 = arith.addi %scan3A_235, %scan3A_236 : i32
      %scan3A_238 = arith.constant 1 : i32
      %scan3A_239 = scf.for %scan3A_242 = %scan3A_235 to %scan3A_237 step %scan3A_238 iter_args(%scan3A_243 = %scan3A_234) -> (i32)  : i32 {
        %mul3A_244 = arith.constant 16 : i32
        %mul3A_245 = arith.muli %scan3A_242, %mul3A_244 : i32
        %get3A = arith.index_cast %scan3A_232 : i32 to index
        %get3A_246 = arith.index_cast %mul3A_245 : i32 to index
        %get3A_247 = tpu.vector_load %arg8[%get3A, %get3A_246] {strides = array<i32>} : memref<16x1024xf32, #tpu.memory_space<vmem>>, vector<16xf32>,
        %mul3A_248 = arith.constant 16 : i32
        %mul3A_249 = arith.muli %scan3A_242, %mul3A_248 : i32
        %get3A_250 = arith.index_cast %scan3A_232 : i32 to index
        %get3A_251 = arith.index_cast %mul3A_249 : i32 to index
        %get3A_252 = tpu.vector_load %arg10[%get3A_250, %get3A_251] {strides = array<i32>} : memref<16x1024xf32, #tpu.memory_space<vmem>>, vector<16xf32>,
        %add3A_253 = arith.addf %get3A_247, %get3A_252 : vector<16xf32>
        %mul3A_254 = arith.constant 16 : i32
        %mul3A_255 = arith.muli %scan3A_242, %mul3A_254 : i32
        %swap3A = arith.index_cast %scan3A_232 : i32 to index
        %swap3A_256 = arith.index_cast %mul3A_255 : i32 to index
        %swap3A_257 = tpu.vector_load %arg8[%swap3A, %swap3A_256] {strides = array<i32>} : memref<16x1024xf32, #tpu.memory_space<vmem>>, vector<16xf32>,
        tpu.vector_store %arg8[%swap3A, %swap3A_256], %add3A_253 {strides = array<i32>} : memref<16x1024xf32, #tpu.memory_space<vmem>>, vector<16xf32>,
        %scan3A_258 = arith.constant 0 : i32
        scf.yield %scan3A_258 : i32
      }
      %scan3A_240 = arith.constant 64 : i32
      %scan3A_241 = arith.constant 0 : i32
      scf.yield %scan3A_241 : i32
    }
    %scan3A_210 = arith.constant 16 : i32
    %add3A_211 = arith.constant 96 : i32
    %add3A_212 = arith.addi %mul3A_2, %add3A_211 : i32
    "tpu.region"() ({
      %run_scoped3A = tpu.sem_alloc : memref<!tpu.dma_semaphore, #tpu.memory_space<semaphore_mem>>
      %dma_start3A_232 = arith.constant 0 : i32
      %dma_start3A_233 = tpu.memref_slice %arg5[%add3A_212, %dma_start3A_232] : memref<4096x1024xf32, #tpu.memory_space<hbm>> -> memref<16x1024xf32, #tpu.memory_space<hbm>>
      %dma_start3A_234 = arith.constant 0 : i32
      %dma_start3A_235 = tpu.memref_slice %arg5[%add3A_212, %dma_start3A_234] : memref<4096x1024xf32, #tpu.memory_space<hbm>> -> memref<16x1024xf32, #tpu.memory_space<hbm>>
      tpu.enqueue_dma source(%arg8 : memref<16x1024xf32, #tpu.memory_space<vmem>>) target(%dma_start3A_235 : memref<16x1024xf32, #tpu.memory_space<hbm>>) target_semaphore(%run_scoped3A : memref<!tpu.dma_semaphore, #tpu.memory_space<semaphore_mem>>)
      %dma_wait3A_236 = arith.constant 0 : i32
      %dma_wait3A_237 = tpu.memref_slice %arg5[%add3A_212, %dma_wait3A_236] : memref<4096x1024xf32, #tpu.memory_space<hbm>> -> memref<16x1024xf32, #tpu.memory_space<hbm>>
      %dma_wait3A_238 = arith.constant 0 : i32
      %dma_wait3A_239 = tpu.memref_slice %arg5[%add3A_212, %dma_wait3A_238] : memref<4096x1024xf32, #tpu.memory_space<hbm>> -> memref<16x1024xf32, #tpu.memory_space<hbm>>
      tpu.wait_dma2 semaphore(%run_scoped3A : memref<!tpu.dma_semaphore, #tpu.memory_space<semaphore_mem>>) src(%arg8 : memref<16x1024xf32, #tpu.memory_space<vmem>>) dst(%dma_wait3A_239 : memref<16x1024xf32, #tpu.memory_space<hbm>>)
      tpu.yield
    }) : () -> ()
    %dma_wait3A_213 = arith.constant 112 : i32
    %dma_wait3A_214 = tpu.memref_slice %arg6[%dma_wait3A_213] : memref<128xi32, #tpu.memory_space<vmem>> -> memref<16xi32, #tpu.memory_space<vmem>>
    %dma_wait3A_215 = arith.constant 0 : i32
    %dma_wait3A_216 = arith.constant 0 : i32
    %dma_wait3A_217 = tpu.memref_slice %arg2[%dma_wait3A_215, %dma_wait3A_216] : memref<10240x1024xf32, #tpu.memory_space<hbm>> -> memref<10240x1024xf32, #tpu.memory_space<hbm>>
    tpu.wait_indirect_dma semaphore(%arg13 : memref<!tpu.dma_semaphore, #tpu.memory_space<semaphore_mem>>) src(%dma_wait3A_217 : memref<10240x1024xf32, #tpu.memory_space<hbm>>) dst(%arg9 : memref<16x1024xf32, #tpu.memory_space<vmem>>)
    %dma_wait3A_218 = arith.constant 112 : i32
    %dma_wait3A_219 = tpu.memref_slice %arg7[%dma_wait3A_218] : memref<128xi32, #tpu.memory_space<vmem>> -> memref<16xi32, #tpu.memory_space<vmem>>
    %dma_wait3A_220 = arith.constant 0 : i32
    %dma_wait3A_221 = arith.constant 0 : i32
    %dma_wait3A_222 = tpu.memref_slice %arg2[%dma_wait3A_220, %dma_wait3A_221] : memref<10240x1024xf32, #tpu.memory_space<hbm>> -> memref<10240x1024xf32, #tpu.memory_space<hbm>>
    tpu.wait_indirect_dma semaphore(%arg15 : memref<!tpu.dma_semaphore, #tpu.memory_space<semaphore_mem>>) src(%dma_wait3A_222 : memref<10240x1024xf32, #tpu.memory_space<hbm>>) dst(%arg11 : memref<16x1024xf32, #tpu.memory_space<vmem>>)
    %scan3A_223 = arith.constant 0 : i32
    %scan3A_224 = arith.constant 0 : i32
    %scan3A_225 = arith.constant 16 : i32
    %scan3A_226 = arith.addi %scan3A_224, %scan3A_225 : i32
    %scan3A_227 = arith.constant 1 : i32
    %scan3A_228 = scf.for %scan3A_232 = %scan3A_224 to %scan3A_226 step %scan3A_227 iter_args(%scan3A_233 = %scan3A_223) -> (i32)  : i32 {
      %scan3A_234 = arith.constant 0 : i32
      %scan3A_235 = arith.constant 0 : i32
      %scan3A_236 = arith.constant 64 : i32
      %scan3A_237 = arith.addi %scan3A_235, %scan3A_236 : i32
      %scan3A_238 = arith.constant 1 : i32
      %scan3A_239 = scf.for %scan3A_242 = %scan3A_235 to %scan3A_237 step %scan3A_238 iter_args(%scan3A_243 = %scan3A_234) -> (i32)  : i32 {
        %mul3A_244 = arith.constant 16 : i32
        %mul3A_245 = arith.muli %scan3A_242, %mul3A_244 : i32
        %get3A = arith.index_cast %scan3A_232 : i32 to index
        %get3A_246 = arith.index_cast %mul3A_245 : i32 to index
        %get3A_247 = tpu.vector_load %arg9[%get3A, %get3A_246] {strides = array<i32>} : memref<16x1024xf32, #tpu.memory_space<vmem>>, vector<16xf32>,
        %mul3A_248 = arith.constant 16 : i32
        %mul3A_249 = arith.muli %scan3A_242, %mul3A_248 : i32
        %get3A_250 = arith.index_cast %scan3A_232 : i32 to index
        %get3A_251 = arith.index_cast %mul3A_249 : i32 to index
        %get3A_252 = tpu.vector_load %arg11[%get3A_250, %get3A_251] {strides = array<i32>} : memref<16x1024xf32, #tpu.memory_space<vmem>>, vector<16xf32>,
        %add3A_253 = arith.addf %get3A_247, %get3A_252 : vector<16xf32>
        %mul3A_254 = arith.constant 16 : i32
        %mul3A_255 = arith.muli %scan3A_242, %mul3A_254 : i32
        %swap3A = arith.index_cast %scan3A_232 : i32 to index
        %swap3A_256 = arith.index_cast %mul3A_255 : i32 to index
        %swap3A_257 = tpu.vector_load %arg9[%swap3A, %swap3A_256] {strides = array<i32>} : memref<16x1024xf32, #tpu.memory_space<vmem>>, vector<16xf32>,
        tpu.vector_store %arg9[%swap3A, %swap3A_256], %add3A_253 {strides = array<i32>} : memref<16x1024xf32, #tpu.memory_space<vmem>>, vector<16xf32>,
        %scan3A_258 = arith.constant 0 : i32
        scf.yield %scan3A_258 : i32
      }
      %scan3A_240 = arith.constant 64 : i32
      %scan3A_241 = arith.constant 0 : i32
      scf.yield %scan3A_241 : i32
    }
    %scan3A_229 = arith.constant 16 : i32
    %add3A_230 = arith.constant 112 : i32
    %add3A_231 = arith.addi %mul3A_2, %add3A_230 : i32
    "tpu.region"() ({
      %run_scoped3A = tpu.sem_alloc : memref<!tpu.dma_semaphore, #tpu.memory_space<semaphore_mem>>
      %dma_start3A_232 = arith.constant 0 : i32
      %dma_start3A_233 = tpu.memref_slice %arg5[%add3A_231, %dma_start3A_232] : memref<4096x1024xf32, #tpu.memory_space<hbm>> -> memref<16x1024xf32, #tpu.memory_space<hbm>>
      %dma_start3A_234 = arith.constant 0 : i32
      %dma_start3A_235 = tpu.memref_slice %arg5[%add3A_231, %dma_start3A_234] : memref<4096x1024xf32, #tpu.memory_space<hbm>> -> memref<16x1024xf32, #tpu.memory_space<hbm>>
      tpu.enqueue_dma source(%arg9 : memref<16x1024xf32, #tpu.memory_space<vmem>>) target(%dma_start3A_235 : memref<16x1024xf32, #tpu.memory_space<hbm>>) target_semaphore(%run_scoped3A : memref<!tpu.dma_semaphore, #tpu.memory_space<semaphore_mem>>)
      %dma_wait3A_236 = arith.constant 0 : i32
      %dma_wait3A_237 = tpu.memref_slice %arg5[%add3A_231, %dma_wait3A_236] : memref<4096x1024xf32, #tpu.memory_space<hbm>> -> memref<16x1024xf32, #tpu.memory_space<hbm>>
      %dma_wait3A_238 = arith.constant 0 : i32
      %dma_wait3A_239 = tpu.memref_slice %arg5[%add3A_231, %dma_wait3A_238] : memref<4096x1024xf32, #tpu.memory_space<hbm>> -> memref<16x1024xf32, #tpu.memory_space<hbm>>
      tpu.wait_dma2 semaphore(%run_scoped3A : memref<!tpu.dma_semaphore, #tpu.memory_space<semaphore_mem>>) src(%arg9 : memref<16x1024xf32, #tpu.memory_space<vmem>>) dst(%dma_wait3A_239 : memref<16x1024xf32, #tpu.memory_space<hbm>>)
      tpu.yield
    }) : () -> ()
    return
  }
}

#map = affine_map<(d0, d1) -> (0)>
#map1 = affine_map<(d0, d1) -> (0, 0)>
module attributes {stable_mosaic.version = 14 : i64} {
  func.func @_dispatch_body(%arg0: i32, %arg1: i32, %arg2: memref<4096xi32, #tpu.memory_space<hbm>>, %arg3: memref<4096xi32, #tpu.memory_space<hbm>>, %arg4: memref<4096xf32, #tpu.memory_space<hbm>>, %arg5: memref<4096xf32, #tpu.memory_space<hbm>>, %arg6: memref<4096x512xi32, #tpu.memory_space<hbm>>, %arg7: memref<10240x512xi32, #tpu.memory_space<hbm>>, %arg8: memref<10240xf32, #tpu.memory_space<hbm>>, %arg9: memref<4096xi32, #tpu.memory_space<vmem>>, %arg10: memref<4096xi32, #tpu.memory_space<vmem>>, %arg11: memref<4096xf32, #tpu.memory_space<vmem>>, %arg12: memref<4096xf32, #tpu.memory_space<vmem>>, %arg13: memref<10240xi32, #tpu.memory_space<vmem>>, %arg14: memref<10240xf32, #tpu.memory_space<vmem>>, %arg15: memref<10240xi32, #tpu.memory_space<vmem_shared>>, %arg16: memref<320xi32, #tpu.memory_space<vmem>>, %arg17: memref<80x512xi32, #tpu.memory_space<vmem>>, %arg18: memref<!tpu.dma_semaphore, #tpu.memory_space<semaphore_mem>>) attributes {dimension_semantics = [#tpu.dimension_semantics<core_parallel>, #tpu.dimension_semantics<subcore_parallel>], iteration_bounds = array<i64: 2, 16>, scalar_prefetch = 0 : i64, scratch_operands = 10 : i64, tpu.core_type = #tpu.core_type<sc_vector_subcore>, window_params = [{transform_indices = #map}, {transform_indices = #map}, {transform_indices = #map}, {transform_indices = #map}, {transform_indices = #map1}, {transform_indices = #map1}, {transform_indices = #map}]} {
    %mul3A = arith.constant 2 : i32
    %mul3A_0 = arith.muli %arg1, %mul3A : i32
    %add3A = arith.addi %mul3A_0, %arg0 : i32
    %eq3A = arith.constant 0 : i32
    %eq3A_1 = arith.cmpi eq, %arg1, %eq3A : i32
    %convert_element_type3A = arith.extui %eq3A_1 : i1 to i32
    %cond3A = arith.constant 0 : i32
    %cond3A_2 = arith.cmpi ne, %convert_element_type3A, %cond3A : i32
    scf.if %cond3A_2 {
      "tpu.region"() ({
        %run_scoped3A = tpu.sem_alloc : memref<!tpu.dma_semaphore, #tpu.memory_space<semaphore_mem>>
        tpu.enqueue_dma source(%arg2 : memref<4096xi32, #tpu.memory_space<hbm>>) target(%arg9 : memref<4096xi32, #tpu.memory_space<vmem>>) target_semaphore(%run_scoped3A : memref<!tpu.dma_semaphore, #tpu.memory_space<semaphore_mem>>)
        tpu.wait_dma2 semaphore(%run_scoped3A : memref<!tpu.dma_semaphore, #tpu.memory_space<semaphore_mem>>) src(%arg2 : memref<4096xi32, #tpu.memory_space<hbm>>) dst(%arg9 : memref<4096xi32, #tpu.memory_space<vmem>>)
        tpu.yield
      }) : () -> ()
      "tpu.region"() ({
        %run_scoped3A = tpu.sem_alloc : memref<!tpu.dma_semaphore, #tpu.memory_space<semaphore_mem>>
        tpu.enqueue_dma source(%arg3 : memref<4096xi32, #tpu.memory_space<hbm>>) target(%arg10 : memref<4096xi32, #tpu.memory_space<vmem>>) target_semaphore(%run_scoped3A : memref<!tpu.dma_semaphore, #tpu.memory_space<semaphore_mem>>)
        tpu.wait_dma2 semaphore(%run_scoped3A : memref<!tpu.dma_semaphore, #tpu.memory_space<semaphore_mem>>) src(%arg3 : memref<4096xi32, #tpu.memory_space<hbm>>) dst(%arg10 : memref<4096xi32, #tpu.memory_space<vmem>>)
        tpu.yield
      }) : () -> ()
      "tpu.region"() ({
        %run_scoped3A = tpu.sem_alloc : memref<!tpu.dma_semaphore, #tpu.memory_space<semaphore_mem>>
        tpu.enqueue_dma source(%arg4 : memref<4096xf32, #tpu.memory_space<hbm>>) target(%arg11 : memref<4096xf32, #tpu.memory_space<vmem>>) target_semaphore(%run_scoped3A : memref<!tpu.dma_semaphore, #tpu.memory_space<semaphore_mem>>)
        tpu.wait_dma2 semaphore(%run_scoped3A : memref<!tpu.dma_semaphore, #tpu.memory_space<semaphore_mem>>) src(%arg4 : memref<4096xf32, #tpu.memory_space<hbm>>) dst(%arg11 : memref<4096xf32, #tpu.memory_space<vmem>>)
        tpu.yield
      }) : () -> ()
      "tpu.region"() ({
        %run_scoped3A = tpu.sem_alloc : memref<!tpu.dma_semaphore, #tpu.memory_space<semaphore_mem>>
        tpu.enqueue_dma source(%arg5 : memref<4096xf32, #tpu.memory_space<hbm>>) target(%arg12 : memref<4096xf32, #tpu.memory_space<vmem>>) target_semaphore(%run_scoped3A : memref<!tpu.dma_semaphore, #tpu.memory_space<semaphore_mem>>)
        tpu.wait_dma2 semaphore(%run_scoped3A : memref<!tpu.dma_semaphore, #tpu.memory_space<semaphore_mem>>) src(%arg5 : memref<4096xf32, #tpu.memory_space<hbm>>) dst(%arg12 : memref<4096xf32, #tpu.memory_space<vmem>>)
        tpu.yield
      }) : () -> ()
      %broadcast_in_dim3A = arith.constant 0 : i32
      %broadcast_in_dim3A_51 = vector.broadcast %broadcast_in_dim3A : i32 to vector<16xi32>
      %broadcast_in_dim3A_52 = arith.constant 0.000000e+00 : f32
      %broadcast_in_dim3A_53 = vector.broadcast %broadcast_in_dim3A_52 : f32 to vector<16xf32>
      %scan3A = arith.constant 0 : i32
      %scan3A_54 = arith.constant 0 : i32
      %scan3A_55 = arith.constant 640 : i32
      %scan3A_56 = arith.addi %scan3A_54, %scan3A_55 : i32
      %scan3A_57 = arith.constant 1 : i32
      %scan3A_58 = scf.for %scan3A_72 = %scan3A_54 to %scan3A_56 step %scan3A_57 iter_args(%scan3A_73 = %scan3A) -> (i32)  : i32 {
        %mul3A_74 = arith.constant 16 : i32
        %mul3A_75 = arith.muli %scan3A_72, %mul3A_74 : i32
        %swap3A = arith.index_cast %mul3A_75 : i32 to index
        %swap3A_76 = tpu.vector_load %arg13[%swap3A] {strides = array<i32>} : memref<10240xi32, #tpu.memory_space<vmem>>, vector<16xi32>,
        tpu.vector_store %arg13[%swap3A], %broadcast_in_dim3A_51 {strides = array<i32>} : memref<10240xi32, #tpu.memory_space<vmem>>, vector<16xi32>,
        %mul3A_77 = arith.constant 16 : i32
        %mul3A_78 = arith.muli %scan3A_72, %mul3A_77 : i32
        %swap3A_79 = arith.index_cast %mul3A_78 : i32 to index
        %swap3A_80 = tpu.vector_load %arg14[%swap3A_79] {strides = array<i32>} : memref<10240xf32, #tpu.memory_space<vmem>>, vector<16xf32>,
        tpu.vector_store %arg14[%swap3A_79], %broadcast_in_dim3A_53 {strides = array<i32>} : memref<10240xf32, #tpu.memory_space<vmem>>, vector<16xf32>,
        %scan3A_81 = arith.constant 0 : i32
        scf.yield %scan3A_81 : i32
      }
      %scan3A_59 = arith.constant 640 : i32
      %iota3A = tpu.iota {dimensions = array<i32: 0>} : vector<16xi32>
      %scan3A_60 = arith.constant 0 : i32
      %scan3A_61 = arith.constant 0 : i32
      %scan3A_62 = arith.constant 256 : i32
      %scan3A_63 = arith.addi %scan3A_61, %scan3A_62 : i32
      %scan3A_64 = arith.constant 1 : i32
      %scan3A_65 = scf.for %scan3A_72 = %scan3A_61 to %scan3A_63 step %scan3A_64 iter_args(%scan3A_73 = %scan3A_60) -> (i32)  : i32 {
        %mul3A_74 = arith.constant 16 : i32
        %mul3A_75 = arith.muli %scan3A_72, %mul3A_74 : i32
        %add3A_76 = vector.broadcast %mul3A_75 : i32 to vector<16xi32>
        %add3A_77 = arith.addi %iota3A, %add3A_76 : vector<16xi32>
        %mul3A_78 = arith.constant 16 : i32
        %mul3A_79 = arith.muli %scan3A_72, %mul3A_78 : i32
        %get3A = arith.index_cast %mul3A_79 : i32 to index
        %get3A_80 = tpu.vector_load %arg9[%get3A] {strides = array<i32>} : memref<4096xi32, #tpu.memory_space<vmem>>, vector<16xi32>,
        tpu.vector_store_idx %arg13[%get3A_80], %add3A_77 : memref<10240xi32, #tpu.memory_space<vmem>>[vector<16xi32>], vector<16xi32>,
        %mul3A_81 = arith.constant 16 : i32
        %mul3A_82 = arith.muli %scan3A_72, %mul3A_81 : i32
        %get3A_83 = arith.index_cast %mul3A_82 : i32 to index
        %get3A_84 = tpu.vector_load %arg11[%get3A_83] {strides = array<i32>} : memref<4096xf32, #tpu.memory_space<vmem>>, vector<16xf32>,
        tpu.vector_store_idx %arg14[%get3A_80], %get3A_84 : memref<10240xf32, #tpu.memory_space<vmem>>[vector<16xi32>], vector<16xf32>,
        %mul3A_85 = arith.constant 16 : i32
        %mul3A_86 = arith.muli %scan3A_72, %mul3A_85 : i32
        %get3A_87 = arith.index_cast %mul3A_86 : i32 to index
        %get3A_88 = tpu.vector_load %arg10[%get3A_87] {strides = array<i32>} : memref<4096xi32, #tpu.memory_space<vmem>>, vector<16xi32>,
        tpu.vector_store_idx %arg13[%get3A_88], %add3A_77 : memref<10240xi32, #tpu.memory_space<vmem>>[vector<16xi32>], vector<16xi32>,
        %mul3A_89 = arith.constant 16 : i32
        %mul3A_90 = arith.muli %scan3A_72, %mul3A_89 : i32
        %get3A_91 = arith.index_cast %mul3A_90 : i32 to index
        %get3A_92 = tpu.vector_load %arg12[%get3A_91] {strides = array<i32>} : memref<4096xf32, #tpu.memory_space<vmem>>, vector<16xf32>,
        tpu.vector_store_idx %arg14[%get3A_88], %get3A_92 : memref<10240xf32, #tpu.memory_space<vmem>>[vector<16xi32>], vector<16xf32>,
        %scan3A_93 = arith.constant 0 : i32
        scf.yield %scan3A_93 : i32
      }
      %scan3A_66 = arith.constant 256 : i32
      "tpu.region"() ({
        %run_scoped3A = tpu.sem_alloc : memref<!tpu.dma_semaphore, #tpu.memory_space<semaphore_mem>>
        tpu.enqueue_dma source(%arg13 : memref<10240xi32, #tpu.memory_space<vmem>>) target(%arg15 : memref<10240xi32, #tpu.memory_space<vmem_shared>>) target_semaphore(%run_scoped3A : memref<!tpu.dma_semaphore, #tpu.memory_space<semaphore_mem>>)
        tpu.wait_dma2 semaphore(%run_scoped3A : memref<!tpu.dma_semaphore, #tpu.memory_space<semaphore_mem>>) src(%arg13 : memref<10240xi32, #tpu.memory_space<vmem>>) dst(%arg15 : memref<10240xi32, #tpu.memory_space<vmem_shared>>)
        tpu.yield
      }) : () -> ()
      %eq3A_67 = arith.constant 0 : i32
      %eq3A_68 = arith.cmpi eq, %arg0, %eq3A_67 : i32
      %convert_element_type3A_69 = arith.extui %eq3A_68 : i1 to i32
      %cond3A_70 = arith.constant 0 : i32
      %cond3A_71 = arith.cmpi ne, %convert_element_type3A_69, %cond3A_70 : i32
      scf.if %cond3A_71 {
        "tpu.region"() ({
          %run_scoped3A = tpu.sem_alloc : memref<!tpu.dma_semaphore, #tpu.memory_space<semaphore_mem>>
          tpu.enqueue_dma source(%arg14 : memref<10240xf32, #tpu.memory_space<vmem>>) target(%arg8 : memref<10240xf32, #tpu.memory_space<hbm>>) target_semaphore(%run_scoped3A : memref<!tpu.dma_semaphore, #tpu.memory_space<semaphore_mem>>)
          tpu.wait_dma2 semaphore(%run_scoped3A : memref<!tpu.dma_semaphore, #tpu.memory_space<semaphore_mem>>) src(%arg14 : memref<10240xf32, #tpu.memory_space<vmem>>) dst(%arg8 : memref<10240xf32, #tpu.memory_space<hbm>>)
          tpu.yield
        }) : () -> ()
      } else {
      }
    } else {
    }
    %barrier3A = arith.constant 0 : index
    tpu.barrier barrier_id(%barrier3A)
    %mul3A_3 = arith.constant 320 : i32
    %mul3A_4 = arith.muli %add3A, %mul3A_3 : i32
    "tpu.region"() ({
      %run_scoped3A = tpu.sem_alloc : memref<!tpu.dma_semaphore, #tpu.memory_space<semaphore_mem>>
      %dma_start3A_51 = tpu.memref_slice %arg15[%mul3A_4] : memref<10240xi32, #tpu.memory_space<vmem_shared>> -> memref<320xi32, #tpu.memory_space<vmem_shared>>
      %dma_start3A_52 = tpu.memref_slice %arg15[%mul3A_4] : memref<10240xi32, #tpu.memory_space<vmem_shared>> -> memref<320xi32, #tpu.memory_space<vmem_shared>>
      tpu.enqueue_dma source(%dma_start3A_52 : memref<320xi32, #tpu.memory_space<vmem_shared>>) target(%arg16 : memref<320xi32, #tpu.memory_space<vmem>>) target_semaphore(%run_scoped3A : memref<!tpu.dma_semaphore, #tpu.memory_space<semaphore_mem>>)
      %dma_wait3A_53 = tpu.memref_slice %arg15[%mul3A_4] : memref<10240xi32, #tpu.memory_space<vmem_shared>> -> memref<320xi32, #tpu.memory_space<vmem_shared>>
      %dma_wait3A_54 = tpu.memref_slice %arg15[%mul3A_4] : memref<10240xi32, #tpu.memory_space<vmem_shared>> -> memref<320xi32, #tpu.memory_space<vmem_shared>>
      tpu.wait_dma2 semaphore(%run_scoped3A : memref<!tpu.dma_semaphore, #tpu.memory_space<semaphore_mem>>) src(%dma_wait3A_54 : memref<320xi32, #tpu.memory_space<vmem_shared>>) dst(%arg16 : memref<320xi32, #tpu.memory_space<vmem>>)
      tpu.yield
    }) : () -> ()
    %dma_start3A = arith.constant 0 : i32
    %dma_start3A_5 = tpu.memref_slice %arg16[%dma_start3A] : memref<320xi32, #tpu.memory_space<vmem>> -> memref<80xi32, #tpu.memory_space<vmem>>
    %dma_start3A_6 = arith.constant 0 : i32
    %dma_start3A_7 = arith.constant 0 : i32
    %dma_start3A_8 = tpu.memref_slice %arg6[%dma_start3A_6, %dma_start3A_7] : memref<4096x512xi32, #tpu.memory_space<hbm>> -> memref<4096x512xi32, #tpu.memory_space<hbm>>
    tpu.enqueue_indirect_dma source(%dma_start3A_8 : memref<4096x512xi32, #tpu.memory_space<hbm>>) target(%arg17 : memref<80x512xi32, #tpu.memory_space<vmem>>) offsets(%dma_start3A_5 : memref<80xi32, #tpu.memory_space<vmem>>) semaphore(%arg18 : memref<!tpu.dma_semaphore, #tpu.memory_space<semaphore_mem>>)
    %dma_wait3A = arith.constant 0 : i32
    %dma_wait3A_9 = tpu.memref_slice %arg16[%dma_wait3A] : memref<320xi32, #tpu.memory_space<vmem>> -> memref<80xi32, #tpu.memory_space<vmem>>
    %dma_wait3A_10 = arith.constant 0 : i32
    %dma_wait3A_11 = arith.constant 0 : i32
    %dma_wait3A_12 = tpu.memref_slice %arg6[%dma_wait3A_10, %dma_wait3A_11] : memref<4096x512xi32, #tpu.memory_space<hbm>> -> memref<4096x512xi32, #tpu.memory_space<hbm>>
    tpu.wait_indirect_dma semaphore(%arg18 : memref<!tpu.dma_semaphore, #tpu.memory_space<semaphore_mem>>) src(%dma_wait3A_12 : memref<4096x512xi32, #tpu.memory_space<hbm>>) dst(%arg17 : memref<80x512xi32, #tpu.memory_space<vmem>>)
    %add3A_13 = arith.constant 0 : i32
    %add3A_14 = arith.addi %mul3A_4, %add3A_13 : i32
    "tpu.region"() ({
      %run_scoped3A = tpu.sem_alloc : memref<!tpu.dma_semaphore, #tpu.memory_space<semaphore_mem>>
      %dma_start3A_51 = arith.constant 0 : i32
      %dma_start3A_52 = tpu.memref_slice %arg7[%add3A_14, %dma_start3A_51] : memref<10240x512xi32, #tpu.memory_space<hbm>> -> memref<80x512xi32, #tpu.memory_space<hbm>>
      %dma_start3A_53 = arith.constant 0 : i32
      %dma_start3A_54 = tpu.memref_slice %arg7[%add3A_14, %dma_start3A_53] : memref<10240x512xi32, #tpu.memory_space<hbm>> -> memref<80x512xi32, #tpu.memory_space<hbm>>
      tpu.enqueue_dma source(%arg17 : memref<80x512xi32, #tpu.memory_space<vmem>>) target(%dma_start3A_54 : memref<80x512xi32, #tpu.memory_space<hbm>>) target_semaphore(%run_scoped3A : memref<!tpu.dma_semaphore, #tpu.memory_space<semaphore_mem>>)
      %dma_wait3A_55 = arith.constant 0 : i32
      %dma_wait3A_56 = tpu.memref_slice %arg7[%add3A_14, %dma_wait3A_55] : memref<10240x512xi32, #tpu.memory_space<hbm>> -> memref<80x512xi32, #tpu.memory_space<hbm>>
      %dma_wait3A_57 = arith.constant 0 : i32
      %dma_wait3A_58 = tpu.memref_slice %arg7[%add3A_14, %dma_wait3A_57] : memref<10240x512xi32, #tpu.memory_space<hbm>> -> memref<80x512xi32, #tpu.memory_space<hbm>>
      tpu.wait_dma2 semaphore(%run_scoped3A : memref<!tpu.dma_semaphore, #tpu.memory_space<semaphore_mem>>) src(%arg17 : memref<80x512xi32, #tpu.memory_space<vmem>>) dst(%dma_wait3A_58 : memref<80x512xi32, #tpu.memory_space<hbm>>)
      tpu.yield
    }) : () -> ()
    %dma_start3A_15 = arith.constant 80 : i32
    %dma_start3A_16 = tpu.memref_slice %arg16[%dma_start3A_15] : memref<320xi32, #tpu.memory_space<vmem>> -> memref<80xi32, #tpu.memory_space<vmem>>
    %dma_start3A_17 = arith.constant 0 : i32
    %dma_start3A_18 = arith.constant 0 : i32
    %dma_start3A_19 = tpu.memref_slice %arg6[%dma_start3A_17, %dma_start3A_18] : memref<4096x512xi32, #tpu.memory_space<hbm>> -> memref<4096x512xi32, #tpu.memory_space<hbm>>
    tpu.enqueue_indirect_dma source(%dma_start3A_19 : memref<4096x512xi32, #tpu.memory_space<hbm>>) target(%arg17 : memref<80x512xi32, #tpu.memory_space<vmem>>) offsets(%dma_start3A_16 : memref<80xi32, #tpu.memory_space<vmem>>) semaphore(%arg18 : memref<!tpu.dma_semaphore, #tpu.memory_space<semaphore_mem>>)
    %dma_wait3A_20 = arith.constant 80 : i32
    %dma_wait3A_21 = tpu.memref_slice %arg16[%dma_wait3A_20] : memref<320xi32, #tpu.memory_space<vmem>> -> memref<80xi32, #tpu.memory_space<vmem>>
    %dma_wait3A_22 = arith.constant 0 : i32
    %dma_wait3A_23 = arith.constant 0 : i32
    %dma_wait3A_24 = tpu.memref_slice %arg6[%dma_wait3A_22, %dma_wait3A_23] : memref<4096x512xi32, #tpu.memory_space<hbm>> -> memref<4096x512xi32, #tpu.memory_space<hbm>>
    tpu.wait_indirect_dma semaphore(%arg18 : memref<!tpu.dma_semaphore, #tpu.memory_space<semaphore_mem>>) src(%dma_wait3A_24 : memref<4096x512xi32, #tpu.memory_space<hbm>>) dst(%arg17 : memref<80x512xi32, #tpu.memory_space<vmem>>)
    %add3A_25 = arith.constant 80 : i32
    %add3A_26 = arith.addi %mul3A_4, %add3A_25 : i32
    "tpu.region"() ({
      %run_scoped3A = tpu.sem_alloc : memref<!tpu.dma_semaphore, #tpu.memory_space<semaphore_mem>>
      %dma_start3A_51 = arith.constant 0 : i32
      %dma_start3A_52 = tpu.memref_slice %arg7[%add3A_26, %dma_start3A_51] : memref<10240x512xi32, #tpu.memory_space<hbm>> -> memref<80x512xi32, #tpu.memory_space<hbm>>
      %dma_start3A_53 = arith.constant 0 : i32
      %dma_start3A_54 = tpu.memref_slice %arg7[%add3A_26, %dma_start3A_53] : memref<10240x512xi32, #tpu.memory_space<hbm>> -> memref<80x512xi32, #tpu.memory_space<hbm>>
      tpu.enqueue_dma source(%arg17 : memref<80x512xi32, #tpu.memory_space<vmem>>) target(%dma_start3A_54 : memref<80x512xi32, #tpu.memory_space<hbm>>) target_semaphore(%run_scoped3A : memref<!tpu.dma_semaphore, #tpu.memory_space<semaphore_mem>>)
      %dma_wait3A_55 = arith.constant 0 : i32
      %dma_wait3A_56 = tpu.memref_slice %arg7[%add3A_26, %dma_wait3A_55] : memref<10240x512xi32, #tpu.memory_space<hbm>> -> memref<80x512xi32, #tpu.memory_space<hbm>>
      %dma_wait3A_57 = arith.constant 0 : i32
      %dma_wait3A_58 = tpu.memref_slice %arg7[%add3A_26, %dma_wait3A_57] : memref<10240x512xi32, #tpu.memory_space<hbm>> -> memref<80x512xi32, #tpu.memory_space<hbm>>
      tpu.wait_dma2 semaphore(%run_scoped3A : memref<!tpu.dma_semaphore, #tpu.memory_space<semaphore_mem>>) src(%arg17 : memref<80x512xi32, #tpu.memory_space<vmem>>) dst(%dma_wait3A_58 : memref<80x512xi32, #tpu.memory_space<hbm>>)
      tpu.yield
    }) : () -> ()
    %dma_start3A_27 = arith.constant 160 : i32
    %dma_start3A_28 = tpu.memref_slice %arg16[%dma_start3A_27] : memref<320xi32, #tpu.memory_space<vmem>> -> memref<80xi32, #tpu.memory_space<vmem>>
    %dma_start3A_29 = arith.constant 0 : i32
    %dma_start3A_30 = arith.constant 0 : i32
    %dma_start3A_31 = tpu.memref_slice %arg6[%dma_start3A_29, %dma_start3A_30] : memref<4096x512xi32, #tpu.memory_space<hbm>> -> memref<4096x512xi32, #tpu.memory_space<hbm>>
    tpu.enqueue_indirect_dma source(%dma_start3A_31 : memref<4096x512xi32, #tpu.memory_space<hbm>>) target(%arg17 : memref<80x512xi32, #tpu.memory_space<vmem>>) offsets(%dma_start3A_28 : memref<80xi32, #tpu.memory_space<vmem>>) semaphore(%arg18 : memref<!tpu.dma_semaphore, #tpu.memory_space<semaphore_mem>>)
    %dma_wait3A_32 = arith.constant 160 : i32
    %dma_wait3A_33 = tpu.memref_slice %arg16[%dma_wait3A_32] : memref<320xi32, #tpu.memory_space<vmem>> -> memref<80xi32, #tpu.memory_space<vmem>>
    %dma_wait3A_34 = arith.constant 0 : i32
    %dma_wait3A_35 = arith.constant 0 : i32
    %dma_wait3A_36 = tpu.memref_slice %arg6[%dma_wait3A_34, %dma_wait3A_35] : memref<4096x512xi32, #tpu.memory_space<hbm>> -> memref<4096x512xi32, #tpu.memory_space<hbm>>
    tpu.wait_indirect_dma semaphore(%arg18 : memref<!tpu.dma_semaphore, #tpu.memory_space<semaphore_mem>>) src(%dma_wait3A_36 : memref<4096x512xi32, #tpu.memory_space<hbm>>) dst(%arg17 : memref<80x512xi32, #tpu.memory_space<vmem>>)
    %add3A_37 = arith.constant 160 : i32
    %add3A_38 = arith.addi %mul3A_4, %add3A_37 : i32
    "tpu.region"() ({
      %run_scoped3A = tpu.sem_alloc : memref<!tpu.dma_semaphore, #tpu.memory_space<semaphore_mem>>
      %dma_start3A_51 = arith.constant 0 : i32
      %dma_start3A_52 = tpu.memref_slice %arg7[%add3A_38, %dma_start3A_51] : memref<10240x512xi32, #tpu.memory_space<hbm>> -> memref<80x512xi32, #tpu.memory_space<hbm>>
      %dma_start3A_53 = arith.constant 0 : i32
      %dma_start3A_54 = tpu.memref_slice %arg7[%add3A_38, %dma_start3A_53] : memref<10240x512xi32, #tpu.memory_space<hbm>> -> memref<80x512xi32, #tpu.memory_space<hbm>>
      tpu.enqueue_dma source(%arg17 : memref<80x512xi32, #tpu.memory_space<vmem>>) target(%dma_start3A_54 : memref<80x512xi32, #tpu.memory_space<hbm>>) target_semaphore(%run_scoped3A : memref<!tpu.dma_semaphore, #tpu.memory_space<semaphore_mem>>)
      %dma_wait3A_55 = arith.constant 0 : i32
      %dma_wait3A_56 = tpu.memref_slice %arg7[%add3A_38, %dma_wait3A_55] : memref<10240x512xi32, #tpu.memory_space<hbm>> -> memref<80x512xi32, #tpu.memory_space<hbm>>
      %dma_wait3A_57 = arith.constant 0 : i32
      %dma_wait3A_58 = tpu.memref_slice %arg7[%add3A_38, %dma_wait3A_57] : memref<10240x512xi32, #tpu.memory_space<hbm>> -> memref<80x512xi32, #tpu.memory_space<hbm>>
      tpu.wait_dma2 semaphore(%run_scoped3A : memref<!tpu.dma_semaphore, #tpu.memory_space<semaphore_mem>>) src(%arg17 : memref<80x512xi32, #tpu.memory_space<vmem>>) dst(%dma_wait3A_58 : memref<80x512xi32, #tpu.memory_space<hbm>>)
      tpu.yield
    }) : () -> ()
    %dma_start3A_39 = arith.constant 240 : i32
    %dma_start3A_40 = tpu.memref_slice %arg16[%dma_start3A_39] : memref<320xi32, #tpu.memory_space<vmem>> -> memref<80xi32, #tpu.memory_space<vmem>>
    %dma_start3A_41 = arith.constant 0 : i32
    %dma_start3A_42 = arith.constant 0 : i32
    %dma_start3A_43 = tpu.memref_slice %arg6[%dma_start3A_41, %dma_start3A_42] : memref<4096x512xi32, #tpu.memory_space<hbm>> -> memref<4096x512xi32, #tpu.memory_space<hbm>>
    tpu.enqueue_indirect_dma source(%dma_start3A_43 : memref<4096x512xi32, #tpu.memory_space<hbm>>) target(%arg17 : memref<80x512xi32, #tpu.memory_space<vmem>>) offsets(%dma_start3A_40 : memref<80xi32, #tpu.memory_space<vmem>>) semaphore(%arg18 : memref<!tpu.dma_semaphore, #tpu.memory_space<semaphore_mem>>)
    %dma_wait3A_44 = arith.constant 240 : i32
    %dma_wait3A_45 = tpu.memref_slice %arg16[%dma_wait3A_44] : memref<320xi32, #tpu.memory_space<vmem>> -> memref<80xi32, #tpu.memory_space<vmem>>
    %dma_wait3A_46 = arith.constant 0 : i32
    %dma_wait3A_47 = arith.constant 0 : i32
    %dma_wait3A_48 = tpu.memref_slice %arg6[%dma_wait3A_46, %dma_wait3A_47] : memref<4096x512xi32, #tpu.memory_space<hbm>> -> memref<4096x512xi32, #tpu.memory_space<hbm>>
    tpu.wait_indirect_dma semaphore(%arg18 : memref<!tpu.dma_semaphore, #tpu.memory_space<semaphore_mem>>) src(%dma_wait3A_48 : memref<4096x512xi32, #tpu.memory_space<hbm>>) dst(%arg17 : memref<80x512xi32, #tpu.memory_space<vmem>>)
    %add3A_49 = arith.constant 240 : i32
    %add3A_50 = arith.addi %mul3A_4, %add3A_49 : i32
    "tpu.region"() ({
      %run_scoped3A = tpu.sem_alloc : memref<!tpu.dma_semaphore, #tpu.memory_space<semaphore_mem>>
      %dma_start3A_51 = arith.constant 0 : i32
      %dma_start3A_52 = tpu.memref_slice %arg7[%add3A_50, %dma_start3A_51] : memref<10240x512xi32, #tpu.memory_space<hbm>> -> memref<80x512xi32, #tpu.memory_space<hbm>>
      %dma_start3A_53 = arith.constant 0 : i32
      %dma_start3A_54 = tpu.memref_slice %arg7[%add3A_50, %dma_start3A_53] : memref<10240x512xi32, #tpu.memory_space<hbm>> -> memref<80x512xi32, #tpu.memory_space<hbm>>
      tpu.enqueue_dma source(%arg17 : memref<80x512xi32, #tpu.memory_space<vmem>>) target(%dma_start3A_54 : memref<80x512xi32, #tpu.memory_space<hbm>>) target_semaphore(%run_scoped3A : memref<!tpu.dma_semaphore, #tpu.memory_space<semaphore_mem>>)
      %dma_wait3A_55 = arith.constant 0 : i32
      %dma_wait3A_56 = tpu.memref_slice %arg7[%add3A_50, %dma_wait3A_55] : memref<10240x512xi32, #tpu.memory_space<hbm>> -> memref<80x512xi32, #tpu.memory_space<hbm>>
      %dma_wait3A_57 = arith.constant 0 : i32
      %dma_wait3A_58 = tpu.memref_slice %arg7[%add3A_50, %dma_wait3A_57] : memref<10240x512xi32, #tpu.memory_space<hbm>> -> memref<80x512xi32, #tpu.memory_space<hbm>>
      tpu.wait_dma2 semaphore(%run_scoped3A : memref<!tpu.dma_semaphore, #tpu.memory_space<semaphore_mem>>) src(%arg17 : memref<80x512xi32, #tpu.memory_space<vmem>>) dst(%dma_wait3A_58 : memref<80x512xi32, #tpu.memory_space<hbm>>)
      tpu.yield
    }) : () -> ()
    return
  }
}

module attributes {stable_mosaic.version = 14 : i64} {
  func.func @_meta_body(%arg0: memref<4096x1024xf32, #tpu.memory_space<vmem>>, %arg1: memref<8x1024xf32, #tpu.memory_space<vmem>>, %arg2: memref<4096x8xf32, #tpu.memory_space<vmem>>, %arg3: memref<4096x1xi32, #tpu.memory_space<vmem>>, %arg4: memref<4096x1xi32, #tpu.memory_space<vmem>>, %arg5: memref<4096x1xf32, #tpu.memory_space<vmem>>, %arg6: memref<4096x1xf32, #tpu.memory_space<vmem>>, %arg7: memref<1x64xi32, #tpu.memory_space<vmem>>, %arg8: memref<4096x512xi32, #tpu.memory_space<vmem>>, %arg9: memref<8192x8xf32, #tpu.memory_space<vmem>>, %arg10: memref<8192x1xf32, #tpu.memory_space<vmem>>) attributes {dimension_semantics = [], scalar_prefetch = 0 : i64, scratch_operands = 2 : i64, tpu.core_type = #tpu.core_type<tc>} {
    %get3A = arith.constant 0 : index
    %get3A_0 = arith.constant 0 : index
    %get3A_1 = vector.load %arg0[%get3A, %get3A_0] : memref<4096x1024xf32, #tpu.memory_space<vmem>>, vector<4096x1024xf32>
    %bitcast_convert_type3A = tpu.bitcast %get3A_1 : vector<4096x1024xf32> -> vector<4096x1024xi32>
    %add3A = arith.constant 32767 : i32
    %add3A_2 = vector.broadcast %add3A : i32 to vector<4096x1024xi32>
    %add3A_3 = arith.addi %bitcast_convert_type3A, %add3A_2 : vector<4096x1024xi32>
    %shift_right_logical3A = arith.constant 16 : i32
    %shift_right_logical3A_4 = vector.broadcast %shift_right_logical3A : i32 to vector<4096x1024xi32>
    %shift_right_logical3A_5 = arith.shrui %bitcast_convert_type3A, %shift_right_logical3A_4 : vector<4096x1024xi32>
    %and3A = arith.constant 1 : i32
    %and3A_6 = vector.broadcast %and3A : i32 to vector<4096x1024xi32>
    %and3A_7 = arith.andi %shift_right_logical3A_5, %and3A_6 : vector<4096x1024xi32>
    %add3A_8 = arith.addi %add3A_3, %and3A_7 : vector<4096x1024xi32>
    %shift_right_logical3A_9 = arith.constant 16 : i32
    %shift_right_logical3A_10 = vector.broadcast %shift_right_logical3A_9 : i32 to vector<4096x1024xi32>
    %shift_right_logical3A_11 = arith.shrui %add3A_8, %shift_right_logical3A_10 : vector<4096x1024xi32>
    %slice3A = vector.extract_strided_slice %shift_right_logical3A_11 {offsets = [0, 0], sizes = [4096, 512], strides = [1, 1]} : vector<4096x1024xi32> to vector<4096x512xi32>
    %slice3A_12 = vector.extract_strided_slice %shift_right_logical3A_11 {offsets = [0, 512], sizes = [4096, 512], strides = [1, 1]} : vector<4096x1024xi32> to vector<4096x512xi32>
    %shift_left3A = arith.constant 16 : i32
    %shift_left3A_13 = vector.broadcast %shift_left3A : i32 to vector<4096x512xi32>
    %shift_left3A_14 = arith.shli %slice3A_12, %shift_left3A_13 : vector<4096x512xi32>
    %or3A = arith.ori %slice3A, %shift_left3A_14 : vector<4096x512xi32>
    %swap3A = arith.constant 0 : index
    %swap3A_15 = arith.constant 0 : index
    %swap3A_16 = vector.load %arg8[%swap3A, %swap3A_15] : memref<4096x512xi32, #tpu.memory_space<vmem>>, vector<4096x512xi32>
    tpu.vector_store %arg8[%swap3A, %swap3A_15], %or3A {strides = array<i32>} : memref<4096x512xi32, #tpu.memory_space<vmem>>, vector<4096x512xi32>,
    %get3A_17 = arith.constant 0 : index
    %get3A_18 = arith.constant 0 : index
    %get3A_19 = vector.load %arg1[%get3A_17, %get3A_18] : memref<8x1024xf32, #tpu.memory_space<vmem>>, vector<8x1024xf32>
    %dot_general3A = arith.constant dense<0.000000e+00> : vector<4096x8xf32>
    %dot_general3A_20 = tpu.matmul %get3A_1, %get3A_19, %dot_general3A {dimension_numbers = #tpu.dot_dimension_numbers<[1], [1], [0], [0], [0, 0, 1, 0], [], []>, transpose_lhs_hint = false} : vector<4096x1024xf32>, vector<8x1024xf32>, vector<4096x8xf32> -> vector<4096x8xf32>
    %swap3A_21 = arith.constant 0 : index
    %swap3A_22 = arith.constant 0 : index
    %swap3A_23 = vector.load %arg2[%swap3A_21, %swap3A_22] : memref<4096x8xf32, #tpu.memory_space<vmem>>, vector<4096x8xf32>
    tpu.vector_store %arg2[%swap3A_21, %swap3A_22], %dot_general3A_20 {strides = array<i32>} : memref<4096x8xf32, #tpu.memory_space<vmem>>, vector<4096x8xf32>,
    %reduce_max3A = arith.constant dense<0xFF800000> : vector<4096xf32>
    %reduce_max3A_24 = vector.multi_reduction <maximumf>, %dot_general3A_20, %reduce_max3A [1] : vector<4096x8xf32> to vector<4096xf32>
    %max3A = arith.constant 0xFF800000 : f32
    %max3A_25 = vector.broadcast %max3A : f32 to vector<4096xf32>
    %max3A_26 = arith.maximumf %max3A_25, %reduce_max3A_24 : vector<4096xf32>
    %broadcast_in_dim3A = vector.shape_cast %max3A_26 : vector<4096xf32> to vector<4096x1xf32>
    %sub3A = vector.broadcast %broadcast_in_dim3A : vector<4096x1xf32> to vector<4096x8xf32>
    %sub3A_27 = arith.subf %dot_general3A_20, %sub3A : vector<4096x8xf32>
    %exp3A = math.exp %sub3A_27 : vector<4096x8xf32>
    %reduce_sum3A = arith.constant dense<0.000000e+00> : vector<4096xf32>
    %reduce_sum3A_28 = vector.multi_reduction <add>, %exp3A, %reduce_sum3A [1] : vector<4096x8xf32> to vector<4096xf32>
    %broadcast_in_dim3A_29 = vector.shape_cast %reduce_sum3A_28 : vector<4096xf32> to vector<4096x1xf32>
    %div3A = vector.broadcast %broadcast_in_dim3A_29 : vector<4096x1xf32> to vector<4096x8xf32>
    %div3A_30 = arith.divf %exp3A, %div3A : vector<4096x8xf32>
    %iota3A = tpu.iota {dimensions = array<i32: 1>} : vector<4096x8xi32>
    %convert_element_type3A = arith.sitofp %iota3A : vector<4096x8xi32> to vector<4096x8xf32>
    %reduce_max3A_31 = arith.constant dense<0xFF800000> : vector<4096xf32>
    %reduce_max3A_32 = vector.multi_reduction <maximumf>, %div3A_30, %reduce_max3A_31 [1] : vector<4096x8xf32> to vector<4096xf32>
    %broadcast_in_dim3A_33 = vector.shape_cast %reduce_max3A_32 : vector<4096xf32> to vector<4096x1xf32>
    %eq3A = vector.broadcast %broadcast_in_dim3A_33 : vector<4096x1xf32> to vector<4096x8xf32>
    %eq3A_34 = arith.cmpf oeq, %div3A_30, %eq3A : vector<4096x8xf32>
    %jit3A = arith.constant 8.000000e+00 : f32
    %broadcast_in_dim3A_35 = vector.broadcast %jit3A : f32 to vector<4096x8xf32>
    %select_n3A = arith.select %eq3A_34, %convert_element_type3A, %broadcast_in_dim3A_35 : vector<4096x8xi1>, vector<4096x8xf32>
    %reduce_min3A = arith.constant dense<0x7F800000> : vector<4096xf32>
    %reduce_min3A_36 = vector.multi_reduction <minimumf>, %select_n3A, %reduce_min3A [1] : vector<4096x8xf32> to vector<4096xf32>
    %broadcast_in_dim3A_37 = vector.shape_cast %reduce_min3A_36 : vector<4096xf32> to vector<4096x1xf32>
    %eq3A_38 = vector.broadcast %broadcast_in_dim3A_37 : vector<4096x1xf32> to vector<4096x8xf32>
    %eq3A_39 = arith.cmpf oeq, %convert_element_type3A, %eq3A_38 : vector<4096x8xf32>
    %convert_element_type3A_40 = arith.extui %eq3A_39 : vector<4096x8xi1> to vector<4096x8xi32>
    %convert_element_type3A_41 = arith.sitofp %convert_element_type3A_40 : vector<4096x8xi32> to vector<4096x8xf32>
    %gt3A = arith.constant 0.000000e+00 : f32
    %gt3A_42 = vector.broadcast %gt3A : f32 to vector<4096x8xf32>
    %gt3A_43 = arith.cmpf ogt, %convert_element_type3A_41, %gt3A_42 : vector<4096x8xf32>
    %jit3A_44 = arith.constant -1.000000e+00 : f32
    %broadcast_in_dim3A_45 = vector.broadcast %jit3A_44 : f32 to vector<4096x8xf32>
    %select_n3A_46 = arith.select %gt3A_43, %broadcast_in_dim3A_45, %div3A_30 : vector<4096x8xi1>, vector<4096x8xf32>
    %reduce_max3A_47 = arith.constant dense<0xFF800000> : vector<4096xf32>
    %reduce_max3A_48 = vector.multi_reduction <maximumf>, %select_n3A_46, %reduce_max3A_47 [1] : vector<4096x8xf32> to vector<4096xf32>
    %broadcast_in_dim3A_49 = vector.shape_cast %reduce_max3A_48 : vector<4096xf32> to vector<4096x1xf32>
    %eq3A_50 = vector.broadcast %broadcast_in_dim3A_49 : vector<4096x1xf32> to vector<4096x8xf32>
    %eq3A_51 = arith.cmpf oeq, %select_n3A_46, %eq3A_50 : vector<4096x8xf32>
    %jit3A_52 = arith.constant 8.000000e+00 : f32
    %broadcast_in_dim3A_53 = vector.broadcast %jit3A_52 : f32 to vector<4096x8xf32>
    %select_n3A_54 = arith.select %eq3A_51, %convert_element_type3A, %broadcast_in_dim3A_53 : vector<4096x8xi1>, vector<4096x8xf32>
    %reduce_min3A_55 = arith.constant dense<0x7F800000> : vector<4096xf32>
    %reduce_min3A_56 = vector.multi_reduction <minimumf>, %select_n3A_54, %reduce_min3A_55 [1] : vector<4096x8xf32> to vector<4096xf32>
    %broadcast_in_dim3A_57 = vector.shape_cast %reduce_min3A_56 : vector<4096xf32> to vector<4096x1xf32>
    %eq3A_58 = vector.broadcast %broadcast_in_dim3A_57 : vector<4096x1xf32> to vector<4096x8xf32>
    %eq3A_59 = arith.cmpf oeq, %convert_element_type3A, %eq3A_58 : vector<4096x8xf32>
    %convert_element_type3A_60 = arith.extui %eq3A_59 : vector<4096x8xi1> to vector<4096x8xi32>
    %convert_element_type3A_61 = arith.sitofp %convert_element_type3A_60 : vector<4096x8xi32> to vector<4096x8xf32>
    %add3A_62 = arith.addf %broadcast_in_dim3A_33, %broadcast_in_dim3A_49 : vector<4096x1xf32>
    %div3A_63 = arith.divf %broadcast_in_dim3A_33, %add3A_62 : vector<4096x1xf32>
    %div3A_64 = arith.divf %broadcast_in_dim3A_49, %add3A_62 : vector<4096x1xf32>
    %swap3A_65 = arith.constant 0 : index
    %swap3A_66 = arith.constant 0 : index
    %swap3A_67 = vector.load %arg5[%swap3A_65, %swap3A_66] : memref<4096x1xf32, #tpu.memory_space<vmem>>, vector<4096x1xf32>
    tpu.vector_store %arg5[%swap3A_65, %swap3A_66], %div3A_63 {strides = array<i32>} : memref<4096x1xf32, #tpu.memory_space<vmem>>, vector<4096x1xf32>,
    %swap3A_68 = arith.constant 0 : index
    %swap3A_69 = arith.constant 0 : index
    %swap3A_70 = vector.load %arg6[%swap3A_68, %swap3A_69] : memref<4096x1xf32, #tpu.memory_space<vmem>>, vector<4096x1xf32>
    tpu.vector_store %arg6[%swap3A_68, %swap3A_69], %div3A_64 {strides = array<i32>} : memref<4096x1xf32, #tpu.memory_space<vmem>>, vector<4096x1xf32>,
    %swap3A_71 = arith.constant 0 : index
    %swap3A_72 = arith.constant 0 : index
    %swap3A_73 = vector.load %arg9[%swap3A_71, %swap3A_72] : memref<8192x8xf32, #tpu.memory_space<vmem>>, vector<4096x8xf32>
    tpu.vector_store %arg9[%swap3A_71, %swap3A_72], %convert_element_type3A_41 {strides = array<i32>} : memref<8192x8xf32, #tpu.memory_space<vmem>>, vector<4096x8xf32>,
    %swap3A_74 = arith.constant 4096 : index
    %swap3A_75 = arith.constant 0 : index
    %swap3A_76 = vector.load %arg9[%swap3A_74, %swap3A_75] : memref<8192x8xf32, #tpu.memory_space<vmem>>, vector<4096x8xf32>
    tpu.vector_store %arg9[%swap3A_74, %swap3A_75], %convert_element_type3A_61 {strides = array<i32>} : memref<8192x8xf32, #tpu.memory_space<vmem>>, vector<4096x8xf32>,
    %iota3A_77 = tpu.iota {dimensions = array<i32: 0>} : vector<512x512xi32>
    %iota3A_78 = tpu.iota {dimensions = array<i32: 1>} : vector<512x512xi32>
    %ge3A = arith.cmpi sge, %iota3A_77, %iota3A_78 : vector<512x512xi32>
    %convert_element_type3A_79 = arith.extui %ge3A : vector<512x512xi1> to vector<512x512xi32>
    %convert_element_type3A_80 = arith.sitofp %convert_element_type3A_79 : vector<512x512xi32> to vector<512x512xf32>
    %broadcast_in_dim3A_81 = arith.constant 0.000000e+00 : f32
    %broadcast_in_dim3A_82 = vector.broadcast %broadcast_in_dim3A_81 : f32 to vector<1x8xf32>
    %scan3A = arith.constant 0 : i32
    %scan3A_83 = arith.constant 16 : i32
    %scan3A_84 = arith.addi %scan3A, %scan3A_83 : i32
    %scan3A_85 = arith.constant 1 : i32
    %scan3A_86 = scf.for %scan3A_205 = %scan3A to %scan3A_84 step %scan3A_85 iter_args(%scan3A_206 = %broadcast_in_dim3A_82) -> (vector<1x8xf32>)  : i32 {
      %mul3A_207 = arith.constant 512 : i32
      %mul3A_208 = arith.muli %scan3A_205, %mul3A_207 : i32
      %get3A_209 = arith.index_cast %mul3A_208 : i32 to index
      %get3A_210 = arith.constant 0 : index
      %get3A_211 = vector.load %arg9[%get3A_209, %get3A_210] : memref<8192x8xf32, #tpu.memory_space<vmem>>, vector<512x8xf32>
      %dot_general3A_212 = arith.constant dense<0.000000e+00> : vector<512x8xf32>
      %dot_general3A_213 = tpu.matmul %convert_element_type3A_80, %get3A_211, %dot_general3A_212 {dimension_numbers = #tpu.dot_dimension_numbers<[1], [0], [0], [1], [0, 0, 1, 1], [], []>, transpose_lhs_hint = false} : vector<512x512xf32>, vector<512x8xf32>, vector<512x8xf32> -> vector<512x8xf32>
      %add3A_214 = vector.broadcast %scan3A_206 : vector<1x8xf32> to vector<512x8xf32>
      %add3A_215 = arith.addf %dot_general3A_213, %add3A_214 : vector<512x8xf32>
      %sub3A_216 = arith.constant 1.000000e+00 : f32
      %sub3A_217 = vector.broadcast %sub3A_216 : f32 to vector<512x8xf32>
      %sub3A_218 = arith.subf %add3A_215, %sub3A_217 : vector<512x8xf32>
      %mul3A_219 = arith.mulf %get3A_211, %sub3A_218 : vector<512x8xf32>
      %reduce_sum3A_220 = arith.constant dense<0.000000e+00> : vector<512xf32>
      %reduce_sum3A_221 = vector.multi_reduction <add>, %mul3A_219, %reduce_sum3A_220 [1] : vector<512x8xf32> to vector<512xf32>
      %broadcast_in_dim3A_222 = vector.shape_cast %reduce_sum3A_221 : vector<512xf32> to vector<512x1xf32>
      %mul3A_223 = arith.constant 512 : i32
      %mul3A_224 = arith.muli %scan3A_205, %mul3A_223 : i32
      %swap3A_225 = arith.index_cast %mul3A_224 : i32 to index
      %swap3A_226 = arith.constant 0 : index
      %swap3A_227 = vector.load %arg10[%swap3A_225, %swap3A_226] : memref<8192x1xf32, #tpu.memory_space<vmem>>, vector<512x1xf32>
      tpu.vector_store %arg10[%swap3A_225, %swap3A_226], %broadcast_in_dim3A_222 {strides = array<i32>} : memref<8192x1xf32, #tpu.memory_space<vmem>>, vector<512x1xf32>,
      %reduce_sum3A_228 = arith.constant dense<0.000000e+00> : vector<8xf32>
      %reduce_sum3A_229 = vector.multi_reduction <add>, %get3A_211, %reduce_sum3A_228 [0] : vector<512x8xf32> to vector<8xf32>
      %broadcast_in_dim3A_230 = vector.shape_cast %reduce_sum3A_229 : vector<8xf32> to vector<1x8xf32>
      %add3A_231 = arith.addf %scan3A_206, %broadcast_in_dim3A_230 : vector<1x8xf32>
      scf.yield %add3A_231 : vector<1x8xf32>
    }
    %scan3A_87 = arith.constant 16 : i32
    %add3A_88 = arith.constant 2.550000e+02 : f32
    %add3A_89 = vector.broadcast %add3A_88 : f32 to vector<1x8xf32>
    %add3A_90 = arith.addf %scan3A_86, %add3A_89 : vector<1x8xf32>
    %div3A_91 = arith.constant 2.560000e+02 : f32
    %div3A_92 = vector.broadcast %div3A_91 : f32 to vector<1x8xf32>
    %div3A_93 = arith.divf %add3A_90, %div3A_92 : vector<1x8xf32>
    %floor3A = math.floor %div3A_93 : vector<1x8xf32>
    %mul3A = arith.constant 2.560000e+02 : f32
    %mul3A_94 = vector.broadcast %mul3A : f32 to vector<1x8xf32>
    %mul3A_95 = arith.mulf %floor3A, %mul3A_94 : vector<1x8xf32>
    %iota3A_96 = tpu.iota {dimensions = array<i32: 0>} : vector<8x8xi32>
    %iota3A_97 = tpu.iota {dimensions = array<i32: 1>} : vector<8x8xi32>
    %lt3A = arith.cmpi slt, %iota3A_96, %iota3A_97 : vector<8x8xi32>
    %convert_element_type3A_98 = arith.extui %lt3A : vector<8x8xi1> to vector<8x8xi32>
    %convert_element_type3A_99 = arith.sitofp %convert_element_type3A_98 : vector<8x8xi32> to vector<8x8xf32>
    %dot_general3A_100 = arith.constant dense<0.000000e+00> : vector<1x8xf32>
    %dot_general3A_101 = tpu.matmul %mul3A_95, %convert_element_type3A_99, %dot_general3A_100 {dimension_numbers = #tpu.dot_dimension_numbers<[1], [0], [0], [1], [0, 0, 1, 1], [], []>, transpose_lhs_hint = false} : vector<1x8xf32>, vector<8x8xf32>, vector<1x8xf32> -> vector<1x8xf32>
    %get3A_102 = arith.constant 0 : index
    %get3A_103 = arith.constant 0 : index
    %get3A_104 = vector.load %arg10[%get3A_102, %get3A_103] : memref<8192x1xf32, #tpu.memory_space<vmem>>, vector<8192x1xf32>
    %slice3A_105 = vector.extract_strided_slice %get3A_104 {offsets = [0, 0], sizes = [4096, 1], strides = [1, 1]} : vector<8192x1xf32> to vector<4096x1xf32>
    %mul3A_106 = vector.broadcast %dot_general3A_101 : vector<1x8xf32> to vector<4096x8xf32>
    %mul3A_107 = arith.mulf %convert_element_type3A_41, %mul3A_106 : vector<4096x8xf32>
    %reduce_sum3A_108 = arith.constant dense<0.000000e+00> : vector<4096xf32>
    %reduce_sum3A_109 = vector.multi_reduction <add>, %mul3A_107, %reduce_sum3A_108 [1] : vector<4096x8xf32> to vector<4096xf32>
    %broadcast_in_dim3A_110 = vector.shape_cast %reduce_sum3A_109 : vector<4096xf32> to vector<4096x1xf32>
    %add3A_111 = arith.addf %slice3A_105, %broadcast_in_dim3A_110 : vector<4096x1xf32>
    %slice3A_112 = vector.extract_strided_slice %get3A_104 {offsets = [4096, 0], sizes = [4096, 1], strides = [1, 1]} : vector<8192x1xf32> to vector<4096x1xf32>
    %mul3A_113 = vector.broadcast %dot_general3A_101 : vector<1x8xf32> to vector<4096x8xf32>
    %mul3A_114 = arith.mulf %convert_element_type3A_61, %mul3A_113 : vector<4096x8xf32>
    %reduce_sum3A_115 = arith.constant dense<0.000000e+00> : vector<4096xf32>
    %reduce_sum3A_116 = vector.multi_reduction <add>, %mul3A_114, %reduce_sum3A_115 [1] : vector<4096x8xf32> to vector<4096xf32>
    %broadcast_in_dim3A_117 = vector.shape_cast %reduce_sum3A_116 : vector<4096xf32> to vector<4096x1xf32>
    %add3A_118 = arith.addf %slice3A_112, %broadcast_in_dim3A_117 : vector<4096x1xf32>
    %convert_element_type3A_119 = arith.fptosi %add3A_111 : vector<4096x1xf32> to vector<4096x1xi32>
    %swap3A_120 = arith.constant 0 : index
    %swap3A_121 = arith.constant 0 : index
    %swap3A_122 = vector.load %arg3[%swap3A_120, %swap3A_121] : memref<4096x1xi32, #tpu.memory_space<vmem>>, vector<4096x1xi32>
    tpu.vector_store %arg3[%swap3A_120, %swap3A_121], %convert_element_type3A_119 {strides = array<i32>} : memref<4096x1xi32, #tpu.memory_space<vmem>>, vector<4096x1xi32>,
    %convert_element_type3A_123 = arith.fptosi %add3A_118 : vector<4096x1xf32> to vector<4096x1xi32>
    %swap3A_124 = arith.constant 0 : index
    %swap3A_125 = arith.constant 0 : index
    %swap3A_126 = vector.load %arg4[%swap3A_124, %swap3A_125] : memref<4096x1xi32, #tpu.memory_space<vmem>>, vector<4096x1xi32>
    tpu.vector_store %arg4[%swap3A_124, %swap3A_125], %convert_element_type3A_123 {strides = array<i32>} : memref<4096x1xi32, #tpu.memory_space<vmem>>, vector<4096x1xi32>,
    %iota3A_127 = tpu.iota {dimensions = array<i32: 1>} : vector<1x64xi32>
    %convert_element_type3A_128 = arith.sitofp %iota3A_127 : vector<1x64xi32> to vector<1x64xf32>
    %broadcast_in_dim3A_129 = arith.constant 0.000000e+00 : f32
    %broadcast_in_dim3A_130 = vector.broadcast %broadcast_in_dim3A_129 : f32 to vector<1x64xf32>
    %div3A_131 = arith.constant 2.560000e+02 : f32
    %div3A_132 = vector.broadcast %div3A_131 : f32 to vector<1x8xf32>
    %div3A_133 = arith.divf %dot_general3A_101, %div3A_132 : vector<1x8xf32>
    %slice3A_134 = vector.extract_strided_slice %div3A_133 {offsets = [0, 0], sizes = [1, 1], strides = [1, 1]} : vector<1x8xf32> to vector<1x1xf32>
    %ge3A_135 = vector.broadcast %slice3A_134 : vector<1x1xf32> to vector<1x64xf32>
    %ge3A_136 = arith.cmpf oge, %convert_element_type3A_128, %ge3A_135 : vector<1x64xf32>
    %convert_element_type3A_137 = arith.extui %ge3A_136 : vector<1x64xi1> to vector<1x64xi32>
    %convert_element_type3A_138 = arith.sitofp %convert_element_type3A_137 : vector<1x64xi32> to vector<1x64xf32>
    %add3A_139 = arith.addf %broadcast_in_dim3A_130, %convert_element_type3A_138 : vector<1x64xf32>
    %slice3A_140 = vector.extract_strided_slice %div3A_133 {offsets = [0, 1], sizes = [1, 1], strides = [1, 1]} : vector<1x8xf32> to vector<1x1xf32>
    %ge3A_141 = vector.broadcast %slice3A_140 : vector<1x1xf32> to vector<1x64xf32>
    %ge3A_142 = arith.cmpf oge, %convert_element_type3A_128, %ge3A_141 : vector<1x64xf32>
    %convert_element_type3A_143 = arith.extui %ge3A_142 : vector<1x64xi1> to vector<1x64xi32>
    %convert_element_type3A_144 = arith.sitofp %convert_element_type3A_143 : vector<1x64xi32> to vector<1x64xf32>
    %add3A_145 = arith.addf %add3A_139, %convert_element_type3A_144 : vector<1x64xf32>
    %slice3A_146 = vector.extract_strided_slice %div3A_133 {offsets = [0, 2], sizes = [1, 1], strides = [1, 1]} : vector<1x8xf32> to vector<1x1xf32>
    %ge3A_147 = vector.broadcast %slice3A_146 : vector<1x1xf32> to vector<1x64xf32>
    %ge3A_148 = arith.cmpf oge, %convert_element_type3A_128, %ge3A_147 : vector<1x64xf32>
    %convert_element_type3A_149 = arith.extui %ge3A_148 : vector<1x64xi1> to vector<1x64xi32>
    %convert_element_type3A_150 = arith.sitofp %convert_element_type3A_149 : vector<1x64xi32> to vector<1x64xf32>
    %add3A_151 = arith.addf %add3A_145, %convert_element_type3A_150 : vector<1x64xf32>
    %slice3A_152 = vector.extract_strided_slice %div3A_133 {offsets = [0, 3], sizes = [1, 1], strides = [1, 1]} : vector<1x8xf32> to vector<1x1xf32>
    %ge3A_153 = vector.broadcast %slice3A_152 : vector<1x1xf32> to vector<1x64xf32>
    %ge3A_154 = arith.cmpf oge, %convert_element_type3A_128, %ge3A_153 : vector<1x64xf32>
    %convert_element_type3A_155 = arith.extui %ge3A_154 : vector<1x64xi1> to vector<1x64xi32>
    %convert_element_type3A_156 = arith.sitofp %convert_element_type3A_155 : vector<1x64xi32> to vector<1x64xf32>
    %add3A_157 = arith.addf %add3A_151, %convert_element_type3A_156 : vector<1x64xf32>
    %slice3A_158 = vector.extract_strided_slice %div3A_133 {offsets = [0, 4], sizes = [1, 1], strides = [1, 1]} : vector<1x8xf32> to vector<1x1xf32>
    %ge3A_159 = vector.broadcast %slice3A_158 : vector<1x1xf32> to vector<1x64xf32>
    %ge3A_160 = arith.cmpf oge, %convert_element_type3A_128, %ge3A_159 : vector<1x64xf32>
    %convert_element_type3A_161 = arith.extui %ge3A_160 : vector<1x64xi1> to vector<1x64xi32>
    %convert_element_type3A_162 = arith.sitofp %convert_element_type3A_161 : vector<1x64xi32> to vector<1x64xf32>
    %add3A_163 = arith.addf %add3A_157, %convert_element_type3A_162 : vector<1x64xf32>
    %slice3A_164 = vector.extract_strided_slice %div3A_133 {offsets = [0, 5], sizes = [1, 1], strides = [1, 1]} : vector<1x8xf32> to vector<1x1xf32>
    %ge3A_165 = vector.broadcast %slice3A_164 : vector<1x1xf32> to vector<1x64xf32>
    %ge3A_166 = arith.cmpf oge, %convert_element_type3A_128, %ge3A_165 : vector<1x64xf32>
    %convert_element_type3A_167 = arith.extui %ge3A_166 : vector<1x64xi1> to vector<1x64xi32>
    %convert_element_type3A_168 = arith.sitofp %convert_element_type3A_167 : vector<1x64xi32> to vector<1x64xf32>
    %add3A_169 = arith.addf %add3A_163, %convert_element_type3A_168 : vector<1x64xf32>
    %slice3A_170 = vector.extract_strided_slice %div3A_133 {offsets = [0, 6], sizes = [1, 1], strides = [1, 1]} : vector<1x8xf32> to vector<1x1xf32>
    %ge3A_171 = vector.broadcast %slice3A_170 : vector<1x1xf32> to vector<1x64xf32>
    %ge3A_172 = arith.cmpf oge, %convert_element_type3A_128, %ge3A_171 : vector<1x64xf32>
    %convert_element_type3A_173 = arith.extui %ge3A_172 : vector<1x64xi1> to vector<1x64xi32>
    %convert_element_type3A_174 = arith.sitofp %convert_element_type3A_173 : vector<1x64xi32> to vector<1x64xf32>
    %add3A_175 = arith.addf %add3A_169, %convert_element_type3A_174 : vector<1x64xf32>
    %slice3A_176 = vector.extract_strided_slice %div3A_133 {offsets = [0, 7], sizes = [1, 1], strides = [1, 1]} : vector<1x8xf32> to vector<1x1xf32>
    %ge3A_177 = vector.broadcast %slice3A_176 : vector<1x1xf32> to vector<1x64xf32>
    %ge3A_178 = arith.cmpf oge, %convert_element_type3A_128, %ge3A_177 : vector<1x64xf32>
    %convert_element_type3A_179 = arith.extui %ge3A_178 : vector<1x64xi1> to vector<1x64xi32>
    %convert_element_type3A_180 = arith.sitofp %convert_element_type3A_179 : vector<1x64xi32> to vector<1x64xf32>
    %add3A_181 = arith.addf %add3A_175, %convert_element_type3A_180 : vector<1x64xf32>
    %add3A_182 = arith.constant 2.550000e+02 : f32
    %add3A_183 = vector.broadcast %add3A_182 : f32 to vector<1x8xf32>
    %add3A_184 = arith.addf %scan3A_86, %add3A_183 : vector<1x8xf32>
    %div3A_185 = arith.constant 2.560000e+02 : f32
    %div3A_186 = vector.broadcast %div3A_185 : f32 to vector<1x8xf32>
    %div3A_187 = arith.divf %add3A_184, %div3A_186 : vector<1x8xf32>
    %floor3A_188 = math.floor %div3A_187 : vector<1x8xf32>
    %reduce_sum3A_189 = arith.constant dense<0.000000e+00> : vector<1xf32>
    %reduce_sum3A_190 = vector.multi_reduction <add>, %floor3A_188, %reduce_sum3A_189 [1] : vector<1x8xf32> to vector<1xf32>
    %broadcast_in_dim3A_191 = vector.shape_cast %reduce_sum3A_190 : vector<1xf32> to vector<1x1xf32>
    %eq3A_192 = arith.constant 6.300000e+01 : f32
    %eq3A_193 = vector.broadcast %eq3A_192 : f32 to vector<1x64xf32>
    %eq3A_194 = arith.cmpf oeq, %convert_element_type3A_128, %eq3A_193 : vector<1x64xf32>
    %sub3A_195 = arith.constant 1.000000e+00 : f32
    %sub3A_196 = vector.broadcast %sub3A_195 : f32 to vector<1x64xf32>
    %sub3A_197 = arith.subf %add3A_181, %sub3A_196 : vector<1x64xf32>
    %broadcast_in_dim3A_198 = vector.shape_cast %broadcast_in_dim3A_191 : vector<1x1xf32> to vector<1x1xf32>
    %broadcast_in_dim3A_199 = vector.broadcast %broadcast_in_dim3A_198 : vector<1x1xf32> to vector<1x64xf32>
    %select_n3A_200 = arith.select %eq3A_194, %broadcast_in_dim3A_199, %sub3A_197 : vector<1x64xi1>, vector<1x64xf32>
    %convert_element_type3A_201 = arith.fptosi %select_n3A_200 : vector<1x64xf32> to vector<1x64xi32>
    %swap3A_202 = arith.constant 0 : index
    %swap3A_203 = arith.constant 0 : index
    %swap3A_204 = vector.load %arg7[%swap3A_202, %swap3A_203] : memref<1x64xi32, #tpu.memory_space<vmem>>, vector<1x64xi32>
    tpu.vector_store %arg7[%swap3A_202, %swap3A_203], %convert_element_type3A_201 {strides = array<i32>} : memref<1x64xi32, #tpu.memory_space<vmem>>, vector<1x64xi32>,
    return
  }
}

module attributes {stable_mosaic.version = 14 : i64} {
  func.func @_gmm_body(%arg0: i32, %arg1: i32, %arg2: memref<64xi32, #tpu.memory_space<smem>>, %arg3: memref<256x512xi32, #tpu.memory_space<vmem>>, %arg4: memref<1x3584x1024xbf16, #tpu.memory_space<vmem>>, %arg5: memref<1x3584x1024xbf16, #tpu.memory_space<vmem>>, %arg6: memref<1x1024x3584xbf16, #tpu.memory_space<vmem>>, %arg7: memref<1x256x1xf32, #tpu.memory_space<vmem>>, %arg8: memref<256x1024xf32, #tpu.memory_space<vmem>>, %arg9: memref<256x1024xbf16, #tpu.memory_space<vmem>>) attributes {dimension_semantics = [#tpu.dimension_semantics<parallel>, #tpu.dimension_semantics<arbitrary>], iteration_bounds = array<i64: 40, 1>, scalar_prefetch = 1 : i64, scratch_operands = 1 : i64, tpu.core_type = #tpu.core_type<tc>, window_params = [{transform_indices = @transform_0, window_bounds = array<i64: 256, 512>}, {transform_indices = @transform_1, window_bounds = array<i64: 1, 3584, 1024>}, {transform_indices = @transform_2, window_bounds = array<i64: 1, 3584, 1024>}, {transform_indices = @transform_3, window_bounds = array<i64: 1, 1024, 3584>}, {transform_indices = @transform_4, window_bounds = array<i64: 1, 256, 1>}, {transform_indices = @transform_5, window_bounds = array<i64: 256, 1024>}]} {
    %get3A = arith.constant 63 : index
    %get3A_0 = memref.load %arg2[%get3A] : memref<64xi32, #tpu.memory_space<smem>>
    %lt3A = arith.cmpi slt, %arg0, %get3A_0 : i32
    %convert_element_type3A = arith.extui %lt3A : i1 to i32
    %cond3A = arith.constant 0 : i32
    %cond3A_1 = arith.cmpi ne, %convert_element_type3A, %cond3A : i32
    scf.if %cond3A_1 {
      %eq3A = arith.constant 0 : i32
      %eq3A_2 = arith.cmpi eq, %arg1, %eq3A : i32
      %convert_element_type3A_3 = arith.extui %eq3A_2 : i1 to i32
      %cond3A_4 = arith.constant 0 : i32
      %cond3A_5 = arith.cmpi ne, %convert_element_type3A_3, %cond3A_4 : i32
      scf.if %cond3A_5 {
        %get3A_50 = arith.constant 0 : index
        %get3A_51 = arith.constant 0 : index
        %get3A_52 = vector.load %arg3[%get3A_50, %get3A_51] : memref<256x512xi32, #tpu.memory_space<vmem>>, vector<256x512xi32>
        %shift_left3A = arith.constant 16 : i32
        %shift_left3A_53 = vector.broadcast %shift_left3A : i32 to vector<256x512xi32>
        %shift_left3A_54 = arith.shli %get3A_52, %shift_left3A_53 : vector<256x512xi32>
        %bitcast_convert_type3A = tpu.bitcast %shift_left3A_54 : vector<256x512xi32> -> vector<256x512xf32>
        %and3A = arith.constant -65536 : i32
        %and3A_55 = vector.broadcast %and3A : i32 to vector<256x512xi32>
        %and3A_56 = arith.andi %get3A_52, %and3A_55 : vector<256x512xi32>
        %bitcast_convert_type3A_57 = tpu.bitcast %and3A_56 : vector<256x512xi32> -> vector<256x512xf32>
        %concatenate3A = tpu.concatenate %bitcast_convert_type3A, %bitcast_convert_type3A_57 in 1 : vector<256x512xf32>, vector<256x512xf32> -> vector<256x1024xf32>
        %convert_element_type3A_58 = arith.truncf %concatenate3A : vector<256x1024xf32> to vector<256x1024xbf16>
        %swap3A = arith.constant 0 : index
        %swap3A_59 = arith.constant 0 : index
        %swap3A_60 = vector.load %arg9[%swap3A, %swap3A_59] : memref<256x1024xbf16, #tpu.memory_space<vmem>>, vector<256x1024xbf16>
        tpu.vector_store %arg9[%swap3A, %swap3A_59], %convert_element_type3A_58 {strides = array<i32>} : memref<256x1024xbf16, #tpu.memory_space<vmem>>, vector<256x1024xbf16>,
      } else {
      }
      %get3A_6 = arith.constant 0 : index
      %get3A_7 = arith.constant 0 : index
      %get3A_8 = vector.load %arg9[%get3A_6, %get3A_7] : memref<256x1024xbf16, #tpu.memory_space<vmem>>, vector<256x1024xbf16>
      %get3A_9 = arith.constant 0 : index
      %get3A_10 = arith.constant 0 : index
      %get3A_11 = arith.constant 0 : index
      %get3A_12 = vector.load %arg4[%get3A_9, %get3A_10, %get3A_11] : memref<1x3584x1024xbf16, #tpu.memory_space<vmem>>, vector<1x3584x1024xbf16>
      %get3A_13 = vector.shape_cast %get3A_12 : vector<1x3584x1024xbf16> to vector<3584x1024xbf16>
      %dot_general3A = arith.constant dense<0.000000e+00> : vector<256x3584xf32>
      %dot_general3A_14 = tpu.matmul %get3A_8, %get3A_13, %dot_general3A {dimension_numbers = #tpu.dot_dimension_numbers<[1], [1], [0], [0], [0, 0, 1, 0], [], []>, transpose_lhs_hint = false} : vector<256x1024xbf16>, vector<3584x1024xbf16>, vector<256x3584xf32> -> vector<256x3584xf32>
      %logistic3A = arith.negf %dot_general3A_14 : vector<256x3584xf32>
      %logistic3A_15 = math.exp %logistic3A : vector<256x3584xf32>
      %logistic3A_16 = arith.constant 1.000000e+00 : f32
      %logistic3A_17 = vector.broadcast %logistic3A_16 : f32 to vector<256x3584xf32>
      %logistic3A_18 = arith.addf %logistic3A_17, %logistic3A_15 : vector<256x3584xf32>
      %logistic3A_19 = arith.divf %logistic3A_17, %logistic3A_18 : vector<256x3584xf32>
      %mul3A = arith.mulf %dot_general3A_14, %logistic3A_19 : vector<256x3584xf32>
      %get3A_20 = arith.constant 0 : index
      %get3A_21 = arith.constant 0 : index
      %get3A_22 = arith.constant 0 : index
      %get3A_23 = vector.load %arg5[%get3A_20, %get3A_21, %get3A_22] : memref<1x3584x1024xbf16, #tpu.memory_space<vmem>>, vector<1x3584x1024xbf16>
      %get3A_24 = vector.shape_cast %get3A_23 : vector<1x3584x1024xbf16> to vector<3584x1024xbf16>
      %dot_general3A_25 = arith.constant dense<0.000000e+00> : vector<256x3584xf32>
      %dot_general3A_26 = tpu.matmul %get3A_8, %get3A_24, %dot_general3A_25 {dimension_numbers = #tpu.dot_dimension_numbers<[1], [1], [0], [0], [0, 0, 1, 0], [], []>, transpose_lhs_hint = false} : vector<256x1024xbf16>, vector<3584x1024xbf16>, vector<256x3584xf32> -> vector<256x3584xf32>
      %mul3A_27 = arith.mulf %mul3A, %dot_general3A_26 : vector<256x3584xf32>
      %convert_element_type3A_28 = arith.truncf %mul3A_27 : vector<256x3584xf32> to vector<256x3584xbf16>
      %get3A_29 = arith.constant 0 : index
      %get3A_30 = arith.constant 0 : index
      %get3A_31 = arith.constant 0 : index
      %get3A_32 = vector.load %arg6[%get3A_29, %get3A_30, %get3A_31] : memref<1x1024x3584xbf16, #tpu.memory_space<vmem>>, vector<1x1024x3584xbf16>
      %get3A_33 = vector.shape_cast %get3A_32 : vector<1x1024x3584xbf16> to vector<1024x3584xbf16>
      %dot_general3A_34 = arith.constant dense<0.000000e+00> : vector<256x1024xf32>
      %dot_general3A_35 = tpu.matmul %convert_element_type3A_28, %get3A_33, %dot_general3A_34 {dimension_numbers = #tpu.dot_dimension_numbers<[1], [1], [0], [0], [0, 0, 1, 0], [], []>, transpose_lhs_hint = false} : vector<256x3584xbf16>, vector<1024x3584xbf16>, vector<256x1024xf32> -> vector<256x1024xf32>
      %eq3A_36 = arith.constant 0 : i32
      %eq3A_37 = arith.cmpi eq, %arg1, %eq3A_36 : i32
      %convert_element_type3A_38 = arith.extui %eq3A_37 : i1 to i32
      %cond3A_39 = arith.constant 0 : i32
      %cond3A_40 = arith.cmpi ne, %convert_element_type3A_38, %cond3A_39 : i32
      scf.if %cond3A_40 {
        %swap3A = arith.constant 0 : index
        %swap3A_50 = arith.constant 0 : index
        %swap3A_51 = vector.load %arg8[%swap3A, %swap3A_50] : memref<256x1024xf32, #tpu.memory_space<vmem>>, vector<256x1024xf32>
        tpu.vector_store %arg8[%swap3A, %swap3A_50], %dot_general3A_35 {strides = array<i32>} : memref<256x1024xf32, #tpu.memory_space<vmem>>, vector<256x1024xf32>,
      } else {
      }
      %gt3A = arith.constant 0 : i32
      %gt3A_41 = arith.cmpi sgt, %arg1, %gt3A : i32
      %convert_element_type3A_42 = arith.extui %gt3A_41 : i1 to i32
      %cond3A_43 = arith.constant 0 : i32
      %cond3A_44 = arith.cmpi ne, %convert_element_type3A_42, %cond3A_43 : i32
      scf.if %cond3A_44 {
        %get3A_50 = arith.constant 0 : index
        %get3A_51 = arith.constant 0 : index
        %get3A_52 = vector.load %arg8[%get3A_50, %get3A_51] : memref<256x1024xf32, #tpu.memory_space<vmem>>, vector<256x1024xf32>
        %add3A = arith.addf %get3A_52, %dot_general3A_35 : vector<256x1024xf32>
        %swap3A = arith.constant 0 : index
        %swap3A_53 = arith.constant 0 : index
        %swap3A_54 = vector.load %arg8[%swap3A, %swap3A_53] : memref<256x1024xf32, #tpu.memory_space<vmem>>, vector<256x1024xf32>
        tpu.vector_store %arg8[%swap3A, %swap3A_53], %add3A {strides = array<i32>} : memref<256x1024xf32, #tpu.memory_space<vmem>>, vector<256x1024xf32>,
      } else {
      }
      %eq3A_45 = arith.constant 0 : i32
      %eq3A_46 = arith.cmpi eq, %arg1, %eq3A_45 : i32
      %convert_element_type3A_47 = arith.extui %eq3A_46 : i1 to i32
      %cond3A_48 = arith.constant 0 : i32
      %cond3A_49 = arith.cmpi ne, %convert_element_type3A_47, %cond3A_48 : i32
      scf.if %cond3A_49 {
        %get3A_50 = arith.constant 0 : index
        %get3A_51 = arith.constant 0 : index
        %get3A_52 = vector.load %arg8[%get3A_50, %get3A_51] : memref<256x1024xf32, #tpu.memory_space<vmem>>, vector<256x1024xf32>
        %get3A_53 = arith.constant 0 : index
        %get3A_54 = arith.constant 0 : index
        %get3A_55 = arith.constant 0 : index
        %get3A_56 = vector.load %arg7[%get3A_53, %get3A_54, %get3A_55] : memref<1x256x1xf32, #tpu.memory_space<vmem>>, vector<1x256x1xf32>
        %get3A_57 = vector.shape_cast %get3A_56 : vector<1x256x1xf32> to vector<256x1xf32>
        %mul3A_58 = vector.broadcast %get3A_57 : vector<256x1xf32> to vector<256x1024xf32>
        %mul3A_59 = arith.mulf %get3A_52, %mul3A_58 : vector<256x1024xf32>
        %swap3A = arith.constant 0 : index
        %swap3A_60 = arith.constant 0 : index
        %swap3A_61 = vector.load %arg8[%swap3A, %swap3A_60] : memref<256x1024xf32, #tpu.memory_space<vmem>>, vector<256x1024xf32>
        tpu.vector_store %arg8[%swap3A, %swap3A_60], %mul3A_59 {strides = array<i32>} : memref<256x1024xf32, #tpu.memory_space<vmem>>, vector<256x1024xf32>,
      } else {
      }
    } else {
    }
    return
  }
  func.func @transform_0(%arg0: i32, %arg1: i32, %arg2: memref<64xi32, #tpu.memory_space<smem>>) -> (i32, i32) {
    %c0_i32 = arith.constant 0 : i32
    %c0_i32_0 = arith.constant 0 : i32
    return %arg0, %c0_i32 : i32, i32
  }
  func.func @transform_1(%arg0: i32, %arg1: i32, %arg2: memref<64xi32, #tpu.memory_space<smem>>) -> (i32, i32, i32) {
    %get3A = arith.index_cast %arg0 : i32 to index
    %get3A_0 = memref.load %arg2[%get3A] : memref<64xi32, #tpu.memory_space<smem>>
    %c0_i32 = arith.constant 0 : i32
    %c0_i32_1 = arith.constant 0 : i32
    return %get3A_0, %arg1, %c0_i32 : i32, i32, i32
  }
  func.func @transform_2(%arg0: i32, %arg1: i32, %arg2: memref<64xi32, #tpu.memory_space<smem>>) -> (i32, i32, i32) {
    %get3A = arith.index_cast %arg0 : i32 to index
    %get3A_0 = memref.load %arg2[%get3A] : memref<64xi32, #tpu.memory_space<smem>>
    %c0_i32 = arith.constant 0 : i32
    %c0_i32_1 = arith.constant 0 : i32
    return %get3A_0, %arg1, %c0_i32 : i32, i32, i32
  }
  func.func @transform_3(%arg0: i32, %arg1: i32, %arg2: memref<64xi32, #tpu.memory_space<smem>>) -> (i32, i32, i32) {
    %get3A = arith.index_cast %arg0 : i32 to index
    %get3A_0 = memref.load %arg2[%get3A] : memref<64xi32, #tpu.memory_space<smem>>
    %c0_i32 = arith.constant 0 : i32
    %c0_i32_1 = arith.constant 0 : i32
    return %get3A_0, %c0_i32, %arg1 : i32, i32, i32
  }
  func.func @transform_4(%arg0: i32, %arg1: i32, %arg2: memref<64xi32, #tpu.memory_space<smem>>) -> (i32, i32, i32) {
    %c0_i32 = arith.constant 0 : i32
    %c0_i32_0 = arith.constant 0 : i32
    %c0_i32_1 = arith.constant 0 : i32
    return %arg0, %c0_i32, %c0_i32_0 : i32, i32, i32
  }
  func.func @transform_5(%arg0: i32, %arg1: i32, %arg2: memref<64xi32, #tpu.memory_space<smem>>) -> (i32, i32) {
    %c0_i32 = arith.constant 0 : i32
    %c0_i32_0 = arith.constant 0 : i32
    return %arg0, %c0_i32 : i32, i32
  }
}

</mosaic_0001>

<sc_bundles>
// kernel: kernel.6.cloned.1.call-start
scs
__scs_entry_jumppad:
0x0: {  	(pc) =	sbr.rel $0x88, $3  }
0x1: {  	(tag) =	ssettag $0x0;
	lr =	simm.s32 $0x1  }
0x2: {  	[smem:$0x3F9B] =	sst lr;
	_ =	strace $0xD0000000  }
0x3: {  	_ = 	snop  }
0x4: {  	_ = 	snop  }
0x5: {  	_ = 	snop  }
0x6: {  	_ = 	snop  }
0x7: {  	_ = 	snop  }
__scs_overlays_trampoline_lowered:
0x8: {  	[smem:$0x3FAA] =	sst s0  }
0x9: {  	[smem:$0x3FAB] =	sst s1  }
0xa: {  	[smem:$0x3FAC] =	sst s2  }
0xb: {  	[smem:$0x3FAD] =	sst s3  }
0xc: {  	[smem:$0x3FAE] =	sst s4  }
0xd: {  	[smem:$0x3FAF] =	sst s5  }
0xe: {  	[smem:$0x3FB0] =	sst s6  }
0xf: {  	[smem:$0x3FB1] =	sst s7  }
0x10: {  	[smem:$0x3FB2] =	sst s8  }
0x11: {  	[smem:$0x3FB3] =	sst s9;
	s0 =	simm.s32 @!p0 $0x0  }
0x12: {  	s1 =	sld [smem:$0x3F99];
	s0 =	simm.s32 @p0 $0x1  }
0x13: {  	[smem:$0x3FB4] =	sst s0;
	s0 =	simm.s32 @!p1 $0x0  }
0x14: {  	s2 =	sld [smem:$0x3F98];
	s0 =	simm.s32 @p1 $0x1  }
0x15: {  	[smem:$0x3FB5] =	sst s0;
	s0 =	simm.s32 @!p2 $0x0  }
0x16: {  	s3 =	sld [smem:$0x3FDB];
	s0 =	simm.s32 @p2 $0x1  }
0x17: {  	s4 =	simm.s32 $0x1BF5;
	[smem:$0x3FB7] =	sst s0  }
0x18: {  	s0 =	sld [smem:$0x3F9A];
	_ =	swait.ge [sflag:s4], $0x0  }
0x19: {  	s7 =	sld [smem:$0x3F9B]  }
0x1a: {  	s8 =	sadd.s32 $0xFFFFE003, lr  }
0x1b: {  	s9 =	sadd.s32 $0xFFFFFEF7, lr;
	s5 =	simm.s32 $0xFFFFFFFF;
	p2 =	slt.u32 s8, $0xFFFFF086  }
0x1c: {  	p1 =	slt.u32 s9, $0xF7A;
	s5 =	simm.s32 @!p2 $0x0  }
0x1d: {  	s5 =	simm.s32 @p1 $0x1;
	p0 =	seq.s32 s7, s2  }
0x1e: {  	s7 =	smul.u32 @!p0 $0xF7A, s2;
	p2 =	seq.s32 @!p0 s5, $0x0  }
0x1f: {  	s9 =	smul.u32 $0xF7A, s1;
	s8 =	simm.s32 @!p0 $0x1BF5;
	p2 =	por !p2, p0  }
0x20: {  	[sflag:s8] =	ssyncset.s32 @!p0 $0xFFFFF086;
	s6 =	sadd.s32 @!p0 s3, s7;
	s7 =	simm.s32 @!p0 $0x108  }
0x21: {  	s3 =	sadd.s32 s3, s9;
	s6 =	sadd.s32 @!p0 $0x88, s6;
	s7 =	simm.s32 @p2 $0x1082  }
0x22: {  	[simem:s7], [sflag:s8] =	dma.local @!p0 [hbm:s6], $0xF7A  }
0x23: {  	s9 =	sor.u32 $0xD0000000, s2;
	s6 =	simm.s32 $0x108;
	_ =	swait.ge @!p0 [sflag:s8], $0x0  }
0x24: {  	s3 =	sadd.s32 $0x88, s3;
	s6 =	simm.s32 @!p1 $0x1082;
	[sflag:s4] =	ssyncset.s32 $0xFFFFF086  }
0x25: {  	[simem:s6], [sflag:s4] =	dma.local [hbm:s3], $0xF7A  }
0x26: {  	[smem:$0x3F9B] =	sst s1;
	(tag) =	ssettag s2;
	_ =	strace s9  }
0x27: {  	s1 =	sld [smem:$0x3FAB]  }
0x28: {  	s2 =	sld [smem:$0x3FAC]  }
0x29: {  	s4 =	sld [smem:$0x3FAE]  }
0x2a: {  	p0 =	seq.s32 s5, $0x0;
	s5 =	sld [smem:$0x3FAF]  }
0x2b: {  	s6 =	sld [smem:$0x3FB0]  }
0x2c: {  	s7 =	sld [smem:$0x3FB1]  }
0x2d: {  	s3 =	simm.s32 $0x108;
	s8 =	sld [smem:$0x3FB2]  }
0x2e: {  	s3 =	simm.s32 @!p0 $0x1082;
	s9 =	sld [smem:$0x3FB3]  }
0x2f: {  	lr =	sadd.s32 s0, s3;
	s0 =	sld [smem:$0x3FAA]  }
0x30: {  	s3 =	sld [smem:$0x3FAD]  }
0x31: {  	[smem:$0x3FB6] =	sst s10  }
0x32: {  	s10 =	sld [smem:$0x3FB4];
	_ =	sdelay $0x3  }
0x33: {  	p0 =	seq.s32 s10, $0x1;
	s10 =	sld [smem:$0x3FB6];
	_ =	sdelay $0x3  }
0x34: {  	[smem:$0x3FB6] =	sst s10  }
0x35: {  	s10 =	sld [smem:$0x3FB5];
	_ =	sdelay $0x3  }
0x36: {  	p1 =	seq.s32 s10, $0x1;
	s10 =	sld [smem:$0x3FB6];
	_ =	sdelay $0x3  }
0x37: {  	[smem:$0x3FB6] =	sst s10  }
0x38: {  	s10 =	sld [smem:$0x3FB7]  }
0x39: {  	_ = 	snop;
	(pc) =	sbr.ind lr, $3  }
0x3a: {  	_ = 	snop  }
0x3b: {  	_ = 	snop  }
0x3c: {  	p2 =	seq.s32 s10, $0x1;
	s10 =	sld [smem:$0x3FB6]  }
0x3d: {  	_ =	shalt  }
0x3e: {  	_ =	shalt  }
0x3f: {  	_ =	shalt  }
0x40: {  	_ =	shalt  }
0x41: {  	_ =	shalt  }
0x42: {  	_ =	shalt  }
0x43: {  	_ =	shalt  }
0x44: {  	_ =	shalt  }
0x45: {  	_ =	shalt  }
0x46: {  	_ =	shalt  }
0x47: {  	_ =	shalt  }
0x48: {  	_ =	shalt  }
0x49: {  	_ =	shalt  }
0x4a: {  	_ =	shalt  }
0x4b: {  	_ =	shalt  }
0x4c: {  	_ =	shalt  }
0x4d: {  	_ =	shalt  }
0x4e: {  	_ =	shalt  }
0x4f: {  	_ =	shalt  }
0x50: {  	_ =	shalt  }
0x51: {  	_ =	shalt  }
0x52: {  	_ =	shalt  }
0x53: {  	_ =	shalt  }
0x54: {  	_ =	shalt  }
0x55: {  	_ =	shalt  }
0x56: {  	_ =	shalt  }
0x57: {  	_ =	shalt  }
0x58: {  	_ =	shalt  }
0x59: {  	_ =	shalt  }
0x5a: {  	_ =	shalt  }
0x5b: {  	_ =	shalt  }
0x5c: {  	_ =	shalt  }
0x5d: {  	_ =	shalt  }
0x5e: {  	_ =	shalt  }
0x5f: {  	_ =	shalt  }
0x60: {  	_ =	shalt  }
0x61: {  	_ =	shalt  }
0x62: {  	_ =	shalt  }
0x63: {  	_ =	shalt  }
0x64: {  	_ =	shalt  }
0x65: {  	_ =	shalt  }
0x66: {  	_ =	shalt  }
0x67: {  	_ =	shalt  }
0x68: {  	_ =	shalt  }
0x69: {  	_ =	shalt  }
0x6a: {  	_ =	shalt  }
0x6b: {  	_ =	shalt  }
0x6c: {  	_ =	shalt  }
0x6d: {  	_ =	shalt  }
0x6e: {  	_ =	shalt  }
0x6f: {  	_ =	shalt  }
0x70: {  	_ =	shalt  }
0x71: {  	_ =	shalt  }
0x72: {  	_ =	shalt  }
0x73: {  	_ =	shalt  }
0x74: {  	_ =	shalt  }
0x75: {  	_ =	shalt  }
0x76: {  	_ =	shalt  }
0x77: {  	_ =	shalt  }
0x78: {  	_ =	shalt  }
0x79: {  	_ =	shalt  }
0x7a: {  	_ =	shalt  }
0x7b: {  	_ =	shalt  }
0x7c: {  	_ =	shalt  }
0x7d: {  	_ =	shalt  }
0x7e: {  	_ =	shalt  }
0x7f: {  	_ =	shalt  }
0x80: {  	_ =	shalt  }
0x81: {  	_ =	shalt  }
0x82: {  	_ =	shalt  }
0x83: {  	_ =	shalt  }
0x84: {  	_ =	shalt  }
0x85: {  	_ =	shalt  }
0x86: {  	_ =	shalt  }
0x87: {  	_ =	shalt  }
.Lfunc_end0:
.L_simem_size_0:
called_computation_lowered:
.L_overlay_start_0:
0x88: {  	s2 =	sld [smem:$0x3FD9]  }
0x89: {  	s3 =	sld [smem:$0x3FFE];
	_ =	sdelay $0x1  }
0x8a: {  	s1 =	srdreg.scid  }
0x8b: {  	s0 =	sand.u32 $0x1, s1  }
0x8c: {  	s14 =	sshll.u32 s0, $0xA;
	s2 =	sadd.s32 s3, s2  }
0x8d: {  	s2 =	sadd.s32 s2, s14  }
0x8e: {  	[smem:$0x3FC2] =	sst s2  }
0x8f: {  	_ = 	snop  }
0x90: {  	s2 =	sld [smem:$0x3FD0];
	_ =	sdelay $0x2  }
0x91: {  	s15 =	simm.s32 $0xA;
	s4 =	simm.s32 $0x10  }
0x92: {  	[smem:s4], [sflag:s15] =	dma.local [hbm:s2], $0x1  }
0x93: {  	_ =	swait.eq [sflag:s15], $0x1  }
0x94: {  	[sflag:s15] =	ssyncset.done $0x0  }
0x95: {  	s16 =	sld [smem:$0x10];
	[sflag:s15] =	ssyncadd.s32 $0xFFFFFFFF  }
0x96: {  	s17 =	sld [smem:$0x11];
	(tm) =	ssettm $0x1  }
0x97: {  	s18 =	sld [smem:$0x3FFB];
	_ =	sdelay $0x3  }
0x98: {  	_ =	strace s18  }
0x99: {  	s4 =	sld [smem:$0x3FFC];
	_ =	sdelay $0x3  }
0x9a: {  	_ =	strace s4  }
0x9b: {  	s4 =	sld [smem:$0x3FFD];
	_ =	sdelay $0x3  }
0x9c: {  	_ =	strace s4  }
0x9d: {  	_ =	strace $0x8FFFFFFF  }
0x9e: {  	s19 =	sld [smem:$0x3FDB];
	_ =	sdelay $0x1  }
0x9f: {  	s5 =	simm.s32 $_scs_section_size  }
0xa0: {  	s6 =	simm.s32 $_size__tile_overlayer_lowered;
	s7 =	simm.s32 $_tile_overlayer_lowered  }
0xa1: {  	s22 =	simm.s32 $0x1BFF;
	s21 =	sshll.u32 s7, $0x1;
	s4 =	sadd.s32 s5, s19  }
0xa2: {  	s8 =	simm.s32 $0x0;
	s20 =	sshll.u32 s6, $0x1;
	s6 =	sadd.s32 s21, s4  }
0xa3: {  	[timem:s8], [sflag:s22] =	dma.local [hbm:s6], s20  }
0xa4: {  	_ =	swait.ge [sflag:s22], s20  }
0xa5: {  	s5 =	ssub.s32 $0x0, s20;
	[sflag:s22] =	ssyncset.done $0x0  }
0xa6: {  	[sflag:s22] =	ssyncadd.s32 s5;
	_ =	sdelay $0x1  }
0xa7: {  	s23 =	simm.s32 $0x1B8B  }
0xa8: {  	_ =	swait.ge [sflag:s23], $0x1  }
0xa9: {  	[sflag:s23] =	ssyncset.done $0x0  }
0xaa: {  	s25 =	simm.s32 $0x1B8E;
	s24 =	sld [smem:$0x3FFE];
	[sflag:s23] =	ssyncadd.s32 $0xFFFFFFFF  }
0xab: {  	s26 =	simm.s32 $execute0_lowered;
	[smem:$0x3FD2] =	sst s25  }
0xac: {  	s6 =	sshll.u32 s26, $0x1;
	_ =	strace $0x80000046;
	[dreg:$0x1] =	wrdreg $0xFFFFFFFF  }
0xad: {  	s28 =	simm.s32 $_size_execute0_lowered;
	s4 =	sadd.s32 s4, s6;
	[dreg:$0x0] =	wrdreg $0x0  }
0xae: {  	s6 =	sshll.u32 s28, $0x1;
	[dreg:$0x2] =	wrdreg s4  }
0xaf: {  	[dreg:$0x3] =	wrdreg s6  }
0xb0: {  	[dreg:$0x4] =	wrdreg $0xC0  }
0xb1: {  	_ =	task [dreg:s8], $0x5FFFF  }
0xb2: {  	[dreg:$0x1] =	wrdreg $0xFFFFFFFF  }
0xb3: {  	[dreg:$0x0] =	wrdreg $0x60  }
0xb4: {  	[dreg:$0x2] =	wrdreg s24  }
0xb5: {  	[dreg:$0x3] =	wrdreg s16  }
0xb6: {  	[dreg:$0x4] =	wrdreg s17  }
0xb7: {  	[dreg:$0x5] =	wrdreg $0x90000  }
0xb8: {  	[dreg:$0x6] =	wrdreg $0x9  }
0xb9: {  	_ =	task.clear_ibuf [dreg:s8], $0x7FFFF;
	_ =	strace $0x90000046  }
0xba: {  	s29 =	simm.s32 $0x9;
	_ =	strace $0x80000048  }
0xbb: {  	_ =	swait.ge [sflag:s29], $0x1  }
0xbc: {  	[sflag:s29] =	ssyncadd.s32 $0xFFFFFFFF  }
0xbd: {  	_ =	strace $0x90000048  }
0xbe: {  	_ =	sfence  }
0xbf: {  	s30 =	sld [smem:$0x0];
	_ =	sdelay $0x2  }
0xc0: {  	s31 =	sshll.u32 s1, $0xD;
	s1 =	sshrl.u32 s1, $0x2  }
0xc1: {  	s3 =	sand.u32 $0x4000, s31;
	s1 =	sadd.s32 s1, s30  }
0xc2: {  	s0 =	sor.u32 s3, s0;
	s1 =	sshll.u32 s1, $0x11  }
0xc3: {  	s0 =	sor.u32 s1, s0  }
0xc4: {  	s0 =	sadd.s32 $0x8F2B, s0  }
0xc5: {  	[sflag:s0] =	ssyncadd.remote.s32 $0x1  }
0xc6: {  	_ =	sfence.sel $0xFFFF  }
0xc7: {  	[dreg:$0x0] =	wrdreg $0xFFFFFFFF;
	(pc) =	sbr.abs _section_cstart, $3  }
0xc8: {  	[dreg:$0x1] =	wrdreg $0xFFFFFFFF  }
0xc9: {  	_ =	task.clear_ibuf [dreg:s8], $0x2FFFF;
	_ =	strace $0x9FFFFFFF  }
0xca: {  	(tm) =	ssettm $0x7FFFFFFF  }
0xcb: {  	_ =	shalt  }
tec
execute0_lowered:
.L_overlay_start_1:
0x0: {  	(tag) =	ssettag $0x1  }
0x1: {  	s0 =	rddreg [dreg:$0x0]  }
0x2: {  	s1 =	rddreg [dreg:$0x1]  }
0x3: {  	s10 =	rddreg [dreg:$0x3];
	s4 =	simm.s32 $0x0  }
0x4: {  	s2 =	srdreg.scid;
	s3 =	stileid.u32;
	s16 =	simm.s32 $0x2  }
0x5: {  	s28 =	simm.s32 $0x9C00;
	s29 =	simm.s32 $0xA400;
	s30 =	simm.s32 $0xAC00  }
0x6: {  	s31 =	simm.s32 $0xB400;
	s17 =	simm.s32 $0xEC00;
	s18 =	simm.s32 $0xF400  }
0x7: {  	s19 =	simm.s32 $0xFC00;
	s12 =	simm.s32 $0x0;
	[smem:$0x7FF] =	sst s4  }
0x8: {  	s2 =	sand.u32 $0x1, s2;
	s5 =	sshll.u32 s3, $0x1;
	s6 =	sadd.s32 $0x10800, s0  }
0x9: {  	s20 =	sadd.s32 $0x10A00, s0;
	s8 =	sadd.s32 $0x10C00, s0;
	s11 =	sadd.s32 $0x10E00, s0  }
0xa: {  	s0 =	sadd.s32 $0x11000, s0;
	_ =	strace $0x80000047;
	[dreg:$0x5] =	wrdreg s6  }
0xb: {  	p0 =	sne.s32 s3, $0x0;
	s3 =	simm.s32 $0xE400;
	[dreg:$0x6] =	wrdreg s20  }
0xc: {  	s5 =	sor.u32 s2, s5;
	s21 =	ssub.s32 $0x2, s2;
	[dreg:$0x7] =	wrdreg s8  }
0xd: {  	[dreg:$0x8] =	wrdreg s11;
	s20 =	simm.s32 $0x4000;
	p1 =	sne.s32 s2, $0x0  }
0xe: {  	s2 =	simm.s32 $0xDC00;
	s8 =	simm.s32 $0x11C00;
	s7 =	smul.u32 $0x500, s5  }
0xf: {  	s11 =	simm.s32 $0x1;
	s22 =	sshrl.u32 s21, $0x1;
	s9 =	smul.u32 $0x28000, s5  }
0x10: {  	s5 =	smul.u32 $0x5000, s5;
	s6 =	ssub.s32 s21, s22;
	s21 =	simm.s32 $0x6800  }
0x11: {  	s22 =	simm.s32 $0x12400;
	s7 =	sshrl.u32 s7, $0x2;
	s23 =	sshrl.u32 s9, $0x3  }
0x12: {  	s9 =	simm.s32 $0x12C00;
	s7 =	sadd.s32 s7, s10;
	s24 =	sadd.s32 s0, s23  }
.Ltmp0:
0x13: {  	s0 =	sadd.s32 s0, s5;
	[dreg:$0x9] =	wrdreg s7;
	(pc) =	sbr.rel .LBB2_1-.Ltmp0, $4  }
0x14: {  	s10 =	sadd.s32 $0x100, s1;
	[dreg:$0xa] =	wrdreg s0;
	s25 =	sadd.s32 $0x1400, s24  }
0x15: {  	v0 =	vimm.s32 $0x0;
	v1 =	vlaneseq.u32;
	s23 =	simm.s32 $0x9400;
	s26 =	sadd.s32 $0x2800, s24;
	[dreg:$0xb] =	wrdreg s25  }
0x16: {  	v2 =	vimm.f32 $0.0e+00;
	vm0 =	vmmov $0xffff;
	v4 =	vshrl.u32 v1, $0x3;
	s5 =	simm.s32 $0x10400;
	s7 =	simm.s32 $0x11400;
	[dreg:$0xc] =	wrdreg s26  }
0x17: {  	v3 =	vand.u32 $0x7, v1;
	v5 =	vor.u32 $0x8, v1;
	v4 =	vmul.u32 $0x8, v4;
	s25 =	sadd.s32 $0x3C00, s24;
	s26 =	smax.u32 s6, $0x1;
	s6 =	simm.s32 $0x10C00  }
.LBB2_6:
0x18: {  	s13 =	rddreg [dreg:$0x3]  }
0x19: {  	[spmem:s13] =	stream.linear.scatter [tilespmem:s20], [sflag:$0x2], $0x2800, $0x38;
	[tilespmem:$0x13400] =	vst v63  }
0x1a: {  	_ =	swait.ge [sflag:s16], $0x2800  }
0x1b: {  	[sflag:s16] =	ssyncset.done $0x0  }
0x1c: {  	[sflag:s16] =	ssyncadd.s32 $0xFFFFD800  }
0x1d: {  	s14 =	simm.s32 @!p1 $0x6800;
	s13 =	simm.s32 @!p1 $0x0;
	s15 =	rddreg [dreg:$0x2]  }
0x1e: {  	[hbm4b:s15+s13] =	stream.linear.scatter @!p1 [tilespmem:s14], [sflag:$0x2], $0x2800, $0x38;
	[tilespmem:$0x13400] =	vst v63  }
0x1f: {  	s13 =	simm.s32 @!p1 $0x2  }
0x20: {  	s25 =	smov.u32 s31;
	s26 =	smov.u32 s0;
	_ =	swait.ge @!p1 [sflag:s13], $0x2800  }
0x21: {  	s28 =	simm.s32 $0x9C00;
	s29 =	simm.s32 $0xA400;
	[sflag:s13] =	ssyncset.done @!p1 $0x0  }
0x22: {  	s30 =	simm.s32 $0xAC00;
	s31 =	simm.s32 $0xB400;
	[sflag:s13] =	ssyncadd.s32 @!p1 $0xFFFFD800  }
.LBB2_7:
0x23: {  	[bflag:$0x0] =	sbarrier.arrive $0xFFFF  }
0x24: {  	s13 =	simm.s32 $0x9280;
	s0 =	rddreg [dreg:$0x9]  }
0x25: {  	[tilespmem:s13], [sflag:$0x2] =	stream.linear.gather [spmem:s0], $0x140, $0x38;
	[tilespmem:$0x13400] =	vst v63  }
0x26: {  	_ =	swait.ge [sflag:s16], $0x140  }
0x27: {  	[sflag:s16] =	ssyncset.done $0x0  }
0x28: {  	[sflag:s16] =	ssyncadd.s32 $0xFFFFFEC0  }
0x29: {  	v6 =	vld [tilespmem:$0x9280];
	_ =	sdelay $0x4  }
0x2a: {  	v7 =	vshll.u32 v6, $0x2  }
0x2b: {  	v6 =	vand.u32 $0x7, v6;
	v7 =	vand.u32 $0xFFFFFFE0, v7  }
0x2c: {  	v6 =	vor.u32 v6, v7  }
0x2d: {  	v7 =	vperm.xlane v6, v3;
	_ =	sdelay $0x1  }
0x2e: {  	v7 =	vadd.s32 v4, v7;
	_ =	sdelay $0x1  }
0x2f: {  	v6 =	vperm.xlane v6, v5;
	_ =	sdelay $0x1  }
0x30: {  	v6 =	vadd.s32 v4, v6  }
0x31: {  	[tilespmem:s23], [sflag:$0x1] =	stream.indirect_vreg.gather [hbm4b:s1+s4], $0x80, v7, vm0, $0xb8;
	[tilespmem:$0x13400] =	vst v63  }
0x32: {  	_ = 	snop  }
0x33: {  	[tilespmem:s28], [sflag:$0x1] =	stream.indirect_vreg.gather [hbm4b:s10+s4], $0x80, v7, vm0, $0xb8;
	[tilespmem:$0x13400] =	vst v63  }
0x34: {  	_ = 	snop  }
0x35: {  	[tilespmem:s29], [sflag:$0x1] =	stream.indirect_vreg.gather [hbm4b:s1+s4], $0x80, v6, vm0, $0xb8;
	[tilespmem:$0x13400] =	vst v63  }
0x36: {  	_ = 	snop  }
0x37: {  	[tilespmem:s30], [sflag:$0x1] =	stream.indirect_vreg.gather [hbm4b:s10+s4], $0x80, v6, vm0, $0xb8;
	[tilespmem:$0x13400] =	vst v63  }
0x38: {  	v6 =	vld [tilespmem:$0x9290];
	_ =	sdelay $0x4  }
0x39: {  	v7 =	vshll.u32 v6, $0x2  }
0x3a: {  	v6 =	vand.u32 $0x7, v6;
	v7 =	vand.u32 $0xFFFFFFE0, v7  }
0x3b: {  	v6 =	vor.u32 v6, v7  }
0x3c: {  	v7 =	vperm.xlane v6, v3;
	_ =	sdelay $0x1  }
0x3d: {  	v7 =	vadd.s32 v4, v7;
	_ =	sdelay $0x1  }
0x3e: {  	v6 =	vperm.xlane v6, v5;
	_ =	sdelay $0x1  }
0x3f: {  	v6 =	vadd.s32 v4, v6  }
0x40: {  	[tilespmem:s31], [sflag:$0x1] =	stream.indirect_vreg.gather [hbm4b:s1+s4], $0x80, v7, vm0, $0xb8;
	[tilespmem:$0x13400] =	vst v63  }
0x41: {  	s0 =	simm.s32 $0xBC00  }
0x42: {  	[tilespmem:s0], [sflag:$0x1] =	stream.indirect_vreg.gather [hbm4b:s10+s4], $0x80, v7, vm0, $0xb8;
	[tilespmem:$0x13400] =	vst v63  }
0x43: {  	s13 =	simm.s32 $0xC400  }
0x44: {  	[tilespmem:s13], [sflag:$0x1] =	stream.indirect_vreg.gather [hbm4b:s1+s4], $0x80, v6, vm0, $0xb8;
	[tilespmem:$0x13400] =	vst v63  }
0x45: {  	s14 =	simm.s32 $0xCC00  }
0x46: {  	[tilespmem:s14], [sflag:$0x1] =	stream.indirect_vreg.gather [hbm4b:s10+s4], $0x80, v6, vm0, $0xb8;
	[tilespmem:$0x13400] =	vst v63  }
0x47: {  	v6 =	vld [tilespmem:$0x92A0];
	_ =	sdelay $0x4  }
0x48: {  	v7 =	vshll.u32 v6, $0x2  }
0x49: {  	v6 =	vand.u32 $0x7, v6;
	v7 =	vand.u32 $0xFFFFFFE0, v7  }
0x4a: {  	v6 =	vor.u32 v6, v7  }
0x4b: {  	v7 =	vperm.xlane v6, v3;
	_ =	sdelay $0x1  }
0x4c: {  	v7 =	vadd.s32 v4, v7;
	_ =	sdelay $0x1  }
0x4d: {  	v6 =	vperm.xlane v6, v5;
	_ =	sdelay $0x1  }
0x4e: {  	s15 =	simm.s32 $0xD400;
	v6 =	vadd.s32 v4, v6  }
0x4f: {  	[tilespmem:s15], [sflag:$0x1] =	stream.indirect_vreg.gather [hbm4b:s1+s4], $0x80, v7, vm0, $0xb8;
	[tilespmem:$0x13400] =	vst v63  }
0x50: {  	_ = 	snop  }
0x51: {  	[tilespmem:s2], [sflag:$0x1] =	stream.indirect_vreg.gather [hbm4b:s10+s4], $0x80, v7, vm0, $0xb8;
	[tilespmem:$0x13400] =	vst v63  }
0x52: {  	_ = 	snop  }
0x53: {  	[tilespmem:s3], [sflag:$0x1] =	stream.indirect_vreg.gather [hbm4b:s1+s4], $0x80, v6, vm0, $0xb8;
	[tilespmem:$0x13400] =	vst v63  }
0x54: {  	_ = 	snop  }
0x55: {  	[tilespmem:s17], [sflag:$0x1] =	stream.indirect_vreg.gather [hbm4b:s10+s4], $0x80, v6, vm0, $0xb8;
	[tilespmem:$0x13400] =	vst v63  }
0x56: {  	v6 =	vld [tilespmem:$0x92B0];
	_ =	sdelay $0x4  }
0x57: {  	v7 =	vshll.u32 v6, $0x2  }
0x58: {  	v6 =	vand.u32 $0x7, v6;
	v7 =	vand.u32 $0xFFFFFFE0, v7  }
0x59: {  	v6 =	vor.u32 v6, v7  }
0x5a: {  	v7 =	vperm.xlane v6, v3;
	_ =	sdelay $0x1  }
0x5b: {  	v7 =	vadd.s32 v4, v7;
	_ =	sdelay $0x1  }
0x5c: {  	v6 =	vperm.xlane v6, v5;
	_ =	sdelay $0x1  }
0x5d: {  	v6 =	vadd.s32 v4, v6  }
0x5e: {  	[tilespmem:s18], [sflag:$0x1] =	stream.indirect_vreg.gather [hbm4b:s1+s4], $0x80, v7, vm0, $0xb8;
	[tilespmem:$0x13400] =	vst v63  }
0x5f: {  	_ = 	snop  }
0x60: {  	[tilespmem:s19], [sflag:$0x1] =	stream.indirect_vreg.gather [hbm4b:s10+s4], $0x80, v7, vm0, $0xb8;
	[tilespmem:$0x13400] =	vst v63  }
0x61: {  	_ = 	snop  }
0x62: {  	[tilespmem:s5], [sflag:$0x1] =	stream.indirect_vreg.gather [hbm4b:s1+s4], $0x80, v6, vm0, $0xb8;
	[tilespmem:$0x13400] =	vst v63  }
0x63: {  	_ = 	snop  }
0x64: {  	[tilespmem:s6], [sflag:$0x1] =	stream.indirect_vreg.gather [hbm4b:s10+s4], $0x80, v6, vm0, $0xb8;
	[tilespmem:$0x13400] =	vst v63  }
0x65: {  	v6 =	vld [tilespmem:$0x92C0];
	_ =	sdelay $0x4  }
0x66: {  	v7 =	vshll.u32 v6, $0x2  }
0x67: {  	v6 =	vand.u32 $0x7, v6;
	v7 =	vand.u32 $0xFFFFFFE0, v7  }
0x68: {  	v6 =	vor.u32 v6, v7  }
0x69: {  	v7 =	vperm.xlane v6, v3;
	_ =	sdelay $0x1  }
0x6a: {  	v7 =	vadd.s32 v4, v7;
	_ =	sdelay $0x1  }
0x6b: {  	v6 =	vperm.xlane v6, v5;
	_ =	sdelay $0x1  }
0x6c: {  	v6 =	vadd.s32 v4, v6  }
0x6d: {  	[tilespmem:s7], [sflag:$0x1] =	stream.indirect_vreg.gather [hbm4b:s1+s4], $0x80, v7, vm0, $0xb8;
	[tilespmem:$0x13400] =	vst v63  }
0x6e: {  	_ = 	snop  }
0x6f: {  	[tilespmem:s8], [sflag:$0x1] =	stream.indirect_vreg.gather [hbm4b:s10+s4], $0x80, v7, vm0, $0xb8;
	[tilespmem:$0x13400] =	vst v63  }
0x70: {  	_ = 	snop  }
0x71: {  	[tilespmem:s22], [sflag:$0x1] =	stream.indirect_vreg.gather [hbm4b:s1+s4], $0x80, v6, vm0, $0xb8;
	[tilespmem:$0x13400] =	vst v63  }
0x72: {  	_ = 	snop  }
0x73: {  	[tilespmem:s9], [sflag:$0x1] =	stream.indirect_vreg.gather [hbm4b:s10+s4], $0x80, v6, vm0, $0xb8;
	[tilespmem:$0x13400] =	vst v63  }
0x74: {  	_ =	swait.ge [sflag:s11], $0xA000  }
0x75: {  	[sflag:s11] =	ssyncset.done $0x0  }
0x76: {  	s24 =	rddreg [dreg:$0xa];
	[sflag:s11] =	ssyncadd.s32 $0xFFFF6000  }
0x77: {  	[hbm4b:s24+s4] =	stream.linear.scatter [tilespmem:s23], [sflag:$0x2], $0xA000, $0x38;
	[tilespmem:$0x13400] =	vst v63  }
0x78: {  	_ =	swait.ge [sflag:s16], $0xA000  }
0x79: {  	[sflag:s16] =	ssyncset.done $0x0  }
0x7a: {  	[sflag:s16] =	ssyncadd.s32 $0xFFFF6000  }
0x7b: {  	v6 =	vld [tilespmem:$0x92D0];
	_ =	sdelay $0x4  }
0x7c: {  	v7 =	vshll.u32 v6, $0x2  }
0x7d: {  	v6 =	vand.u32 $0x7, v6;
	v7 =	vand.u32 $0xFFFFFFE0, v7  }
0x7e: {  	v6 =	vor.u32 v6, v7  }
0x7f: {  	v7 =	vperm.xlane v6, v3;
	_ =	sdelay $0x1  }
0x80: {  	v7 =	vadd.s32 v4, v7;
	_ =	sdelay $0x1  }
0x81: {  	v6 =	vperm.xlane v6, v5;
	_ =	sdelay $0x1  }
0x82: {  	v6 =	vadd.s32 v4, v6  }
0x83: {  	[tilespmem:s23], [sflag:$0x1] =	stream.indirect_vreg.gather [hbm4b:s1+s4], $0x80, v7, vm0, $0xb8;
	[tilespmem:$0x13400] =	vst v63  }
0x84: {  	_ = 	snop  }
0x85: {  	[tilespmem:s28], [sflag:$0x1] =	stream.indirect_vreg.gather [hbm4b:s10+s4], $0x80, v7, vm0, $0xb8;
	[tilespmem:$0x13400] =	vst v63  }
0x86: {  	_ = 	snop  }
0x87: {  	[tilespmem:s29], [sflag:$0x1] =	stream.indirect_vreg.gather [hbm4b:s1+s4], $0x80, v6, vm0, $0xb8;
	[tilespmem:$0x13400] =	vst v63  }
0x88: {  	_ = 	snop  }
0x89: {  	[tilespmem:s30], [sflag:$0x1] =	stream.indirect_vreg.gather [hbm4b:s10+s4], $0x80, v6, vm0, $0xb8;
	[tilespmem:$0x13400] =	vst v63  }
0x8a: {  	v6 =	vld [tilespmem:$0x92E0];
	_ =	sdelay $0x4  }
0x8b: {  	v7 =	vshll.u32 v6, $0x2  }
0x8c: {  	v6 =	vand.u32 $0x7, v6;
	v7 =	vand.u32 $0xFFFFFFE0, v7  }
0x8d: {  	v6 =	vor.u32 v6, v7  }
0x8e: {  	v7 =	vperm.xlane v6, v3;
	_ =	sdelay $0x1  }
0x8f: {  	v7 =	vadd.s32 v4, v7;
	_ =	sdelay $0x1  }
0x90: {  	v6 =	vperm.xlane v6, v5;
	_ =	sdelay $0x1  }
0x91: {  	v6 =	vadd.s32 v4, v6  }
0x92: {  	[tilespmem:s31], [sflag:$0x1] =	stream.indirect_vreg.gather [hbm4b:s1+s4], $0x80, v7, vm0, $0xb8;
	[tilespmem:$0x13400] =	vst v63  }
0x93: {  	_ = 	snop  }
0x94: {  	[tilespmem:s0], [sflag:$0x1] =	stream.indirect_vreg.gather [hbm4b:s10+s4], $0x80, v7, vm0, $0xb8;
	[tilespmem:$0x13400] =	vst v63  }
0x95: {  	_ = 	snop  }
0x96: {  	[tilespmem:s13], [sflag:$0x1] =	stream.indirect_vreg.gather [hbm4b:s1+s4], $0x80, v6, vm0, $0xb8;
	[tilespmem:$0x13400] =	vst v63  }
0x97: {  	_ = 	snop  }
0x98: {  	[tilespmem:s14], [sflag:$0x1] =	stream.indirect_vreg.gather [hbm4b:s10+s4], $0x80, v6, vm0, $0xb8;
	[tilespmem:$0x13400] =	vst v63  }
0x99: {  	v6 =	vld [tilespmem:$0x92F0];
	_ =	sdelay $0x4  }
0x9a: {  	v7 =	vshll.u32 v6, $0x2  }
0x9b: {  	v6 =	vand.u32 $0x7, v6;
	v7 =	vand.u32 $0xFFFFFFE0, v7  }
0x9c: {  	v6 =	vor.u32 v6, v7  }
0x9d: {  	v7 =	vperm.xlane v6, v3;
	_ =	sdelay $0x1  }
0x9e: {  	v7 =	vadd.s32 v4, v7;
	_ =	sdelay $0x1  }
0x9f: {  	v6 =	vperm.xlane v6, v5;
	_ =	sdelay $0x1  }
0xa0: {  	v6 =	vadd.s32 v4, v6  }
0xa1: {  	[tilespmem:s15], [sflag:$0x1] =	stream.indirect_vreg.gather [hbm4b:s1+s4], $0x80, v7, vm0, $0xb8;
	[tilespmem:$0x13400] =	vst v63  }
0xa2: {  	_ = 	snop  }
0xa3: {  	[tilespmem:s2], [sflag:$0x1] =	stream.indirect_vreg.gather [hbm4b:s10+s4], $0x80, v7, vm0, $0xb8;
	[tilespmem:$0x13400] =	vst v63  }
0xa4: {  	_ = 	snop  }
0xa5: {  	[tilespmem:s3], [sflag:$0x1] =	stream.indirect_vreg.gather [hbm4b:s1+s4], $0x80, v6, vm0, $0xb8;
	[tilespmem:$0x13400] =	vst v63  }
0xa6: {  	_ = 	snop  }
0xa7: {  	[tilespmem:s17], [sflag:$0x1] =	stream.indirect_vreg.gather [hbm4b:s10+s4], $0x80, v6, vm0, $0xb8;
	[tilespmem:$0x13400] =	vst v63  }
0xa8: {  	v6 =	vld [tilespmem:$0x9300];
	_ =	sdelay $0x4  }
0xa9: {  	v7 =	vshll.u32 v6, $0x2  }
0xaa: {  	v6 =	vand.u32 $0x7, v6;
	v7 =	vand.u32 $0xFFFFFFE0, v7  }
0xab: {  	v6 =	vor.u32 v6, v7  }
0xac: {  	v7 =	vperm.xlane v6, v3;
	_ =	sdelay $0x1  }
0xad: {  	v7 =	vadd.s32 v4, v7;
	_ =	sdelay $0x1  }
0xae: {  	v6 =	vperm.xlane v6, v5;
	_ =	sdelay $0x1  }
0xaf: {  	v6 =	vadd.s32 v4, v6  }
0xb0: {  	[tilespmem:s18], [sflag:$0x1] =	stream.indirect_vreg.gather [hbm4b:s1+s4], $0x80, v7, vm0, $0xb8;
	[tilespmem:$0x13400] =	vst v63  }
0xb1: {  	_ = 	snop  }
0xb2: {  	[tilespmem:s19], [sflag:$0x1] =	stream.indirect_vreg.gather [hbm4b:s10+s4], $0x80, v7, vm0, $0xb8;
	[tilespmem:$0x13400] =	vst v63  }
0xb3: {  	_ = 	snop  }
0xb4: {  	[tilespmem:s5], [sflag:$0x1] =	stream.indirect_vreg.gather [hbm4b:s1+s4], $0x80, v6, vm0, $0xb8;
	[tilespmem:$0x13400] =	vst v63  }
0xb5: {  	_ = 	snop  }
0xb6: {  	[tilespmem:s6], [sflag:$0x1] =	stream.indirect_vreg.gather [hbm4b:s10+s4], $0x80, v6, vm0, $0xb8;
	[tilespmem:$0x13400] =	vst v63  }
0xb7: {  	v6 =	vld [tilespmem:$0x9310];
	_ =	sdelay $0x4  }
0xb8: {  	v7 =	vshll.u32 v6, $0x2  }
0xb9: {  	v6 =	vand.u32 $0x7, v6;
	v7 =	vand.u32 $0xFFFFFFE0, v7  }
0xba: {  	v6 =	vor.u32 v6, v7  }
0xbb: {  	v7 =	vperm.xlane v6, v3;
	_ =	sdelay $0x1  }
0xbc: {  	v7 =	vadd.s32 v4, v7;
	_ =	sdelay $0x1  }
0xbd: {  	v6 =	vperm.xlane v6, v5;
	_ =	sdelay $0x1  }
0xbe: {  	v6 =	vadd.s32 v4, v6  }
0xbf: {  	[tilespmem:s7], [sflag:$0x1] =	stream.indirect_vreg.gather [hbm4b:s1+s4], $0x80, v7, vm0, $0xb8;
	[tilespmem:$0x13400] =	vst v63  }
0xc0: {  	_ = 	snop  }
0xc1: {  	[tilespmem:s8], [sflag:$0x1] =	stream.indirect_vreg.gather [hbm4b:s10+s4], $0x80, v7, vm0, $0xb8;
	[tilespmem:$0x13400] =	vst v63  }
0xc2: {  	_ = 	snop  }
0xc3: {  	[tilespmem:s22], [sflag:$0x1] =	stream.indirect_vreg.gather [hbm4b:s1+s4], $0x80, v6, vm0, $0xb8;
	[tilespmem:$0x13400] =	vst v63  }
0xc4: {  	_ = 	snop  }
0xc5: {  	[tilespmem:s9], [sflag:$0x1] =	stream.indirect_vreg.gather [hbm4b:s10+s4], $0x80, v6, vm0, $0xb8;
	[tilespmem:$0x13400] =	vst v63  }
0xc6: {  	_ =	swait.ge [sflag:s11], $0xA000  }
0xc7: {  	[sflag:s11] =	ssyncset.done $0x0  }
0xc8: {  	s24 =	rddreg [dreg:$0xb];
	[sflag:s11] =	ssyncadd.s32 $0xFFFF6000  }
0xc9: {  	[hbm4b:s24+s4] =	stream.linear.scatter [tilespmem:s23], [sflag:$0x2], $0xA000, $0x38;
	[tilespmem:$0x13400] =	vst v63  }
0xca: {  	_ =	swait.ge [sflag:s16], $0xA000  }
0xcb: {  	[sflag:s16] =	ssyncset.done $0x0  }
0xcc: {  	[sflag:s16] =	ssyncadd.s32 $0xFFFF6000  }
0xcd: {  	v6 =	vld [tilespmem:$0x9320];
	_ =	sdelay $0x4  }
0xce: {  	v7 =	vshll.u32 v6, $0x2  }
0xcf: {  	v6 =	vand.u32 $0x7, v6;
	v7 =	vand.u32 $0xFFFFFFE0, v7  }
0xd0: {  	v6 =	vor.u32 v6, v7  }
0xd1: {  	v7 =	vperm.xlane v6, v3;
	_ =	sdelay $0x1  }
0xd2: {  	v7 =	vadd.s32 v4, v7;
	_ =	sdelay $0x1  }
0xd3: {  	v6 =	vperm.xlane v6, v5;
	_ =	sdelay $0x1  }
0xd4: {  	v6 =	vadd.s32 v4, v6  }
0xd5: {  	[tilespmem:s23], [sflag:$0x1] =	stream.indirect_vreg.gather [hbm4b:s1+s4], $0x80, v7, vm0, $0xb8;
	[tilespmem:$0x13400] =	vst v63  }
0xd6: {  	_ = 	snop  }
0xd7: {  	[tilespmem:s28], [sflag:$0x1] =	stream.indirect_vreg.gather [hbm4b:s10+s4], $0x80, v7, vm0, $0xb8;
	[tilespmem:$0x13400] =	vst v63  }
0xd8: {  	_ = 	snop  }
0xd9: {  	[tilespmem:s29], [sflag:$0x1] =	stream.indirect_vreg.gather [hbm4b:s1+s4], $0x80, v6, vm0, $0xb8;
	[tilespmem:$0x13400] =	vst v63  }
0xda: {  	_ = 	snop  }
0xdb: {  	[tilespmem:s30], [sflag:$0x1] =	stream.indirect_vreg.gather [hbm4b:s10+s4], $0x80, v6, vm0, $0xb8;
	[tilespmem:$0x13400] =	vst v63  }
0xdc: {  	v6 =	vld [tilespmem:$0x9330];
	_ =	sdelay $0x4  }
0xdd: {  	v7 =	vshll.u32 v6, $0x2  }
0xde: {  	v6 =	vand.u32 $0x7, v6;
	v7 =	vand.u32 $0xFFFFFFE0, v7  }
0xdf: {  	v6 =	vor.u32 v6, v7  }
0xe0: {  	v7 =	vperm.xlane v6, v3;
	_ =	sdelay $0x1  }
0xe1: {  	v7 =	vadd.s32 v4, v7;
	_ =	sdelay $0x1  }
0xe2: {  	v6 =	vperm.xlane v6, v5;
	_ =	sdelay $0x1  }
0xe3: {  	v6 =	vadd.s32 v4, v6  }
0xe4: {  	[tilespmem:s31], [sflag:$0x1] =	stream.indirect_vreg.gather [hbm4b:s1+s4], $0x80, v7, vm0, $0xb8;
	[tilespmem:$0x13400] =	vst v63  }
0xe5: {  	_ = 	snop  }
0xe6: {  	[tilespmem:s0], [sflag:$0x1] =	stream.indirect_vreg.gather [hbm4b:s10+s4], $0x80, v7, vm0, $0xb8;
	[tilespmem:$0x13400] =	vst v63  }
0xe7: {  	_ = 	snop  }
0xe8: {  	[tilespmem:s13], [sflag:$0x1] =	stream.indirect_vreg.gather [hbm4b:s1+s4], $0x80, v6, vm0, $0xb8;
	[tilespmem:$0x13400] =	vst v63  }
0xe9: {  	_ = 	snop  }
0xea: {  	[tilespmem:s14], [sflag:$0x1] =	stream.indirect_vreg.gather [hbm4b:s10+s4], $0x80, v6, vm0, $0xb8;
	[tilespmem:$0x13400] =	vst v63  }
0xeb: {  	v6 =	vld [tilespmem:$0x9340];
	_ =	sdelay $0x4  }
0xec: {  	v7 =	vshll.u32 v6, $0x2  }
0xed: {  	v6 =	vand.u32 $0x7, v6;
	v7 =	vand.u32 $0xFFFFFFE0, v7  }
0xee: {  	v6 =	vor.u32 v6, v7  }
0xef: {  	v7 =	vperm.xlane v6, v3;
	_ =	sdelay $0x1  }
0xf0: {  	v7 =	vadd.s32 v4, v7;
	_ =	sdelay $0x1  }
0xf1: {  	v6 =	vperm.xlane v6, v5;
	_ =	sdelay $0x1  }
0xf2: {  	v6 =	vadd.s32 v4, v6  }
0xf3: {  	[tilespmem:s15], [sflag:$0x1] =	stream.indirect_vreg.gather [hbm4b:s1+s4], $0x80, v7, vm0, $0xb8;
	[tilespmem:$0x13400] =	vst v63  }
0xf4: {  	_ = 	snop  }
0xf5: {  	[tilespmem:s2], [sflag:$0x1] =	stream.indirect_vreg.gather [hbm4b:s10+s4], $0x80, v7, vm0, $0xb8;
	[tilespmem:$0x13400] =	vst v63  }
0xf6: {  	_ = 	snop  }
0xf7: {  	[tilespmem:s3], [sflag:$0x1] =	stream.indirect_vreg.gather [hbm4b:s1+s4], $0x80, v6, vm0, $0xb8;
	[tilespmem:$0x13400] =	vst v63  }
0xf8: {  	_ = 	snop  }
0xf9: {  	[tilespmem:s17], [sflag:$0x1] =	stream.indirect_vreg.gather [hbm4b:s10+s4], $0x80, v6, vm0, $0xb8;
	[tilespmem:$0x13400] =	vst v63  }
0xfa: {  	v6 =	vld [tilespmem:$0x9350];
	_ =	sdelay $0x4  }
0xfb: {  	v7 =	vshll.u32 v6, $0x2  }
0xfc: {  	v6 =	vand.u32 $0x7, v6;
	v7 =	vand.u32 $0xFFFFFFE0, v7  }
0xfd: {  	v6 =	vor.u32 v6, v7  }
0xfe: {  	v7 =	vperm.xlane v6, v3;
	_ =	sdelay $0x1  }
0xff: {  	v7 =	vadd.s32 v4, v7;
	_ =	sdelay $0x1  }
0x100: {  	v6 =	vperm.xlane v6, v5;
	_ =	sdelay $0x1  }
0x101: {  	v6 =	vadd.s32 v4, v6  }
0x102: {  	[tilespmem:s18], [sflag:$0x1] =	stream.indirect_vreg.gather [hbm4b:s1+s4], $0x80, v7, vm0, $0xb8;
	[tilespmem:$0x13400] =	vst v63  }
0x103: {  	_ = 	snop  }
0x104: {  	[tilespmem:s19], [sflag:$0x1] =	stream.indirect_vreg.gather [hbm4b:s10+s4], $0x80, v7, vm0, $0xb8;
	[tilespmem:$0x13400] =	vst v63  }
0x105: {  	_ = 	snop  }
0x106: {  	[tilespmem:s5], [sflag:$0x1] =	stream.indirect_vreg.gather [hbm4b:s1+s4], $0x80, v6, vm0, $0xb8;
	[tilespmem:$0x13400] =	vst v63  }
0x107: {  	_ = 	snop  }
0x108: {  	[tilespmem:s6], [sflag:$0x1] =	stream.indirect_vreg.gather [hbm4b:s10+s4], $0x80, v6, vm0, $0xb8;
	[tilespmem:$0x13400] =	vst v63  }
0x109: {  	v6 =	vld [tilespmem:$0x9360];
	_ =	sdelay $0x4  }
0x10a: {  	v7 =	vshll.u32 v6, $0x2  }
0x10b: {  	v6 =	vand.u32 $0x7, v6;
	v7 =	vand.u32 $0xFFFFFFE0, v7  }
0x10c: {  	v6 =	vor.u32 v6, v7  }
0x10d: {  	v7 =	vperm.xlane v6, v3;
	_ =	sdelay $0x1  }
0x10e: {  	v7 =	vadd.s32 v4, v7;
	_ =	sdelay $0x1  }
0x10f: {  	v6 =	vperm.xlane v6, v5;
	_ =	sdelay $0x1  }
0x110: {  	v6 =	vadd.s32 v4, v6  }
0x111: {  	[tilespmem:s7], [sflag:$0x1] =	stream.indirect_vreg.gather [hbm4b:s1+s4], $0x80, v7, vm0, $0xb8;
	[tilespmem:$0x13400] =	vst v63  }
0x112: {  	_ = 	snop  }
0x113: {  	[tilespmem:s8], [sflag:$0x1] =	stream.indirect_vreg.gather [hbm4b:s10+s4], $0x80, v7, vm0, $0xb8;
	[tilespmem:$0x13400] =	vst v63  }
0x114: {  	_ = 	snop  }
0x115: {  	[tilespmem:s22], [sflag:$0x1] =	stream.indirect_vreg.gather [hbm4b:s1+s4], $0x80, v6, vm0, $0xb8;
	[tilespmem:$0x13400] =	vst v63  }
0x116: {  	_ = 	snop  }
0x117: {  	[tilespmem:s9], [sflag:$0x1] =	stream.indirect_vreg.gather [hbm4b:s10+s4], $0x80, v6, vm0, $0xb8;
	[tilespmem:$0x13400] =	vst v63  }
0x118: {  	_ =	swait.ge [sflag:s11], $0xA000  }
0x119: {  	[sflag:s11] =	ssyncset.done $0x0  }
0x11a: {  	s24 =	rddreg [dreg:$0xc];
	[sflag:s11] =	ssyncadd.s32 $0xFFFF6000  }
0x11b: {  	[hbm4b:s24+s4] =	stream.linear.scatter [tilespmem:s23], [sflag:$0x2], $0xA000, $0x38;
	[tilespmem:$0x13400] =	vst v63  }
0x11c: {  	_ =	swait.ge [sflag:s16], $0xA000  }
0x11d: {  	[sflag:s16] =	ssyncset.done $0x0  }
0x11e: {  	[sflag:s16] =	ssyncadd.s32 $0xFFFF6000  }
0x11f: {  	v6 =	vld [tilespmem:$0x9370];
	_ =	sdelay $0x4  }
0x120: {  	v7 =	vshll.u32 v6, $0x2  }
0x121: {  	v6 =	vand.u32 $0x7, v6;
	v7 =	vand.u32 $0xFFFFFFE0, v7  }
0x122: {  	v6 =	vor.u32 v6, v7  }
0x123: {  	v7 =	vperm.xlane v6, v3;
	_ =	sdelay $0x1  }
0x124: {  	v7 =	vadd.s32 v4, v7;
	_ =	sdelay $0x1  }
0x125: {  	v6 =	vperm.xlane v6, v5;
	_ =	sdelay $0x1  }
0x126: {  	v6 =	vadd.s32 v4, v6  }
0x127: {  	[tilespmem:s23], [sflag:$0x1] =	stream.indirect_vreg.gather [hbm4b:s1+s4], $0x80, v7, vm0, $0xb8;
	[tilespmem:$0x13400] =	vst v63  }
0x128: {  	_ = 	snop  }
0x129: {  	[tilespmem:s28], [sflag:$0x1] =	stream.indirect_vreg.gather [hbm4b:s10+s4], $0x80, v7, vm0, $0xb8;
	[tilespmem:$0x13400] =	vst v63  }
0x12a: {  	_ = 	snop  }
0x12b: {  	[tilespmem:s29], [sflag:$0x1] =	stream.indirect_vreg.gather [hbm4b:s1+s4], $0x80, v6, vm0, $0xb8;
	[tilespmem:$0x13400] =	vst v63  }
0x12c: {  	_ = 	snop  }
0x12d: {  	[tilespmem:s30], [sflag:$0x1] =	stream.indirect_vreg.gather [hbm4b:s10+s4], $0x80, v6, vm0, $0xb8;
	[tilespmem:$0x13400] =	vst v63  }
0x12e: {  	v6 =	vld [tilespmem:$0x9380];
	_ =	sdelay $0x4  }
0x12f: {  	v7 =	vshll.u32 v6, $0x2  }
0x130: {  	v6 =	vand.u32 $0x7, v6;
	v7 =	vand.u32 $0xFFFFFFE0, v7  }
0x131: {  	v6 =	vor.u32 v6, v7  }
0x132: {  	v7 =	vperm.xlane v6, v3;
	_ =	sdelay $0x1  }
0x133: {  	v7 =	vadd.s32 v4, v7;
	_ =	sdelay $0x1  }
0x134: {  	v6 =	vperm.xlane v6, v5;
	_ =	sdelay $0x1  }
0x135: {  	v6 =	vadd.s32 v4, v6  }
0x136: {  	[tilespmem:s31], [sflag:$0x1] =	stream.indirect_vreg.gather [hbm4b:s1+s4], $0x80, v7, vm0, $0xb8;
	[tilespmem:$0x13400] =	vst v63  }
0x137: {  	_ = 	snop  }
0x138: {  	[tilespmem:s0], [sflag:$0x1] =	stream.indirect_vreg.gather [hbm4b:s10+s4], $0x80, v7, vm0, $0xb8;
	[tilespmem:$0x13400] =	vst v63  }
0x139: {  	_ = 	snop  }
0x13a: {  	[tilespmem:s13], [sflag:$0x1] =	stream.indirect_vreg.gather [hbm4b:s1+s4], $0x80, v6, vm0, $0xb8;
	[tilespmem:$0x13400] =	vst v63  }
0x13b: {  	_ = 	snop  }
0x13c: {  	[tilespmem:s14], [sflag:$0x1] =	stream.indirect_vreg.gather [hbm4b:s10+s4], $0x80, v6, vm0, $0xb8;
	[tilespmem:$0x13400] =	vst v63  }
0x13d: {  	v6 =	vld [tilespmem:$0x9390];
	_ =	sdelay $0x4  }
0x13e: {  	v7 =	vshll.u32 v6, $0x2  }
0x13f: {  	v6 =	vand.u32 $0x7, v6;
	v7 =	vand.u32 $0xFFFFFFE0, v7  }
0x140: {  	v6 =	vor.u32 v6, v7  }
0x141: {  	v7 =	vperm.xlane v6, v3;
	_ =	sdelay $0x1  }
0x142: {  	v7 =	vadd.s32 v4, v7;
	_ =	sdelay $0x1  }
0x143: {  	v6 =	vperm.xlane v6, v5;
	_ =	sdelay $0x1  }
0x144: {  	v6 =	vadd.s32 v4, v6  }
0x145: {  	[tilespmem:s15], [sflag:$0x1] =	stream.indirect_vreg.gather [hbm4b:s1+s4], $0x80, v7, vm0, $0xb8;
	[tilespmem:$0x13400] =	vst v63  }
0x146: {  	_ = 	snop  }
0x147: {  	[tilespmem:s2], [sflag:$0x1] =	stream.indirect_vreg.gather [hbm4b:s10+s4], $0x80, v7, vm0, $0xb8;
	[tilespmem:$0x13400] =	vst v63  }
0x148: {  	_ = 	snop  }
0x149: {  	[tilespmem:s3], [sflag:$0x1] =	stream.indirect_vreg.gather [hbm4b:s1+s4], $0x80, v6, vm0, $0xb8;
	[tilespmem:$0x13400] =	vst v63  }
0x14a: {  	_ = 	snop  }
0x14b: {  	[tilespmem:s17], [sflag:$0x1] =	stream.indirect_vreg.gather [hbm4b:s10+s4], $0x80, v6, vm0, $0xb8;
	[tilespmem:$0x13400] =	vst v63  }
0x14c: {  	v6 =	vld [tilespmem:$0x93A0];
	_ =	sdelay $0x4  }
0x14d: {  	v7 =	vshll.u32 v6, $0x2  }
0x14e: {  	v6 =	vand.u32 $0x7, v6;
	v7 =	vand.u32 $0xFFFFFFE0, v7  }
0x14f: {  	v6 =	vor.u32 v6, v7  }
0x150: {  	v7 =	vperm.xlane v6, v3;
	_ =	sdelay $0x1  }
0x151: {  	v7 =	vadd.s32 v4, v7;
	_ =	sdelay $0x1  }
0x152: {  	v6 =	vperm.xlane v6, v5;
	_ =	sdelay $0x1  }
0x153: {  	v6 =	vadd.s32 v4, v6  }
0x154: {  	[tilespmem:s18], [sflag:$0x1] =	stream.indirect_vreg.gather [hbm4b:s1+s4], $0x80, v7, vm0, $0xb8;
	[tilespmem:$0x13400] =	vst v63  }
0x155: {  	_ = 	snop  }
0x156: {  	[tilespmem:s19], [sflag:$0x1] =	stream.indirect_vreg.gather [hbm4b:s10+s4], $0x80, v7, vm0, $0xb8;
	[tilespmem:$0x13400] =	vst v63  }
0x157: {  	_ = 	snop  }
0x158: {  	[tilespmem:s5], [sflag:$0x1] =	stream.indirect_vreg.gather [hbm4b:s1+s4], $0x80, v6, vm0, $0xb8;
	[tilespmem:$0x13400] =	vst v63  }
0x159: {  	_ = 	snop  }
0x15a: {  	[tilespmem:s6], [sflag:$0x1] =	stream.indirect_vreg.gather [hbm4b:s10+s4], $0x80, v6, vm0, $0xb8;
	[tilespmem:$0x13400] =	vst v63  }
0x15b: {  	v6 =	vld [tilespmem:$0x93B0];
	_ =	sdelay $0x4  }
0x15c: {  	v7 =	vshll.u32 v6, $0x2  }
0x15d: {  	v6 =	vand.u32 $0x7, v6;
	v7 =	vand.u32 $0xFFFFFFE0, v7  }
0x15e: {  	v6 =	vor.u32 v6, v7  }
0x15f: {  	v7 =	vperm.xlane v6, v3;
	_ =	sdelay $0x1  }
0x160: {  	v7 =	vadd.s32 v4, v7;
	_ =	sdelay $0x1  }
0x161: {  	v6 =	vperm.xlane v6, v5;
	_ =	sdelay $0x1  }
0x162: {  	v6 =	vadd.s32 v4, v6  }
0x163: {  	[tilespmem:s7], [sflag:$0x1] =	stream.indirect_vreg.gather [hbm4b:s1+s4], $0x80, v7, vm0, $0xb8;
	[tilespmem:$0x13400] =	vst v63  }
0x164: {  	_ = 	snop  }
0x165: {  	[tilespmem:s8], [sflag:$0x1] =	stream.indirect_vreg.gather [hbm4b:s10+s4], $0x80, v7, vm0, $0xb8;
	[tilespmem:$0x13400] =	vst v63  }
0x166: {  	_ = 	snop  }
0x167: {  	[tilespmem:s22], [sflag:$0x1] =	stream.indirect_vreg.gather [hbm4b:s1+s4], $0x80, v6, vm0, $0xb8;
	[tilespmem:$0x13400] =	vst v63  }
0x168: {  	_ = 	snop  }
0x169: {  	[tilespmem:s9], [sflag:$0x1] =	stream.indirect_vreg.gather [hbm4b:s10+s4], $0x80, v6, vm0, $0xb8;
	[tilespmem:$0x13400] =	vst v63  }
0x16a: {  	s12 =	sadd.s32 $0x1, s12;
	_ =	swait.ge [sflag:s11], $0xA000  }
0x16b: {  	p2 =	sne.s32 s12, s26;
	[sflag:s11] =	ssyncset.done $0x0  }
.Ltmp1:
0x16c: {  	[sflag:s11] =	ssyncadd.s32 $0xFFFF6000;
	(pc) =	sbr.rel @!p2 .LBB2_8-.Ltmp1, $4  }
0x16d: {  	[hbm4b:s25+s4] =	stream.linear.scatter [tilespmem:s23], [sflag:$0x2], $0xA000, $0x38;
	[tilespmem:$0x13400] =	vst v63  }
0x16e: {  	_ =	swait.ge [sflag:s16], $0xA000  }
0x16f: {  	[sflag:s16] =	ssyncset.done $0x0  }
0x170: {  	[sflag:s16] =	ssyncadd.s32 $0xFFFF6000  }
.LBB2_1:
.Ltmp2:
0x171: {  	(pc) =	sbr.rel @p0 .LBB2_7-.Ltmp2, $1  }
0x172: {  	_ =	sdelay $0x3  }
0x173: {  	s13 =	simm.s32 $0x0;
	s14 =	rddreg [dreg:$0x5]  }
0x174: {  	[tilespmem:s13], [sflag:$0x2] =	stream.linear.gather [hbm4b:s14+s13], $0x1000, $0x38;
	[tilespmem:$0x13400] =	vst v63  }
0x175: {  	_ =	swait.ge [sflag:s16], $0x1000  }
0x176: {  	s31 =	smov.u32 s25;
	[sflag:s16] =	ssyncset.done $0x0  }
0x177: {  	s15 =	simm.s32 $0x1000;
	s25 =	rddreg [dreg:$0x6];
	[sflag:s16] =	ssyncadd.s32 $0xFFFFF000  }
0x178: {  	[tilespmem:s15], [sflag:$0x2] =	stream.linear.gather [hbm4b:s25+s13], $0x1000, $0x38;
	[tilespmem:$0x13400] =	vst v63  }
0x179: {  	_ =	swait.ge [sflag:s16], $0x1000  }
0x17a: {  	s0 =	smov.u32 s26;
	[sflag:s16] =	ssyncset.done $0x0  }
0x17b: {  	s28 =	simm.s32 $0x2000;
	s26 =	rddreg [dreg:$0x7];
	[sflag:s16] =	ssyncadd.s32 $0xFFFFF000  }
0x17c: {  	[tilespmem:s28], [sflag:$0x2] =	stream.linear.gather [hbm4b:s26+s13], $0x1000, $0x38;
	[tilespmem:$0x13400] =	vst v63  }
0x17d: {  	_ =	swait.ge [sflag:s16], $0x1000  }
0x17e: {  	[sflag:s16] =	ssyncset.done $0x0  }
0x17f: {  	s30 =	simm.s32 $0x3000;
	s29 =	rddreg [dreg:$0x8];
	[sflag:s16] =	ssyncadd.s32 $0xFFFFF000  }
0x180: {  	[tilespmem:s30], [sflag:$0x2] =	stream.linear.gather [hbm4b:s29+s13], $0x1000, $0x38;
	[tilespmem:$0x13400] =	vst v63  }
0x181: {  	_ =	swait.ge [sflag:s16], $0x1000  }
0x182: {  	[sflag:s16] =	ssyncset.done $0x0  }
0x183: {  	s14 =	simm.s32 $0x0;
	[sflag:s16] =	ssyncadd.s32 $0xFFFFF000  }
.LBB2_3:
0x184: {  	p2 =	sne.s32 s14, $0x9FC0  }
.Ltmp3:
0x185: {  	_ = 	snop;
	(pc) =	sbr.rel @p2 .LBB2_3-.Ltmp3, $4  }
0x186: {  	_ = 	snop  }
0x187: {  	s15 =	sshra.s32 s14, $0x2  }
0x188: {  	[tilespmem:s15+$0x4000] =	vst v0  }
0x189: {  	s14 =	sadd.s32 $0x40, s14;
	[tilespmem:s15+$0x6800] =	vst v2  }
0x18a: {  	s14 =	simm.s32 $0x2000  }
0x18b: {  	s15 =	simm.s32 $0x1000;
	s24 =	simm.s32 $0x3000;
	s25 =	simm.s32 $0x0  }
.LBB2_5:
0x18c: {  	v6 =	vld [tilespmem:s13+$0x0];
	_ =	sdelay $0x6  }
0x18d: {  	v7 =	vor.u32 s25, v1  }
0x18e: {  	[tilespmem:v6+s20+$0x0] =	vst.idx.msk $0xffff, v7  }
0x18f: {  	v8 =	vld [tilespmem:s14+$0x0];
	_ =	sdelay $0x4  }
0x190: {  	[tilespmem:v6+s21+$0x0] =	vst.idx.msk $0xffff, v8  }
0x191: {  	v6 =	vld [tilespmem:s15+$0x0];
	_ =	sdelay $0x7  }
0x192: {  	[tilespmem:v6+s20+$0x0] =	vst.idx.msk $0xffff, v7  }
0x193: {  	p2 =	sne.s32 s25, $0xFF0;
	v7 =	vld [tilespmem:s24+$0x0]  }
.Ltmp4:
0x194: {  	_ = 	snop;
	(pc) =	sbr.rel @p2 .LBB2_5-.Ltmp4, $3  }
0x195: {  	_ =	sdelay $0x1  }
0x196: {  	s13 =	sadd.s32 $0x10, s13;
	s25 =	sadd.s32 $0x10, s25  }
0x197: {  	s14 =	sadd.s32 $0x10, s14;
	s15 =	sadd.s32 $0x10, s15;
	s24 =	sadd.s32 $0x10, s24;
	[tilespmem:v6+s21+$0x0] =	vst.idx.msk $0xffff, v7  }
.Ltmp5:
0x198: {  	_ = 	snop;
	(pc) =	sbr.rel .LBB2_6-.Ltmp5, $1  }
0x199: {  	_ =	sdelay $0x3  }
.LBB2_8:
0x19a: {  	_ =	sfence.sel $0x180000  }
0x19b: {  	[bflag:$0x0] =	sbarrier.arrive $0xFFFF  }
0x19c: {  	_ =	strace $0x90000047  }
0x19d: {  	[bflag:$0x2] =	sbarrier.arrive $0xFFFF  }
0x19e: {  	s0 =	rddreg [dreg:$0x4]  }
0x19f: {  	s0 =	sadd.s32 @!p0 $0x100000, s0  }
0x1a0: {  	[sflag:s0] =	ssyncadd.tile.s32 @!p0 $0x1;
	_ =	shalt  }
.Lfunc_end2:
_tile_overlayer_lowered:
.L_overlay_start_2:
0x1a1: {  	(tag) =	ssettag $0x2  }
0x1a2: {  	s0 =	rddreg [dreg:$0x0];
	s2 =	stileid.u32  }
0x1a3: {  	s1 =	rddreg [dreg:$0x1];
	p0 =	sne.s32 s2, $0x0  }
0x1a4: {  	s3 =	rddreg [dreg:$0x2];
	[bflag:$0x3] =	sbarrier.arrive $0xFFFF;
	s2 =	simm.s32 @!p0 $0x1C02  }
0x1a5: {  	[timem:s3], [sflag:s2] =	dma.local @!p0 [hbm:s0], s1  }
0x1a6: {  	s0 =	simm.s32 @!p0 $0x2  }
0x1a7: {  	_ =	swait.ge @!p0 [sflag:s0], s1  }
0x1a8: {  	s1 =	ssub.s32 @!p0 $0x0, s1;
	[sflag:s0] =	ssyncset.done @!p0 $0x0  }
0x1a9: {  	[sflag:s0] =	ssyncadd.s32 @!p0 s1  }
0x1aa: {  	[bflag:$0x3] =	sbarrier.arrive $0xFFFF  }
0x1ab: {  	_ =	shalt  }

// kernel: kernel.9.cloned.1.call-start
scs
__scs_entry_jumppad:
0x0: {  	(pc) =	sbr.rel $0x88, $3  }
0x1: {  	(tag) =	ssettag $0x0;
	lr =	simm.s32 $0x1  }
0x2: {  	[smem:$0x3F9B] =	sst lr;
	_ =	strace $0xD0000000  }
0x3: {  	_ = 	snop  }
0x4: {  	_ = 	snop  }
0x5: {  	_ = 	snop  }
0x6: {  	_ = 	snop  }
0x7: {  	_ = 	snop  }
__scs_overlays_trampoline_lowered:
0x8: {  	[smem:$0x3FAA] =	sst s0  }
0x9: {  	[smem:$0x3FAB] =	sst s1  }
0xa: {  	[smem:$0x3FAC] =	sst s2  }
0xb: {  	[smem:$0x3FAD] =	sst s3  }
0xc: {  	[smem:$0x3FAE] =	sst s4  }
0xd: {  	[smem:$0x3FAF] =	sst s5  }
0xe: {  	[smem:$0x3FB0] =	sst s6  }
0xf: {  	[smem:$0x3FB1] =	sst s7  }
0x10: {  	[smem:$0x3FB2] =	sst s8  }
0x11: {  	[smem:$0x3FB3] =	sst s9;
	s0 =	simm.s32 @!p0 $0x0  }
0x12: {  	s1 =	sld [smem:$0x3F99];
	s0 =	simm.s32 @p0 $0x1  }
0x13: {  	[smem:$0x3FB4] =	sst s0;
	s0 =	simm.s32 @!p1 $0x0  }
0x14: {  	s2 =	sld [smem:$0x3F98];
	s0 =	simm.s32 @p1 $0x1  }
0x15: {  	[smem:$0x3FB5] =	sst s0;
	s0 =	simm.s32 @!p2 $0x0  }
0x16: {  	s3 =	sld [smem:$0x3FDB];
	s0 =	simm.s32 @p2 $0x1  }
0x17: {  	s4 =	simm.s32 $0x1BF5;
	[smem:$0x3FB7] =	sst s0  }
0x18: {  	s0 =	sld [smem:$0x3F9A];
	_ =	swait.ge [sflag:s4], $0x0  }
0x19: {  	s7 =	sld [smem:$0x3F9B]  }
0x1a: {  	s8 =	sadd.s32 $0xFFFFE003, lr  }
0x1b: {  	s9 =	sadd.s32 $0xFFFFFEF7, lr;
	s5 =	simm.s32 $0xFFFFFFFF;
	p2 =	slt.u32 s8, $0xFFFFF086  }
0x1c: {  	p1 =	slt.u32 s9, $0xF7A;
	s5 =	simm.s32 @!p2 $0x0  }
0x1d: {  	s5 =	simm.s32 @p1 $0x1;
	p0 =	seq.s32 s7, s2  }
0x1e: {  	s7 =	smul.u32 @!p0 $0xF7A, s2;
	p2 =	seq.s32 @!p0 s5, $0x0  }
0x1f: {  	s9 =	smul.u32 $0xF7A, s1;
	s8 =	simm.s32 @!p0 $0x1BF5;
	p2 =	por !p2, p0  }
0x20: {  	[sflag:s8] =	ssyncset.s32 @!p0 $0xFFFFF086;
	s6 =	sadd.s32 @!p0 s3, s7;
	s7 =	simm.s32 @!p0 $0x108  }
0x21: {  	s3 =	sadd.s32 s3, s9;
	s6 =	sadd.s32 @!p0 $0x88, s6;
	s7 =	simm.s32 @p2 $0x1082  }
0x22: {  	[simem:s7], [sflag:s8] =	dma.local @!p0 [hbm:s6], $0xF7A  }
0x23: {  	s9 =	sor.u32 $0xD0000000, s2;
	s6 =	simm.s32 $0x108;
	_ =	swait.ge @!p0 [sflag:s8], $0x0  }
0x24: {  	s3 =	sadd.s32 $0x88, s3;
	s6 =	simm.s32 @!p1 $0x1082;
	[sflag:s4] =	ssyncset.s32 $0xFFFFF086  }
0x25: {  	[simem:s6], [sflag:s4] =	dma.local [hbm:s3], $0xF7A  }
0x26: {  	[smem:$0x3F9B] =	sst s1;
	(tag) =	ssettag s2;
	_ =	strace s9  }
0x27: {  	s1 =	sld [smem:$0x3FAB]  }
0x28: {  	s2 =	sld [smem:$0x3FAC]  }
0x29: {  	s4 =	sld [smem:$0x3FAE]  }
0x2a: {  	p0 =	seq.s32 s5, $0x0;
	s5 =	sld [smem:$0x3FAF]  }
0x2b: {  	s6 =	sld [smem:$0x3FB0]  }
0x2c: {  	s7 =	sld [smem:$0x3FB1]  }
0x2d: {  	s3 =	simm.s32 $0x108;
	s8 =	sld [smem:$0x3FB2]  }
0x2e: {  	s3 =	simm.s32 @!p0 $0x1082;
	s9 =	sld [smem:$0x3FB3]  }
0x2f: {  	lr =	sadd.s32 s0, s3;
	s0 =	sld [smem:$0x3FAA]  }
0x30: {  	s3 =	sld [smem:$0x3FAD]  }
0x31: {  	[smem:$0x3FB6] =	sst s10  }
0x32: {  	s10 =	sld [smem:$0x3FB4];
	_ =	sdelay $0x3  }
0x33: {  	p0 =	seq.s32 s10, $0x1;
	s10 =	sld [smem:$0x3FB6];
	_ =	sdelay $0x3  }
0x34: {  	[smem:$0x3FB6] =	sst s10  }
0x35: {  	s10 =	sld [smem:$0x3FB5];
	_ =	sdelay $0x3  }
0x36: {  	p1 =	seq.s32 s10, $0x1;
	s10 =	sld [smem:$0x3FB6];
	_ =	sdelay $0x3  }
0x37: {  	[smem:$0x3FB6] =	sst s10  }
0x38: {  	s10 =	sld [smem:$0x3FB7]  }
0x39: {  	_ = 	snop;
	(pc) =	sbr.ind lr, $3  }
0x3a: {  	_ = 	snop  }
0x3b: {  	_ = 	snop  }
0x3c: {  	p2 =	seq.s32 s10, $0x1;
	s10 =	sld [smem:$0x3FB6]  }
0x3d: {  	_ =	shalt  }
0x3e: {  	_ =	shalt  }
0x3f: {  	_ =	shalt  }
0x40: {  	_ =	shalt  }
0x41: {  	_ =	shalt  }
0x42: {  	_ =	shalt  }
0x43: {  	_ =	shalt  }
0x44: {  	_ =	shalt  }
0x45: {  	_ =	shalt  }
0x46: {  	_ =	shalt  }
0x47: {  	_ =	shalt  }
0x48: {  	_ =	shalt  }
0x49: {  	_ =	shalt  }
0x4a: {  	_ =	shalt  }
0x4b: {  	_ =	shalt  }
0x4c: {  	_ =	shalt  }
0x4d: {  	_ =	shalt  }
0x4e: {  	_ =	shalt  }
0x4f: {  	_ =	shalt  }
0x50: {  	_ =	shalt  }
0x51: {  	_ =	shalt  }
0x52: {  	_ =	shalt  }
0x53: {  	_ =	shalt  }
0x54: {  	_ =	shalt  }
0x55: {  	_ =	shalt  }
0x56: {  	_ =	shalt  }
0x57: {  	_ =	shalt  }
0x58: {  	_ =	shalt  }
0x59: {  	_ =	shalt  }
0x5a: {  	_ =	shalt  }
0x5b: {  	_ =	shalt  }
0x5c: {  	_ =	shalt  }
0x5d: {  	_ =	shalt  }
0x5e: {  	_ =	shalt  }
0x5f: {  	_ =	shalt  }
0x60: {  	_ =	shalt  }
0x61: {  	_ =	shalt  }
0x62: {  	_ =	shalt  }
0x63: {  	_ =	shalt  }
0x64: {  	_ =	shalt  }
0x65: {  	_ =	shalt  }
0x66: {  	_ =	shalt  }
0x67: {  	_ =	shalt  }
0x68: {  	_ =	shalt  }
0x69: {  	_ =	shalt  }
0x6a: {  	_ =	shalt  }
0x6b: {  	_ =	shalt  }
0x6c: {  	_ =	shalt  }
0x6d: {  	_ =	shalt  }
0x6e: {  	_ =	shalt  }
0x6f: {  	_ =	shalt  }
0x70: {  	_ =	shalt  }
0x71: {  	_ =	shalt  }
0x72: {  	_ =	shalt  }
0x73: {  	_ =	shalt  }
0x74: {  	_ =	shalt  }
0x75: {  	_ =	shalt  }
0x76: {  	_ =	shalt  }
0x77: {  	_ =	shalt  }
0x78: {  	_ =	shalt  }
0x79: {  	_ =	shalt  }
0x7a: {  	_ =	shalt  }
0x7b: {  	_ =	shalt  }
0x7c: {  	_ =	shalt  }
0x7d: {  	_ =	shalt  }
0x7e: {  	_ =	shalt  }
0x7f: {  	_ =	shalt  }
0x80: {  	_ =	shalt  }
0x81: {  	_ =	shalt  }
0x82: {  	_ =	shalt  }
0x83: {  	_ =	shalt  }
0x84: {  	_ =	shalt  }
0x85: {  	_ =	shalt  }
0x86: {  	_ =	shalt  }
0x87: {  	_ =	shalt  }
.Lfunc_end0:
.L_simem_size_0:
called_computation.1_lowered:
.L_overlay_start_0:
0x88: {  	s2 =	sld [smem:$0x3FD9]  }
0x89: {  	s3 =	sld [smem:$0x3FFE];
	_ =	sdelay $0x1  }
0x8a: {  	s1 =	srdreg.scid  }
0x8b: {  	s0 =	sand.u32 $0x1, s1  }
0x8c: {  	s14 =	sshll.u32 s0, $0xA;
	s2 =	sadd.s32 s3, s2  }
0x8d: {  	s2 =	sadd.s32 s2, s14  }
0x8e: {  	[smem:$0x3FC2] =	sst s2  }
0x8f: {  	_ = 	snop  }
0x90: {  	s2 =	sld [smem:$0x3FD0];
	_ =	sdelay $0x2  }
0x91: {  	s15 =	simm.s32 $0xA;
	s4 =	simm.s32 $0x10  }
0x92: {  	[smem:s4], [sflag:s15] =	dma.local [hbm:s2], $0x1  }
0x93: {  	_ =	swait.eq [sflag:s15], $0x1  }
0x94: {  	[sflag:s15] =	ssyncset.done $0x0  }
0x95: {  	[sflag:s15] =	ssyncadd.s32 $0xFFFFFFFF  }
0x96: {  	s16 =	sld [smem:$0x10];
	(tm) =	ssettm $0x1  }
0x97: {  	s17 =	sld [smem:$0x3FFB];
	_ =	sdelay $0x3  }
0x98: {  	_ =	strace s17  }
0x99: {  	s3 =	sld [smem:$0x3FFC];
	_ =	sdelay $0x3  }
0x9a: {  	_ =	strace s3  }
0x9b: {  	s3 =	sld [smem:$0x3FFD];
	_ =	sdelay $0x3  }
0x9c: {  	_ =	strace s3  }
0x9d: {  	_ =	strace $0x8FFFFFFF  }
0x9e: {  	s18 =	sld [smem:$0x3FDB];
	_ =	sdelay $0x1  }
0x9f: {  	s19 =	simm.s32 $_scs_section_size  }
0xa0: {  	s5 =	simm.s32 $_size__tile_overlayer_lowered;
	s6 =	simm.s32 $_tile_overlayer_lowered  }
0xa1: {  	s22 =	simm.s32 $0x1BFF;
	s21 =	sshll.u32 s6, $0x1;
	s3 =	sadd.s32 s19, s18  }
0xa2: {  	s7 =	simm.s32 $0x0;
	s20 =	sshll.u32 s5, $0x1;
	s5 =	sadd.s32 s21, s3  }
0xa3: {  	[timem:s7], [sflag:s22] =	dma.local [hbm:s5], s20  }
0xa4: {  	_ =	swait.ge [sflag:s22], s20  }
0xa5: {  	s4 =	ssub.s32 $0x0, s20;
	[sflag:s22] =	ssyncset.done $0x0  }
0xa6: {  	[sflag:s22] =	ssyncadd.s32 s4;
	_ =	sdelay $0x1  }
0xa7: {  	s23 =	simm.s32 $0x1B8B  }
0xa8: {  	_ =	swait.ge [sflag:s23], $0x1  }
0xa9: {  	[sflag:s23] =	ssyncset.done $0x0  }
0xaa: {  	s25 =	simm.s32 $0x1B8E;
	s24 =	sld [smem:$0x3FFE];
	[sflag:s23] =	ssyncadd.s32 $0xFFFFFFFF  }
0xab: {  	s26 =	simm.s32 $execute0_lowered;
	[smem:$0x3FD2] =	sst s25  }
0xac: {  	s5 =	sshll.u32 s26, $0x1;
	_ =	strace $0x80000049;
	[dreg:$0x1] =	wrdreg $0xFFFFFFFF  }
0xad: {  	s28 =	simm.s32 $_size_execute0_lowered;
	s3 =	sadd.s32 s3, s5;
	[dreg:$0x0] =	wrdreg $0x0  }
0xae: {  	s5 =	sshll.u32 s28, $0x1;
	[dreg:$0x2] =	wrdreg s3  }
0xaf: {  	[dreg:$0x3] =	wrdreg s5  }
0xb0: {  	[dreg:$0x4] =	wrdreg $0xC0  }
0xb1: {  	_ =	task [dreg:s7], $0x5FFFF  }
0xb2: {  	[dreg:$0x1] =	wrdreg $0xFFFFFFFF  }
0xb3: {  	[dreg:$0x0] =	wrdreg $0x60  }
0xb4: {  	[dreg:$0x2] =	wrdreg s24  }
0xb5: {  	[dreg:$0x3] =	wrdreg s16  }
0xb6: {  	[dreg:$0x4] =	wrdreg $0x9  }
0xb7: {  	_ =	task.clear_ibuf [dreg:s7], $0x5FFFF;
	_ =	strace $0x90000049  }
0xb8: {  	s29 =	simm.s32 $0x9;
	_ =	strace $0x8000004B  }
0xb9: {  	_ =	swait.ge [sflag:s29], $0x1  }
0xba: {  	[sflag:s29] =	ssyncadd.s32 $0xFFFFFFFF  }
0xbb: {  	_ =	strace $0x9000004B  }
0xbc: {  	_ =	sfence  }
0xbd: {  	s30 =	sld [smem:$0x0];
	_ =	sdelay $0x2  }
0xbe: {  	s31 =	sshll.u32 s1, $0xD;
	s1 =	sshrl.u32 s1, $0x2  }
0xbf: {  	s3 =	sand.u32 $0x4000, s31;
	s1 =	sadd.s32 s1, s30  }
0xc0: {  	s0 =	sor.u32 s3, s0;
	s1 =	sshll.u32 s1, $0x11  }
0xc1: {  	s0 =	sor.u32 s1, s0  }
0xc2: {  	s0 =	sadd.s32 $0x8F2B, s0  }
0xc3: {  	[sflag:s0] =	ssyncadd.remote.s32 $0x1  }
0xc4: {  	_ =	sfence.sel $0xFFFF  }
0xc5: {  	[dreg:$0x0] =	wrdreg $0xFFFFFFFF;
	(pc) =	sbr.abs _section_cstart, $3  }
0xc6: {  	[dreg:$0x1] =	wrdreg $0xFFFFFFFF  }
0xc7: {  	_ =	task.clear_ibuf [dreg:s7], $0x2FFFF;
	_ =	strace $0x9FFFFFFF  }
0xc8: {  	(tm) =	ssettm $0x7FFFFFFF  }
0xc9: {  	_ =	shalt  }
tec
execute0_lowered:
.L_overlay_start_1:
0x0: {  	(tag) =	ssettag $0x1  }
0x1: {  	s0 =	rddreg [dreg:$0x0]  }
0x2: {  	s1 =	rddreg [dreg:$0x1]  }
0x3: {  	s2 =	srdreg.scid;
	s4 =	stileid.u32  }
0x4: {  	s10 =	simm.s32 $0x4100;
	s16 =	simm.s32 $0x7100;
	s8 =	simm.s32 $0xC100  }
0x5: {  	s28 =	simm.s32 $0xF900;
	s29 =	simm.s32 $0x1;
	s3 =	sand.u32 $0x1, s2  }
0x6: {  	s2 =	simm.s32 $0x0;
	s4 =	sshll.u32 s4, $0x8;
	s5 =	sshll.u32 s3, $0x7  }
0x7: {  	[smem:$0x7FF] =	sst s2;
	s17 =	ssub.s32 $0x2, s3;
	s4 =	sor.u32 s5, s4  }
0x8: {  	s7 =	sshrl.u32 s17, $0x1;
	s6 =	sshrl.u32 s4, $0x3;
	s4 =	sshll.u32 s4, $0x7  }
0x9: {  	_ =	strace $0x8000004A;
	s5 =	ssub.s32 s17, s7;
	s1 =	sadd.s32 s1, s4  }
0xa: {  	s6 =	sadd.s32 s6, s0;
	s26 =	smax.u32 s5, $0x1;
	[dreg:$0x5] =	wrdreg s1  }
0xb: {  	s30 =	simm.s32 $0x3;
	s18 =	sadd.s32 $0x10800, s6;
	[dreg:$0xd] =	wrdreg s26  }
0xc: {  	s31 =	simm.s32 $0x2;
	s6 =	sadd.s32 $0x10A00, s6;
	[dreg:$0x3] =	wrdreg s18  }
0xd: {  	s9 =	sadd.s32 $0x5F1300, s0;
	s19 =	sadd.s32 $0x800, s1;
	[dreg:$0x4] =	wrdreg s6  }
0xe: {  	s3 =	sadd.s32 $0x5F1000, s0;
	s20 =	sadd.s32 $0x1000, s1;
	[dreg:$0x6] =	wrdreg s19  }
0xf: {  	s7 =	sadd.s32 $0x5F1200, s0;
	s21 =	sadd.s32 $0x1800, s1;
	[dreg:$0x7] =	wrdreg s20  }
0x10: {  	s17 =	simm.s32 $0x7900;
	s22 =	sadd.s32 $0x2000, s1;
	[dreg:$0x8] =	wrdreg s21  }
0x11: {  	s23 =	sadd.s32 $0x2800, s1;
	s24 =	sadd.s32 $0x3000, s1;
	[dreg:$0x9] =	wrdreg s22  }
0x12: {  	s25 =	sadd.s32 $0x3800, s1;
	s26 =	simm.s32 $0xF100;
	[dreg:$0xa] =	wrdreg s23  }
0x13: {  	s1 =	simm.s32 $0x0;
	s6 =	sadd.s32 $0x5F1100, s0;
	[dreg:$0xb] =	wrdreg s24  }
0x14: {  	v2 =	vlaneseq.u32;
	[dreg:$0xc] =	wrdreg s25;
	s18 =	simm.s32 $0x5;
	s20 =	simm.s32 $0x100  }
0x15: {  	vm0 =	vmmov $0xffff;
	v1 =	vshrl.u32 v2, $0x3;
	s21 =	simm.s32 $0xC900;
	s22 =	simm.s32 $0xD100;
	s23 =	simm.s32 $0xD900  }
0x16: {  	v0 =	vand.u32 $0x7, v2;
	v2 =	vor.u32 $0x8, v2;
	v1 =	vmul.u32 $0x8, v1;
	s24 =	simm.s32 $0xE100;
	s25 =	simm.s32 $0xE900;
	s0 =	simm.s32 $0x4  }
.LBB2_1:
0x17: {  	s4 =	rddreg [dreg:$0x3]  }
0x18: {  	[tilespmem:s2], [sflag:$0x5] =	stream.linear.gather [hbm4b:s4+s2], $0x80, $0x38;
	[tilespmem:$0x10100] =	vst v63  }
0x19: {  	_ =	swait.ge [sflag:s18], $0x80  }
0x1a: {  	[sflag:s18] =	ssyncset.done $0x0  }
0x1b: {  	s5 =	simm.s32 $0x80;
	s19 =	rddreg [dreg:$0x4];
	[sflag:s18] =	ssyncadd.s32 $0xFFFFFF80  }
0x1c: {  	[tilespmem:s5], [sflag:$0x5] =	stream.linear.gather [hbm4b:s19+s2], $0x80, $0x38;
	[tilespmem:$0x10100] =	vst v63  }
0x1d: {  	_ =	swait.ge [sflag:s18], $0x80  }
0x1e: {  	[sflag:s18] =	ssyncset.done $0x0  }
0x1f: {  	[sflag:s18] =	ssyncadd.s32 $0xFFFFFF80  }
0x20: {  	v3 =	vld [tilespmem:$0x0];
	_ =	sdelay $0x4  }
0x21: {  	v4 =	vshll.u32 v3, $0x3  }
0x22: {  	v3 =	vand.u32 $0x7, v3;
	v4 =	vand.u32 $0xFFFFFFC0, v4  }
0x23: {  	v3 =	vor.u32 v3, v4  }
0x24: {  	v4 =	vperm.xlane v3, v0;
	_ =	sdelay $0x1  }
0x25: {  	v4 =	vadd.s32 v1, v4;
	_ =	sdelay $0x4  }
0x26: {  	[tilespmem:s20], [sflag:$0x1] =	stream.indirect_vreg.gather [hbm4b:s3+s2], $0x80, v4, vm0, $0xb8;
	[tilespmem:$0x10100] =	vst v63  }
0x27: {  	s11 =	simm.s32 $0x900;
	v3 =	vperm.xlane v3, v2  }
0x28: {  	[tilespmem:s11], [sflag:$0x1] =	stream.indirect_vreg.gather [hbm4b:s6+s2], $0x80, v4, vm0, $0xb8;
	[tilespmem:$0x10100] =	vst v63  }
0x29: {  	s12 =	simm.s32 $0x1100;
	v3 =	vadd.s32 v1, v3  }
0x2a: {  	[tilespmem:s12], [sflag:$0x1] =	stream.indirect_vreg.gather [hbm4b:s7+s2], $0x80, v4, vm0, $0xb8;
	[tilespmem:$0x10100] =	vst v63  }
0x2b: {  	s13 =	simm.s32 $0x1900  }
0x2c: {  	[tilespmem:s13], [sflag:$0x1] =	stream.indirect_vreg.gather [hbm4b:s9+s2], $0x80, v4, vm0, $0xb8;
	[tilespmem:$0x10100] =	vst v63  }
0x2d: {  	s14 =	simm.s32 $0x2100  }
0x2e: {  	[tilespmem:s14], [sflag:$0x1] =	stream.indirect_vreg.gather [hbm4b:s3+s2], $0x80, v3, vm0, $0xb8;
	[tilespmem:$0x10100] =	vst v63  }
0x2f: {  	s15 =	simm.s32 $0x2900  }
0x30: {  	[tilespmem:s15], [sflag:$0x1] =	stream.indirect_vreg.gather [hbm4b:s6+s2], $0x80, v3, vm0, $0xb8;
	[tilespmem:$0x10100] =	vst v63  }
0x31: {  	s19 =	simm.s32 $0x3100  }
0x32: {  	[tilespmem:s19], [sflag:$0x1] =	stream.indirect_vreg.gather [hbm4b:s7+s2], $0x80, v3, vm0, $0xb8;
	[tilespmem:$0x10100] =	vst v63  }
0x33: {  	s5 =	simm.s32 $0x3900  }
0x34: {  	[tilespmem:s5], [sflag:$0x1] =	stream.indirect_vreg.gather [hbm4b:s9+s2], $0x80, v3, vm0, $0xb8;
	[tilespmem:$0x10100] =	vst v63  }
0x35: {  	v3 =	vld [tilespmem:$0x80];
	_ =	sdelay $0x4  }
0x36: {  	v61 =	vshll.u32 v3, $0x3  }
0x37: {  	v3 =	vand.u32 $0x7, v3;
	v4 =	vand.u32 $0xFFFFFFC0, v61  }
0x38: {  	v3 =	vor.u32 v3, v4  }
0x39: {  	v4 =	vperm.xlane v3, v0;
	_ =	sdelay $0x1  }
0x3a: {  	v4 =	vadd.s32 v1, v4;
	_ =	sdelay $0x3  }
0x3b: {  	s11 =	simm.s32 $0x8100  }
0x3c: {  	[tilespmem:s11], [sflag:$0x3] =	stream.indirect_vreg.gather [hbm4b:s3+s2], $0x80, v4, vm0, $0xb8;
	[tilespmem:$0x10100] =	vst v63  }
0x3d: {  	s12 =	simm.s32 $0x8900;
	v3 =	vperm.xlane v3, v2  }
0x3e: {  	[tilespmem:s12], [sflag:$0x3] =	stream.indirect_vreg.gather [hbm4b:s6+s2], $0x80, v4, vm0, $0xb8;
	[tilespmem:$0x10100] =	vst v63  }
0x3f: {  	s13 =	simm.s32 $0x9100;
	v3 =	vadd.s32 v1, v3  }
0x40: {  	[tilespmem:s13], [sflag:$0x3] =	stream.indirect_vreg.gather [hbm4b:s7+s2], $0x80, v4, vm0, $0xb8;
	[tilespmem:$0x10100] =	vst v63  }
0x41: {  	s14 =	simm.s32 $0x9900  }
0x42: {  	[tilespmem:s14], [sflag:$0x3] =	stream.indirect_vreg.gather [hbm4b:s9+s2], $0x80, v4, vm0, $0xb8;
	[tilespmem:$0x10100] =	vst v63  }
0x43: {  	s15 =	simm.s32 $0xA100  }
0x44: {  	[tilespmem:s15], [sflag:$0x3] =	stream.indirect_vreg.gather [hbm4b:s3+s2], $0x80, v3, vm0, $0xb8;
	[tilespmem:$0x10100] =	vst v63  }
0x45: {  	s19 =	simm.s32 $0xA900  }
0x46: {  	[tilespmem:s19], [sflag:$0x3] =	stream.indirect_vreg.gather [hbm4b:s6+s2], $0x80, v3, vm0, $0xb8;
	[tilespmem:$0x10100] =	vst v63  }
0x47: {  	s5 =	simm.s32 $0xB100  }
0x48: {  	[tilespmem:s5], [sflag:$0x3] =	stream.indirect_vreg.gather [hbm4b:s7+s2], $0x80, v3, vm0, $0xb8;
	[tilespmem:$0x10100] =	vst v63  }
0x49: {  	s11 =	simm.s32 $0xB900  }
0x4a: {  	[tilespmem:s11], [sflag:$0x3] =	stream.indirect_vreg.gather [hbm4b:s9+s2], $0x80, v3, vm0, $0xb8;
	[tilespmem:$0x10100] =	vst v63  }
0x4b: {  	v3 =	vld [tilespmem:$0x10];
	_ =	sdelay $0x4  }
0x4c: {  	v62 =	vshll.u32 v3, $0x3  }
0x4d: {  	v3 =	vand.u32 $0x7, v3;
	v4 =	vand.u32 $0xFFFFFFC0, v62  }
0x4e: {  	v3 =	vor.u32 v3, v4  }
0x4f: {  	v4 =	vperm.xlane v3, v0;
	_ =	sdelay $0x1  }
0x50: {  	v4 =	vadd.s32 v1, v4;
	_ =	sdelay $0x4  }
0x51: {  	[tilespmem:s10], [sflag:$0x2] =	stream.indirect_vreg.gather [hbm4b:s3+s2], $0x80, v4, vm0, $0xb8;
	[tilespmem:$0x10100] =	vst v63  }
0x52: {  	s12 =	simm.s32 $0x4900;
	v3 =	vperm.xlane v3, v2  }
0x53: {  	[tilespmem:s12], [sflag:$0x2] =	stream.indirect_vreg.gather [hbm4b:s6+s2], $0x80, v4, vm0, $0xb8;
	[tilespmem:$0x10100] =	vst v63  }
0x54: {  	s13 =	simm.s32 $0x5100;
	v3 =	vadd.s32 v1, v3  }
0x55: {  	[tilespmem:s13], [sflag:$0x2] =	stream.indirect_vreg.gather [hbm4b:s7+s2], $0x80, v4, vm0, $0xb8;
	[tilespmem:$0x10100] =	vst v63  }
0x56: {  	s14 =	simm.s32 $0x5900  }
0x57: {  	[tilespmem:s14], [sflag:$0x2] =	stream.indirect_vreg.gather [hbm4b:s9+s2], $0x80, v4, vm0, $0xb8;
	[tilespmem:$0x10100] =	vst v63  }
0x58: {  	s15 =	simm.s32 $0x6100  }
0x59: {  	[tilespmem:s15], [sflag:$0x2] =	stream.indirect_vreg.gather [hbm4b:s3+s2], $0x80, v3, vm0, $0xb8;
	[tilespmem:$0x10100] =	vst v63  }
0x5a: {  	s19 =	simm.s32 $0x6900  }
0x5b: {  	[tilespmem:s19], [sflag:$0x2] =	stream.indirect_vreg.gather [hbm4b:s6+s2], $0x80, v3, vm0, $0xb8;
	[tilespmem:$0x10100] =	vst v63  }
0x5c: {  	_ = 	snop  }
0x5d: {  	[tilespmem:s16], [sflag:$0x2] =	stream.indirect_vreg.gather [hbm4b:s7+s2], $0x80, v3, vm0, $0xb8;
	[tilespmem:$0x10100] =	vst v63  }
0x5e: {  	_ = 	snop  }
0x5f: {  	[tilespmem:s17], [sflag:$0x2] =	stream.indirect_vreg.gather [hbm4b:s9+s2], $0x80, v3, vm0, $0xb8;
	[tilespmem:$0x10100] =	vst v63  }
0x60: {  	v3 =	vld [tilespmem:$0x90];
	_ =	sdelay $0x4  }
0x61: {  	v63 =	vshll.u32 v3, $0x3  }
0x62: {  	v3 =	vand.u32 $0x7, v3;
	v4 =	vand.u32 $0xFFFFFFC0, v63  }
0x63: {  	v3 =	vor.u32 v3, v4  }
0x64: {  	v4 =	vperm.xlane v3, v0;
	_ =	sdelay $0x1  }
0x65: {  	v4 =	vadd.s32 v1, v4;
	_ =	sdelay $0x4  }
0x66: {  	[tilespmem:s8], [sflag:$0x4] =	stream.indirect_vreg.gather [hbm4b:s3+s2], $0x80, v4, vm0, $0xb8;
	[tilespmem:$0x10100] =	vst v63  }
0x67: {  	v3 =	vperm.xlane v3, v2  }
0x68: {  	[tilespmem:s21], [sflag:$0x4] =	stream.indirect_vreg.gather [hbm4b:s6+s2], $0x80, v4, vm0, $0xb8;
	[tilespmem:$0x10100] =	vst v63  }
0x69: {  	v3 =	vadd.s32 v1, v3  }
0x6a: {  	[tilespmem:s22], [sflag:$0x4] =	stream.indirect_vreg.gather [hbm4b:s7+s2], $0x80, v4, vm0, $0xb8;
	[tilespmem:$0x10100] =	vst v63  }
0x6b: {  	_ = 	snop  }
0x6c: {  	[tilespmem:s23], [sflag:$0x4] =	stream.indirect_vreg.gather [hbm4b:s9+s2], $0x80, v4, vm0, $0xb8;
	[tilespmem:$0x10100] =	vst v63  }
0x6d: {  	_ = 	snop  }
0x6e: {  	[tilespmem:s24], [sflag:$0x4] =	stream.indirect_vreg.gather [hbm4b:s3+s2], $0x80, v3, vm0, $0xb8;
	[tilespmem:$0x10100] =	vst v63  }
0x6f: {  	_ = 	snop  }
0x70: {  	[tilespmem:s25], [sflag:$0x4] =	stream.indirect_vreg.gather [hbm4b:s6+s2], $0x80, v3, vm0, $0xb8;
	[tilespmem:$0x10100] =	vst v63  }
0x71: {  	_ = 	snop  }
0x72: {  	[tilespmem:s26], [sflag:$0x4] =	stream.indirect_vreg.gather [hbm4b:s7+s2], $0x80, v3, vm0, $0xb8;
	[tilespmem:$0x10100] =	vst v63  }
0x73: {  	_ = 	snop  }
0x74: {  	[tilespmem:s28], [sflag:$0x4] =	stream.indirect_vreg.gather [hbm4b:s9+s2], $0x80, v3, vm0, $0xb8;
	[tilespmem:$0x10100] =	vst v63  }
0x75: {  	_ =	swait.ge [sflag:s29], $0x4000  }
0x76: {  	[sflag:s29] =	ssyncset.done $0x0  }
0x77: {  	[sflag:s29] =	ssyncadd.s32 $0xFFFFC000  }
0x78: {  	_ =	swait.ge [sflag:s30], $0x4000  }
0x79: {  	[sflag:s30] =	ssyncset.done $0x0  }
0x7a: {  	s19 =	simm.s32 $0x0;
	[sflag:s30] =	ssyncadd.s32 $0xFFFFC000  }
.LBB2_2:
0x7b: {  	s4 =	sshll.u32 s19, $0xA;
	s5 =	sshll.u32 s19, $0x7  }
0x7c: {  	s11 =	simm.s32 $0x0;
	s4 =	sand.u32 $0x2000, s4;
	s5 =	sand.u32 $0x380, s5  }
0x7d: {  	s15 =	sand.u32 $0x1C00, s11;
	s4 =	sor.u32 s4, s5  }
0x7e: {  	s11 =	sand.u32 $0x70, s11;
	s5 =	sor.u32 s15, s4  }
0x7f: {  	s5 =	sor.u32 s11, s5  }
0x80: {  	v3 =	vld [tilespmem:s5+$0x8100]  }
0x81: {  	v4 =	vld [tilespmem:s5+$0x100];
	_ =	sdelay $0x2  }
0x82: {  	s11 =	simm.s32 $0x80  }
0x83: {  	s12 =	simm.s32 $0x10;
	s14 =	sand.u32 $0x1C00, s11  }
0x84: {  	s13 =	sand.u32 $0x70, s12;
	s12 =	simm.s32 $0x20;
	s14 =	sor.u32 s14, s4;
	v3 =	vadd.f32 v3, v4  }
.LBB2_3:
0x85: {  	p0 =	sne.s32 s12, $0x3F0;
	s13 =	sor.u32 s13, s14  }
0x86: {  	v4 =	vld [tilespmem:s13+$0x8100];
	[tilespmem:s5+$0x100] =	vst v3;
	s5 =	smov.u32 s13  }
0x87: {  	v3 =	vld [tilespmem:s5+$0x100]  }
.Ltmp0:
0x88: {  	(pc) =	sbr.rel @p0 .LBB2_3-.Ltmp0, $4  }
0x89: {  	_ = 	snop  }
0x8a: {  	s11 =	sadd.s32 $0x80, s11  }
0x8b: {  	s14 =	sand.u32 $0x1C00, s11  }
0x8c: {  	s13 =	sand.u32 $0x70, s12;
	s12 =	sadd.s32 $0x10, s12;
	s14 =	sor.u32 s14, s4;
	v3 =	vadd.f32 v4, v3  }
0x8d: {  	s4 =	sor.u32 s13, s14  }
0x8e: {  	v4 =	vld [tilespmem:s4+$0x8100];
	[tilespmem:s5+$0x100] =	vst v3  }
0x8f: {  	v3 =	vld [tilespmem:s4+$0x100]  }
0x90: {  	s19 =	sadd.s32 $0x1, s19  }
0x91: {  	p0 =	sne.s32 s19, $0x10  }
.Ltmp1:
0x92: {  	_ = 	snop;
	(pc) =	sbr.rel @p0 .LBB2_2-.Ltmp1, $3  }
0x93: {  	_ = 	snop  }
0x94: {  	v3 =	vadd.f32 v4, v3;
	_ =	sdelay $0x1  }
0x95: {  	[tilespmem:s4+$0x100] =	vst v3  }
0x96: {  	s19 =	simm.s32 $0x0;
	s4 =	rddreg [dreg:$0x5]  }
0x97: {  	[hbm4b:s4+s19] =	stream.linear.scatter [tilespmem:s20], [sflag:$0x5], $0x4000, $0x38;
	[tilespmem:$0x10100] =	vst v63  }
0x98: {  	_ =	swait.ge [sflag:s18], $0x4000  }
0x99: {  	[sflag:s18] =	ssyncset.done $0x0  }
0x9a: {  	[sflag:s18] =	ssyncadd.s32 $0xFFFFC000  }
0x9b: {  	v3 =	vld [tilespmem:$0x20];
	_ =	sdelay $0x4  }
0x9c: {  	v4 =	vshll.u32 v3, $0x3  }
0x9d: {  	v3 =	vand.u32 $0x7, v3;
	v4 =	vand.u32 $0xFFFFFFC0, v4  }
0x9e: {  	v3 =	vor.u32 v3, v4  }
0x9f: {  	v4 =	vperm.xlane v3, v0;
	_ =	sdelay $0x1  }
0xa0: {  	v4 =	vadd.s32 v1, v4;
	_ =	sdelay $0x4  }
0xa1: {  	[tilespmem:s20], [sflag:$0x1] =	stream.indirect_vreg.gather [hbm4b:s3+s19], $0x80, v4, vm0, $0xb8;
	[tilespmem:$0x10100] =	vst v63  }
0xa2: {  	s13 =	simm.s32 $0x900;
	v3 =	vperm.xlane v3, v2  }
0xa3: {  	[tilespmem:s13], [sflag:$0x1] =	stream.indirect_vreg.gather [hbm4b:s6+s19], $0x80, v4, vm0, $0xb8;
	[tilespmem:$0x10100] =	vst v63  }
0xa4: {  	s14 =	simm.s32 $0x1100;
	v3 =	vadd.s32 v1, v3  }
0xa5: {  	[tilespmem:s14], [sflag:$0x1] =	stream.indirect_vreg.gather [hbm4b:s7+s19], $0x80, v4, vm0, $0xb8;
	[tilespmem:$0x10100] =	vst v63  }
0xa6: {  	s15 =	simm.s32 $0x1900  }
0xa7: {  	[tilespmem:s15], [sflag:$0x1] =	stream.indirect_vreg.gather [hbm4b:s9+s19], $0x80, v4, vm0, $0xb8;
	[tilespmem:$0x10100] =	vst v63  }
0xa8: {  	s5 =	simm.s32 $0x2100  }
0xa9: {  	[tilespmem:s5], [sflag:$0x1] =	stream.indirect_vreg.gather [hbm4b:s3+s19], $0x80, v3, vm0, $0xb8;
	[tilespmem:$0x10100] =	vst v63  }
0xaa: {  	s11 =	simm.s32 $0x2900  }
0xab: {  	[tilespmem:s11], [sflag:$0x1] =	stream.indirect_vreg.gather [hbm4b:s6+s19], $0x80, v3, vm0, $0xb8;
	[tilespmem:$0x10100] =	vst v63  }
0xac: {  	s12 =	simm.s32 $0x3100  }
0xad: {  	[tilespmem:s12], [sflag:$0x1] =	stream.indirect_vreg.gather [hbm4b:s7+s19], $0x80, v3, vm0, $0xb8;
	[tilespmem:$0x10100] =	vst v63  }
0xae: {  	s13 =	simm.s32 $0x3900  }
0xaf: {  	[tilespmem:s13], [sflag:$0x1] =	stream.indirect_vreg.gather [hbm4b:s9+s19], $0x80, v3, vm0, $0xb8;
	[tilespmem:$0x10100] =	vst v63  }
0xb0: {  	v3 =	vld [tilespmem:$0xA0];
	_ =	sdelay $0x4  }
0xb1: {  	v63 =	vshll.u32 v3, $0x3  }
0xb2: {  	v3 =	vand.u32 $0x7, v3;
	v4 =	vand.u32 $0xFFFFFFC0, v63  }
0xb3: {  	v3 =	vor.u32 v3, v4  }
0xb4: {  	v4 =	vperm.xlane v3, v0;
	_ =	sdelay $0x1  }
0xb5: {  	v4 =	vadd.s32 v1, v4;
	_ =	sdelay $0x3  }
0xb6: {  	s14 =	simm.s32 $0x8100  }
0xb7: {  	[tilespmem:s14], [sflag:$0x3] =	stream.indirect_vreg.gather [hbm4b:s3+s19], $0x80, v4, vm0, $0xb8;
	[tilespmem:$0x10100] =	vst v63  }
0xb8: {  	s15 =	simm.s32 $0x8900;
	v3 =	vperm.xlane v3, v2  }
0xb9: {  	[tilespmem:s15], [sflag:$0x3] =	stream.indirect_vreg.gather [hbm4b:s6+s19], $0x80, v4, vm0, $0xb8;
	[tilespmem:$0x10100] =	vst v63  }
0xba: {  	s5 =	simm.s32 $0x9100;
	v3 =	vadd.s32 v1, v3  }
0xbb: {  	[tilespmem:s5], [sflag:$0x3] =	stream.indirect_vreg.gather [hbm4b:s7+s19], $0x80, v4, vm0, $0xb8;
	[tilespmem:$0x10100] =	vst v63  }
0xbc: {  	s11 =	simm.s32 $0x9900  }
0xbd: {  	[tilespmem:s11], [sflag:$0x3] =	stream.indirect_vreg.gather [hbm4b:s9+s19], $0x80, v4, vm0, $0xb8;
	[tilespmem:$0x10100] =	vst v63  }
0xbe: {  	s12 =	simm.s32 $0xA100  }
0xbf: {  	[tilespmem:s12], [sflag:$0x3] =	stream.indirect_vreg.gather [hbm4b:s3+s19], $0x80, v3, vm0, $0xb8;
	[tilespmem:$0x10100] =	vst v63  }
0xc0: {  	s13 =	simm.s32 $0xA900  }
0xc1: {  	[tilespmem:s13], [sflag:$0x3] =	stream.indirect_vreg.gather [hbm4b:s6+s19], $0x80, v3, vm0, $0xb8;
	[tilespmem:$0x10100] =	vst v63  }
0xc2: {  	s14 =	simm.s32 $0xB100  }
0xc3: {  	[tilespmem:s14], [sflag:$0x3] =	stream.indirect_vreg.gather [hbm4b:s7+s19], $0x80, v3, vm0, $0xb8;
	[tilespmem:$0x10100] =	vst v63  }
0xc4: {  	s15 =	simm.s32 $0xB900  }
0xc5: {  	[tilespmem:s15], [sflag:$0x3] =	stream.indirect_vreg.gather [hbm4b:s9+s19], $0x80, v3, vm0, $0xb8;
	[tilespmem:$0x10100] =	vst v63  }
0xc6: {  	_ =	swait.ge [sflag:s31], $0x4000  }
0xc7: {  	[sflag:s31] =	ssyncset.done $0x0  }
0xc8: {  	[sflag:s31] =	ssyncadd.s32 $0xFFFFC000  }
0xc9: {  	_ =	swait.ge [sflag:s0], $0x4000  }
0xca: {  	[sflag:s0] =	ssyncset.done $0x0  }
0xcb: {  	s4 =	simm.s32 $0x0;
	[sflag:s0] =	ssyncadd.s32 $0xFFFFC000  }
.LBB2_6:
0xcc: {  	s5 =	sshll.u32 s4, $0xA;
	s11 =	sshll.u32 s4, $0x7  }
0xcd: {  	s5 =	sand.u32 $0x2000, s5;
	s11 =	sand.u32 $0x380, s11  }
0xce: {  	s15 =	sand.u32 $0x1C00, s19;
	s5 =	sor.u32 s5, s11  }
0xcf: {  	s12 =	sand.u32 $0x70, s19;
	s11 =	sor.u32 s15, s5  }
0xd0: {  	s11 =	sor.u32 s12, s11  }
0xd1: {  	v3 =	vld [tilespmem:s11+$0xC100]  }
0xd2: {  	v4 =	vld [tilespmem:s11+$0x4100];
	_ =	sdelay $0x2  }
0xd3: {  	s12 =	simm.s32 $0x80  }
0xd4: {  	s13 =	simm.s32 $0x10;
	s15 =	sand.u32 $0x1C00, s12  }
0xd5: {  	s14 =	sand.u32 $0x70, s13;
	s13 =	simm.s32 $0x20;
	s15 =	sor.u32 s15, s5;
	v3 =	vadd.f32 v3, v4  }
.LBB2_7:
0xd6: {  	p0 =	sne.s32 s13, $0x3F0;
	s14 =	sor.u32 s14, s15  }
0xd7: {  	v4 =	vld [tilespmem:s14+$0xC100];
	[tilespmem:s11+$0x4100] =	vst v3;
	s11 =	smov.u32 s14  }
0xd8: {  	v3 =	vld [tilespmem:s11+$0x4100]  }
.Ltmp2:
0xd9: {  	(pc) =	sbr.rel @p0 .LBB2_7-.Ltmp2, $4  }
0xda: {  	_ = 	snop  }
0xdb: {  	s12 =	sadd.s32 $0x80, s12  }
0xdc: {  	s15 =	sand.u32 $0x1C00, s12  }
0xdd: {  	s14 =	sand.u32 $0x70, s13;
	s13 =	sadd.s32 $0x10, s13;
	s15 =	sor.u32 s15, s5;
	v3 =	vadd.f32 v4, v3  }
0xde: {  	s5 =	sor.u32 s14, s15  }
0xdf: {  	v4 =	vld [tilespmem:s5+$0xC100];
	[tilespmem:s11+$0x4100] =	vst v3  }
0xe0: {  	v3 =	vld [tilespmem:s5+$0x4100]  }
0xe1: {  	s4 =	sadd.s32 $0x1, s4  }
0xe2: {  	p0 =	sne.s32 s4, $0x10  }
.Ltmp3:
0xe3: {  	_ = 	snop;
	(pc) =	sbr.rel @p0 .LBB2_6-.Ltmp3, $3  }
0xe4: {  	_ = 	snop  }
0xe5: {  	v3 =	vadd.f32 v4, v3;
	_ =	sdelay $0x1  }
0xe6: {  	[tilespmem:s5+$0x4100] =	vst v3  }
0xe7: {  	s19 =	simm.s32 $0x0;
	s4 =	rddreg [dreg:$0x6]  }
0xe8: {  	[hbm4b:s4+s19] =	stream.linear.scatter [tilespmem:s10], [sflag:$0x5], $0x4000, $0x38;
	[tilespmem:$0x10100] =	vst v63  }
0xe9: {  	_ =	swait.ge [sflag:s18], $0x4000  }
0xea: {  	[sflag:s18] =	ssyncset.done $0x0  }
0xeb: {  	[sflag:s18] =	ssyncadd.s32 $0xFFFFC000  }
0xec: {  	v3 =	vld [tilespmem:$0x30];
	_ =	sdelay $0x4  }
0xed: {  	v4 =	vshll.u32 v3, $0x3  }
0xee: {  	v3 =	vand.u32 $0x7, v3;
	v4 =	vand.u32 $0xFFFFFFC0, v4  }
0xef: {  	v3 =	vor.u32 v3, v4  }
0xf0: {  	v4 =	vperm.xlane v3, v0;
	_ =	sdelay $0x1  }
0xf1: {  	v4 =	vadd.s32 v1, v4;
	_ =	sdelay $0x4  }
0xf2: {  	[tilespmem:s10], [sflag:$0x2] =	stream.indirect_vreg.gather [hbm4b:s3+s19], $0x80, v4, vm0, $0xb8;
	[tilespmem:$0x10100] =	vst v63  }
0xf3: {  	s11 =	simm.s32 $0x4900;
	v3 =	vperm.xlane v3, v2  }
0xf4: {  	[tilespmem:s11], [sflag:$0x2] =	stream.indirect_vreg.gather [hbm4b:s6+s19], $0x80, v4, vm0, $0xb8;
	[tilespmem:$0x10100] =	vst v63  }
0xf5: {  	s12 =	simm.s32 $0x5100;
	v3 =	vadd.s32 v1, v3  }
0xf6: {  	[tilespmem:s12], [sflag:$0x2] =	stream.indirect_vreg.gather [hbm4b:s7+s19], $0x80, v4, vm0, $0xb8;
	[tilespmem:$0x10100] =	vst v63  }
0xf7: {  	s13 =	simm.s32 $0x5900  }
0xf8: {  	[tilespmem:s13], [sflag:$0x2] =	stream.indirect_vreg.gather [hbm4b:s9+s19], $0x80, v4, vm0, $0xb8;
	[tilespmem:$0x10100] =	vst v63  }
0xf9: {  	s14 =	simm.s32 $0x6100  }
0xfa: {  	[tilespmem:s14], [sflag:$0x2] =	stream.indirect_vreg.gather [hbm4b:s3+s19], $0x80, v3, vm0, $0xb8;
	[tilespmem:$0x10100] =	vst v63  }
0xfb: {  	s15 =	simm.s32 $0x6900  }
0xfc: {  	[tilespmem:s15], [sflag:$0x2] =	stream.indirect_vreg.gather [hbm4b:s6+s19], $0x80, v3, vm0, $0xb8;
	[tilespmem:$0x10100] =	vst v63  }
0xfd: {  	_ = 	snop  }
0xfe: {  	[tilespmem:s16], [sflag:$0x2] =	stream.indirect_vreg.gather [hbm4b:s7+s19], $0x80, v3, vm0, $0xb8;
	[tilespmem:$0x10100] =	vst v63  }
0xff: {  	_ = 	snop  }
0x100: {  	[tilespmem:s17], [sflag:$0x2] =	stream.indirect_vreg.gather [hbm4b:s9+s19], $0x80, v3, vm0, $0xb8;
	[tilespmem:$0x10100] =	vst v63  }
0x101: {  	v3 =	vld [tilespmem:$0xB0];
	_ =	sdelay $0x4  }
0x102: {  	v63 =	vshll.u32 v3, $0x3  }
0x103: {  	v3 =	vand.u32 $0x7, v3;
	v4 =	vand.u32 $0xFFFFFFC0, v63  }
0x104: {  	v3 =	vor.u32 v3, v4  }
0x105: {  	v4 =	vperm.xlane v3, v0;
	_ =	sdelay $0x1  }
0x106: {  	v4 =	vadd.s32 v1, v4;
	_ =	sdelay $0x4  }
0x107: {  	[tilespmem:s8], [sflag:$0x4] =	stream.indirect_vreg.gather [hbm4b:s3+s19], $0x80, v4, vm0, $0xb8;
	[tilespmem:$0x10100] =	vst v63  }
0x108: {  	v3 =	vperm.xlane v3, v2  }
0x109: {  	[tilespmem:s21], [sflag:$0x4] =	stream.indirect_vreg.gather [hbm4b:s6+s19], $0x80, v4, vm0, $0xb8;
	[tilespmem:$0x10100] =	vst v63  }
0x10a: {  	v3 =	vadd.s32 v1, v3  }
0x10b: {  	[tilespmem:s22], [sflag:$0x4] =	stream.indirect_vreg.gather [hbm4b:s7+s19], $0x80, v4, vm0, $0xb8;
	[tilespmem:$0x10100] =	vst v63  }
0x10c: {  	_ = 	snop  }
0x10d: {  	[tilespmem:s23], [sflag:$0x4] =	stream.indirect_vreg.gather [hbm4b:s9+s19], $0x80, v4, vm0, $0xb8;
	[tilespmem:$0x10100] =	vst v63  }
0x10e: {  	_ = 	snop  }
0x10f: {  	[tilespmem:s24], [sflag:$0x4] =	stream.indirect_vreg.gather [hbm4b:s3+s19], $0x80, v3, vm0, $0xb8;
	[tilespmem:$0x10100] =	vst v63  }
0x110: {  	_ = 	snop  }
0x111: {  	[tilespmem:s25], [sflag:$0x4] =	stream.indirect_vreg.gather [hbm4b:s6+s19], $0x80, v3, vm0, $0xb8;
	[tilespmem:$0x10100] =	vst v63  }
0x112: {  	_ = 	snop  }
0x113: {  	[tilespmem:s26], [sflag:$0x4] =	stream.indirect_vreg.gather [hbm4b:s7+s19], $0x80, v3, vm0, $0xb8;
	[tilespmem:$0x10100] =	vst v63  }
0x114: {  	_ = 	snop  }
0x115: {  	[tilespmem:s28], [sflag:$0x4] =	stream.indirect_vreg.gather [hbm4b:s9+s19], $0x80, v3, vm0, $0xb8;
	[tilespmem:$0x10100] =	vst v63  }
0x116: {  	_ =	swait.ge [sflag:s29], $0x4000  }
0x117: {  	[sflag:s29] =	ssyncset.done $0x0  }
0x118: {  	[sflag:s29] =	ssyncadd.s32 $0xFFFFC000  }
0x119: {  	_ =	swait.ge [sflag:s30], $0x4000  }
0x11a: {  	[sflag:s30] =	ssyncset.done $0x0  }
0x11b: {  	s4 =	simm.s32 $0x0;
	[sflag:s30] =	ssyncadd.s32 $0xFFFFC000  }
.LBB2_10:
0x11c: {  	s5 =	sshll.u32 s4, $0xA;
	s11 =	sshll.u32 s4, $0x7  }
0x11d: {  	s5 =	sand.u32 $0x2000, s5;
	s11 =	sand.u32 $0x380, s11  }
0x11e: {  	s15 =	sand.u32 $0x1C00, s19;
	s5 =	sor.u32 s5, s11  }
0x11f: {  	s12 =	sand.u32 $0x70, s19;
	s11 =	sor.u32 s15, s5  }
0x120: {  	s11 =	sor.u32 s12, s11  }
0x121: {  	v3 =	vld [tilespmem:s11+$0x8100]  }
0x122: {  	v4 =	vld [tilespmem:s11+$0x100];
	_ =	sdelay $0x2  }
0x123: {  	s12 =	simm.s32 $0x80  }
0x124: {  	s13 =	simm.s32 $0x10;
	s15 =	sand.u32 $0x1C00, s12  }
0x125: {  	s14 =	sand.u32 $0x70, s13;
	s13 =	simm.s32 $0x20;
	s15 =	sor.u32 s15, s5;
	v3 =	vadd.f32 v3, v4  }
.LBB2_11:
0x126: {  	p0 =	sne.s32 s13, $0x3F0;
	s14 =	sor.u32 s14, s15  }
0x127: {  	v4 =	vld [tilespmem:s14+$0x8100];
	[tilespmem:s11+$0x100] =	vst v3;
	s11 =	smov.u32 s14  }
0x128: {  	v3 =	vld [tilespmem:s11+$0x100]  }
.Ltmp4:
0x129: {  	(pc) =	sbr.rel @p0 .LBB2_11-.Ltmp4, $4  }
0x12a: {  	_ = 	snop  }
0x12b: {  	s12 =	sadd.s32 $0x80, s12  }
0x12c: {  	s15 =	sand.u32 $0x1C00, s12  }
0x12d: {  	s14 =	sand.u32 $0x70, s13;
	s13 =	sadd.s32 $0x10, s13;
	s15 =	sor.u32 s15, s5;
	v3 =	vadd.f32 v4, v3  }
0x12e: {  	s5 =	sor.u32 s14, s15  }
0x12f: {  	v4 =	vld [tilespmem:s5+$0x8100];
	[tilespmem:s11+$0x100] =	vst v3  }
0x130: {  	v3 =	vld [tilespmem:s5+$0x100]  }
0x131: {  	s4 =	sadd.s32 $0x1, s4  }
0x132: {  	p0 =	sne.s32 s4, $0x10  }
.Ltmp5:
0x133: {  	_ = 	snop;
	(pc) =	sbr.rel @p0 .LBB2_10-.Ltmp5, $3  }
0x134: {  	_ = 	snop  }
0x135: {  	v3 =	vadd.f32 v4, v3;
	_ =	sdelay $0x1  }
0x136: {  	[tilespmem:s5+$0x100] =	vst v3  }
0x137: {  	s19 =	simm.s32 $0x0;
	s4 =	rddreg [dreg:$0x7]  }
0x138: {  	[hbm4b:s4+s19] =	stream.linear.scatter [tilespmem:s20], [sflag:$0x5], $0x4000, $0x38;
	[tilespmem:$0x10100] =	vst v63  }
0x139: {  	_ =	swait.ge [sflag:s18], $0x4000  }
0x13a: {  	[sflag:s18] =	ssyncset.done $0x0  }
0x13b: {  	[sflag:s18] =	ssyncadd.s32 $0xFFFFC000  }
0x13c: {  	v3 =	vld [tilespmem:$0x40];
	_ =	sdelay $0x4  }
0x13d: {  	v4 =	vshll.u32 v3, $0x3  }
0x13e: {  	v3 =	vand.u32 $0x7, v3;
	v4 =	vand.u32 $0xFFFFFFC0, v4  }
0x13f: {  	v3 =	vor.u32 v3, v4  }
0x140: {  	v4 =	vperm.xlane v3, v0;
	_ =	sdelay $0x1  }
0x141: {  	v4 =	vadd.s32 v1, v4;
	_ =	sdelay $0x4  }
0x142: {  	[tilespmem:s20], [sflag:$0x1] =	stream.indirect_vreg.gather [hbm4b:s3+s19], $0x80, v4, vm0, $0xb8;
	[tilespmem:$0x10100] =	vst v63  }
0x143: {  	s13 =	simm.s32 $0x900;
	v3 =	vperm.xlane v3, v2  }
0x144: {  	[tilespmem:s13], [sflag:$0x1] =	stream.indirect_vreg.gather [hbm4b:s6+s19], $0x80, v4, vm0, $0xb8;
	[tilespmem:$0x10100] =	vst v63  }
0x145: {  	s14 =	simm.s32 $0x1100;
	v3 =	vadd.s32 v1, v3  }
0x146: {  	[tilespmem:s14], [sflag:$0x1] =	stream.indirect_vreg.gather [hbm4b:s7+s19], $0x80, v4, vm0, $0xb8;
	[tilespmem:$0x10100] =	vst v63  }
0x147: {  	s15 =	simm.s32 $0x1900  }
0x148: {  	[tilespmem:s15], [sflag:$0x1] =	stream.indirect_vreg.gather [hbm4b:s9+s19], $0x80, v4, vm0, $0xb8;
	[tilespmem:$0x10100] =	vst v63  }
0x149: {  	s5 =	simm.s32 $0x2100  }
0x14a: {  	[tilespmem:s5], [sflag:$0x1] =	stream.indirect_vreg.gather [hbm4b:s3+s19], $0x80, v3, vm0, $0xb8;
	[tilespmem:$0x10100] =	vst v63  }
0x14b: {  	s11 =	simm.s32 $0x2900  }
0x14c: {  	[tilespmem:s11], [sflag:$0x1] =	stream.indirect_vreg.gather [hbm4b:s6+s19], $0x80, v3, vm0, $0xb8;
	[tilespmem:$0x10100] =	vst v63  }
0x14d: {  	s12 =	simm.s32 $0x3100  }
0x14e: {  	[tilespmem:s12], [sflag:$0x1] =	stream.indirect_vreg.gather [hbm4b:s7+s19], $0x80, v3, vm0, $0xb8;
	[tilespmem:$0x10100] =	vst v63  }
0x14f: {  	s13 =	simm.s32 $0x3900  }
0x150: {  	[tilespmem:s13], [sflag:$0x1] =	stream.indirect_vreg.gather [hbm4b:s9+s19], $0x80, v3, vm0, $0xb8;
	[tilespmem:$0x10100] =	vst v63  }
0x151: {  	v3 =	vld [tilespmem:$0xC0];
	_ =	sdelay $0x4  }
0x152: {  	v63 =	vshll.u32 v3, $0x3  }
0x153: {  	v3 =	vand.u32 $0x7, v3;
	v4 =	vand.u32 $0xFFFFFFC0, v63  }
0x154: {  	v3 =	vor.u32 v3, v4  }
0x155: {  	v4 =	vperm.xlane v3, v0;
	_ =	sdelay $0x1  }
0x156: {  	v4 =	vadd.s32 v1, v4;
	_ =	sdelay $0x3  }
0x157: {  	s14 =	simm.s32 $0x8100  }
0x158: {  	[tilespmem:s14], [sflag:$0x3] =	stream.indirect_vreg.gather [hbm4b:s3+s19], $0x80, v4, vm0, $0xb8;
	[tilespmem:$0x10100] =	vst v63  }
0x159: {  	s15 =	simm.s32 $0x8900;
	v3 =	vperm.xlane v3, v2  }
0x15a: {  	[tilespmem:s15], [sflag:$0x3] =	stream.indirect_vreg.gather [hbm4b:s6+s19], $0x80, v4, vm0, $0xb8;
	[tilespmem:$0x10100] =	vst v63  }
0x15b: {  	s5 =	simm.s32 $0x9100;
	v3 =	vadd.s32 v1, v3  }
0x15c: {  	[tilespmem:s5], [sflag:$0x3] =	stream.indirect_vreg.gather [hbm4b:s7+s19], $0x80, v4, vm0, $0xb8;
	[tilespmem:$0x10100] =	vst v63  }
0x15d: {  	s11 =	simm.s32 $0x9900  }
0x15e: {  	[tilespmem:s11], [sflag:$0x3] =	stream.indirect_vreg.gather [hbm4b:s9+s19], $0x80, v4, vm0, $0xb8;
	[tilespmem:$0x10100] =	vst v63  }
0x15f: {  	s12 =	simm.s32 $0xA100  }
0x160: {  	[tilespmem:s12], [sflag:$0x3] =	stream.indirect_vreg.gather [hbm4b:s3+s19], $0x80, v3, vm0, $0xb8;
	[tilespmem:$0x10100] =	vst v63  }
0x161: {  	s13 =	simm.s32 $0xA900  }
0x162: {  	[tilespmem:s13], [sflag:$0x3] =	stream.indirect_vreg.gather [hbm4b:s6+s19], $0x80, v3, vm0, $0xb8;
	[tilespmem:$0x10100] =	vst v63  }
0x163: {  	s14 =	simm.s32 $0xB100  }
0x164: {  	[tilespmem:s14], [sflag:$0x3] =	stream.indirect_vreg.gather [hbm4b:s7+s19], $0x80, v3, vm0, $0xb8;
	[tilespmem:$0x10100] =	vst v63  }
0x165: {  	s15 =	simm.s32 $0xB900  }
0x166: {  	[tilespmem:s15], [sflag:$0x3] =	stream.indirect_vreg.gather [hbm4b:s9+s19], $0x80, v3, vm0, $0xb8;
	[tilespmem:$0x10100] =	vst v63  }
0x167: {  	_ =	swait.ge [sflag:s31], $0x4000  }
0x168: {  	[sflag:s31] =	ssyncset.done $0x0  }
0x169: {  	[sflag:s31] =	ssyncadd.s32 $0xFFFFC000  }
0x16a: {  	_ =	swait.ge [sflag:s0], $0x4000  }
0x16b: {  	[sflag:s0] =	ssyncset.done $0x0  }
0x16c: {  	s4 =	simm.s32 $0x0;
	[sflag:s0] =	ssyncadd.s32 $0xFFFFC000  }
.LBB2_14:
0x16d: {  	s5 =	sshll.u32 s4, $0xA;
	s11 =	sshll.u32 s4, $0x7  }
0x16e: {  	s5 =	sand.u32 $0x2000, s5;
	s11 =	sand.u32 $0x380, s11  }
0x16f: {  	s15 =	sand.u32 $0x1C00, s19;
	s5 =	sor.u32 s5, s11  }
0x170: {  	s12 =	sand.u32 $0x70, s19;
	s11 =	sor.u32 s15, s5  }
0x171: {  	s11 =	sor.u32 s12, s11  }
0x172: {  	v3 =	vld [tilespmem:s11+$0xC100]  }
0x173: {  	v4 =	vld [tilespmem:s11+$0x4100];
	_ =	sdelay $0x2  }
0x174: {  	s12 =	simm.s32 $0x80  }
0x175: {  	s13 =	simm.s32 $0x10;
	s15 =	sand.u32 $0x1C00, s12  }
0x176: {  	s14 =	sand.u32 $0x70, s13;
	s13 =	simm.s32 $0x20;
	s15 =	sor.u32 s15, s5;
	v3 =	vadd.f32 v3, v4  }
.LBB2_15:
0x177: {  	p0 =	sne.s32 s13, $0x3F0;
	s14 =	sor.u32 s14, s15  }
0x178: {  	v4 =	vld [tilespmem:s14+$0xC100];
	[tilespmem:s11+$0x4100] =	vst v3;
	s11 =	smov.u32 s14  }
0x179: {  	v3 =	vld [tilespmem:s11+$0x4100]  }
.Ltmp6:
0x17a: {  	(pc) =	sbr.rel @p0 .LBB2_15-.Ltmp6, $4  }
0x17b: {  	_ = 	snop  }
0x17c: {  	s12 =	sadd.s32 $0x80, s12  }
0x17d: {  	s15 =	sand.u32 $0x1C00, s12  }
0x17e: {  	s14 =	sand.u32 $0x70, s13;
	s13 =	sadd.s32 $0x10, s13;
	s15 =	sor.u32 s15, s5;
	v3 =	vadd.f32 v4, v3  }
0x17f: {  	s5 =	sor.u32 s14, s15  }
0x180: {  	v4 =	vld [tilespmem:s5+$0xC100];
	[tilespmem:s11+$0x4100] =	vst v3  }
0x181: {  	v3 =	vld [tilespmem:s5+$0x4100]  }
0x182: {  	s4 =	sadd.s32 $0x1, s4  }
0x183: {  	p0 =	sne.s32 s4, $0x10  }
.Ltmp7:
0x184: {  	_ = 	snop;
	(pc) =	sbr.rel @p0 .LBB2_14-.Ltmp7, $3  }
0x185: {  	_ = 	snop  }
0x186: {  	v3 =	vadd.f32 v4, v3;
	_ =	sdelay $0x1  }
0x187: {  	[tilespmem:s5+$0x4100] =	vst v3  }
0x188: {  	s19 =	simm.s32 $0x0;
	s4 =	rddreg [dreg:$0x8]  }
0x189: {  	[hbm4b:s4+s19] =	stream.linear.scatter [tilespmem:s10], [sflag:$0x5], $0x4000, $0x38;
	[tilespmem:$0x10100] =	vst v63  }
0x18a: {  	_ =	swait.ge [sflag:s18], $0x4000  }
0x18b: {  	[sflag:s18] =	ssyncset.done $0x0  }
0x18c: {  	[sflag:s18] =	ssyncadd.s32 $0xFFFFC000  }
0x18d: {  	v3 =	vld [tilespmem:$0x50];
	_ =	sdelay $0x4  }
0x18e: {  	v4 =	vshll.u32 v3, $0x3  }
0x18f: {  	v3 =	vand.u32 $0x7, v3;
	v4 =	vand.u32 $0xFFFFFFC0, v4  }
0x190: {  	v3 =	vor.u32 v3, v4  }
0x191: {  	v4 =	vperm.xlane v3, v0;
	_ =	sdelay $0x1  }
0x192: {  	v4 =	vadd.s32 v1, v4;
	_ =	sdelay $0x4  }
0x193: {  	[tilespmem:s10], [sflag:$0x2] =	stream.indirect_vreg.gather [hbm4b:s3+s19], $0x80, v4, vm0, $0xb8;
	[tilespmem:$0x10100] =	vst v63  }
0x194: {  	s11 =	simm.s32 $0x4900;
	v3 =	vperm.xlane v3, v2  }
0x195: {  	[tilespmem:s11], [sflag:$0x2] =	stream.indirect_vreg.gather [hbm4b:s6+s19], $0x80, v4, vm0, $0xb8;
	[tilespmem:$0x10100] =	vst v63  }
0x196: {  	s12 =	simm.s32 $0x5100;
	v3 =	vadd.s32 v1, v3  }
0x197: {  	[tilespmem:s12], [sflag:$0x2] =	stream.indirect_vreg.gather [hbm4b:s7+s19], $0x80, v4, vm0, $0xb8;
	[tilespmem:$0x10100] =	vst v63  }
0x198: {  	s13 =	simm.s32 $0x5900  }
0x199: {  	[tilespmem:s13], [sflag:$0x2] =	stream.indirect_vreg.gather [hbm4b:s9+s19], $0x80, v4, vm0, $0xb8;
	[tilespmem:$0x10100] =	vst v63  }
0x19a: {  	s14 =	simm.s32 $0x6100  }
0x19b: {  	[tilespmem:s14], [sflag:$0x2] =	stream.indirect_vreg.gather [hbm4b:s3+s19], $0x80, v3, vm0, $0xb8;
	[tilespmem:$0x10100] =	vst v63  }
0x19c: {  	s15 =	simm.s32 $0x6900  }
0x19d: {  	[tilespmem:s15], [sflag:$0x2] =	stream.indirect_vreg.gather [hbm4b:s6+s19], $0x80, v3, vm0, $0xb8;
	[tilespmem:$0x10100] =	vst v63  }
0x19e: {  	_ = 	snop  }
0x19f: {  	[tilespmem:s16], [sflag:$0x2] =	stream.indirect_vreg.gather [hbm4b:s7+s19], $0x80, v3, vm0, $0xb8;
	[tilespmem:$0x10100] =	vst v63  }
0x1a0: {  	_ = 	snop  }
0x1a1: {  	[tilespmem:s17], [sflag:$0x2] =	stream.indirect_vreg.gather [hbm4b:s9+s19], $0x80, v3, vm0, $0xb8;
	[tilespmem:$0x10100] =	vst v63  }
0x1a2: {  	v3 =	vld [tilespmem:$0xD0];
	_ =	sdelay $0x4  }
0x1a3: {  	v63 =	vshll.u32 v3, $0x3  }
0x1a4: {  	v3 =	vand.u32 $0x7, v3;
	v4 =	vand.u32 $0xFFFFFFC0, v63  }
0x1a5: {  	v3 =	vor.u32 v3, v4  }
0x1a6: {  	v4 =	vperm.xlane v3, v0;
	_ =	sdelay $0x1  }
0x1a7: {  	v4 =	vadd.s32 v1, v4;
	_ =	sdelay $0x4  }
0x1a8: {  	[tilespmem:s8], [sflag:$0x4] =	stream.indirect_vreg.gather [hbm4b:s3+s19], $0x80, v4, vm0, $0xb8;
	[tilespmem:$0x10100] =	vst v63  }
0x1a9: {  	v3 =	vperm.xlane v3, v2  }
0x1aa: {  	[tilespmem:s21], [sflag:$0x4] =	stream.indirect_vreg.gather [hbm4b:s6+s19], $0x80, v4, vm0, $0xb8;
	[tilespmem:$0x10100] =	vst v63  }
0x1ab: {  	v3 =	vadd.s32 v1, v3  }
0x1ac: {  	[tilespmem:s22], [sflag:$0x4] =	stream.indirect_vreg.gather [hbm4b:s7+s19], $0x80, v4, vm0, $0xb8;
	[tilespmem:$0x10100] =	vst v63  }
0x1ad: {  	_ = 	snop  }
0x1ae: {  	[tilespmem:s23], [sflag:$0x4] =	stream.indirect_vreg.gather [hbm4b:s9+s19], $0x80, v4, vm0, $0xb8;
	[tilespmem:$0x10100] =	vst v63  }
0x1af: {  	_ = 	snop  }
0x1b0: {  	[tilespmem:s24], [sflag:$0x4] =	stream.indirect_vreg.gather [hbm4b:s3+s19], $0x80, v3, vm0, $0xb8;
	[tilespmem:$0x10100] =	vst v63  }
0x1b1: {  	_ = 	snop  }
0x1b2: {  	[tilespmem:s25], [sflag:$0x4] =	stream.indirect_vreg.gather [hbm4b:s6+s19], $0x80, v3, vm0, $0xb8;
	[tilespmem:$0x10100] =	vst v63  }
0x1b3: {  	_ = 	snop  }
0x1b4: {  	[tilespmem:s26], [sflag:$0x4] =	stream.indirect_vreg.gather [hbm4b:s7+s19], $0x80, v3, vm0, $0xb8;
	[tilespmem:$0x10100] =	vst v63  }
0x1b5: {  	_ = 	snop  }
0x1b6: {  	[tilespmem:s28], [sflag:$0x4] =	stream.indirect_vreg.gather [hbm4b:s9+s19], $0x80, v3, vm0, $0xb8;
	[tilespmem:$0x10100] =	vst v63  }
0x1b7: {  	_ =	swait.ge [sflag:s29], $0x4000  }
0x1b8: {  	[sflag:s29] =	ssyncset.done $0x0  }
0x1b9: {  	[sflag:s29] =	ssyncadd.s32 $0xFFFFC000  }
0x1ba: {  	_ =	swait.ge [sflag:s30], $0x4000  }
0x1bb: {  	[sflag:s30] =	ssyncset.done $0x0  }
0x1bc: {  	s4 =	simm.s32 $0x0;
	[sflag:s30] =	ssyncadd.s32 $0xFFFFC000  }
.LBB2_18:
0x1bd: {  	s5 =	sshll.u32 s4, $0xA;
	s11 =	sshll.u32 s4, $0x7  }
0x1be: {  	s5 =	sand.u32 $0x2000, s5;
	s11 =	sand.u32 $0x380, s11  }
0x1bf: {  	s15 =	sand.u32 $0x1C00, s19;
	s5 =	sor.u32 s5, s11  }
0x1c0: {  	s12 =	sand.u32 $0x70, s19;
	s11 =	sor.u32 s15, s5  }
0x1c1: {  	s11 =	sor.u32 s12, s11  }
0x1c2: {  	v3 =	vld [tilespmem:s11+$0x8100]  }
0x1c3: {  	v4 =	vld [tilespmem:s11+$0x100];
	_ =	sdelay $0x2  }
0x1c4: {  	s12 =	simm.s32 $0x80  }
0x1c5: {  	s13 =	simm.s32 $0x10;
	s15 =	sand.u32 $0x1C00, s12  }
0x1c6: {  	s14 =	sand.u32 $0x70, s13;
	s13 =	simm.s32 $0x20;
	s15 =	sor.u32 s15, s5;
	v3 =	vadd.f32 v3, v4  }
.LBB2_19:
0x1c7: {  	p0 =	sne.s32 s13, $0x3F0;
	s14 =	sor.u32 s14, s15  }
0x1c8: {  	v4 =	vld [tilespmem:s14+$0x8100];
	[tilespmem:s11+$0x100] =	vst v3;
	s11 =	smov.u32 s14  }
0x1c9: {  	v3 =	vld [tilespmem:s11+$0x100]  }
.Ltmp8:
0x1ca: {  	(pc) =	sbr.rel @p0 .LBB2_19-.Ltmp8, $4  }
0x1cb: {  	_ = 	snop  }
0x1cc: {  	s12 =	sadd.s32 $0x80, s12  }
0x1cd: {  	s15 =	sand.u32 $0x1C00, s12  }
0x1ce: {  	s14 =	sand.u32 $0x70, s13;
	s13 =	sadd.s32 $0x10, s13;
	s15 =	sor.u32 s15, s5;
	v3 =	vadd.f32 v4, v3  }
0x1cf: {  	s5 =	sor.u32 s14, s15  }
0x1d0: {  	v4 =	vld [tilespmem:s5+$0x8100];
	[tilespmem:s11+$0x100] =	vst v3  }
0x1d1: {  	v3 =	vld [tilespmem:s5+$0x100]  }
0x1d2: {  	s4 =	sadd.s32 $0x1, s4  }
0x1d3: {  	p0 =	sne.s32 s4, $0x10  }
.Ltmp9:
0x1d4: {  	_ = 	snop;
	(pc) =	sbr.rel @p0 .LBB2_18-.Ltmp9, $3  }
0x1d5: {  	_ = 	snop  }
0x1d6: {  	v3 =	vadd.f32 v4, v3;
	_ =	sdelay $0x1  }
0x1d7: {  	[tilespmem:s5+$0x100] =	vst v3  }
0x1d8: {  	s19 =	simm.s32 $0x0;
	s4 =	rddreg [dreg:$0x9]  }
0x1d9: {  	[hbm4b:s4+s19] =	stream.linear.scatter [tilespmem:s20], [sflag:$0x5], $0x4000, $0x38;
	[tilespmem:$0x10100] =	vst v63  }
0x1da: {  	_ =	swait.ge [sflag:s18], $0x4000  }
0x1db: {  	[sflag:s18] =	ssyncset.done $0x0  }
0x1dc: {  	[sflag:s18] =	ssyncadd.s32 $0xFFFFC000  }
0x1dd: {  	v3 =	vld [tilespmem:$0x60];
	_ =	sdelay $0x4  }
0x1de: {  	v4 =	vshll.u32 v3, $0x3  }
0x1df: {  	v3 =	vand.u32 $0x7, v3;
	v4 =	vand.u32 $0xFFFFFFC0, v4  }
0x1e0: {  	v3 =	vor.u32 v3, v4  }
0x1e1: {  	v4 =	vperm.xlane v3, v0;
	_ =	sdelay $0x1  }
0x1e2: {  	v4 =	vadd.s32 v1, v4;
	_ =	sdelay $0x4  }
0x1e3: {  	[tilespmem:s20], [sflag:$0x1] =	stream.indirect_vreg.gather [hbm4b:s3+s19], $0x80, v4, vm0, $0xb8;
	[tilespmem:$0x10100] =	vst v63  }
0x1e4: {  	s13 =	simm.s32 $0x900;
	v3 =	vperm.xlane v3, v2  }
0x1e5: {  	[tilespmem:s13], [sflag:$0x1] =	stream.indirect_vreg.gather [hbm4b:s6+s19], $0x80, v4, vm0, $0xb8;
	[tilespmem:$0x10100] =	vst v63  }
0x1e6: {  	s14 =	simm.s32 $0x1100;
	v3 =	vadd.s32 v1, v3  }
0x1e7: {  	[tilespmem:s14], [sflag:$0x1] =	stream.indirect_vreg.gather [hbm4b:s7+s19], $0x80, v4, vm0, $0xb8;
	[tilespmem:$0x10100] =	vst v63  }
0x1e8: {  	s15 =	simm.s32 $0x1900  }
0x1e9: {  	[tilespmem:s15], [sflag:$0x1] =	stream.indirect_vreg.gather [hbm4b:s9+s19], $0x80, v4, vm0, $0xb8;
	[tilespmem:$0x10100] =	vst v63  }
0x1ea: {  	s5 =	simm.s32 $0x2100  }
0x1eb: {  	[tilespmem:s5], [sflag:$0x1] =	stream.indirect_vreg.gather [hbm4b:s3+s19], $0x80, v3, vm0, $0xb8;
	[tilespmem:$0x10100] =	vst v63  }
0x1ec: {  	s11 =	simm.s32 $0x2900  }
0x1ed: {  	[tilespmem:s11], [sflag:$0x1] =	stream.indirect_vreg.gather [hbm4b:s6+s19], $0x80, v3, vm0, $0xb8;
	[tilespmem:$0x10100] =	vst v63  }
0x1ee: {  	s12 =	simm.s32 $0x3100  }
0x1ef: {  	[tilespmem:s12], [sflag:$0x1] =	stream.indirect_vreg.gather [hbm4b:s7+s19], $0x80, v3, vm0, $0xb8;
	[tilespmem:$0x10100] =	vst v63  }
0x1f0: {  	s13 =	simm.s32 $0x3900  }
0x1f1: {  	[tilespmem:s13], [sflag:$0x1] =	stream.indirect_vreg.gather [hbm4b:s9+s19], $0x80, v3, vm0, $0xb8;
	[tilespmem:$0x10100] =	vst v63  }
0x1f2: {  	v3 =	vld [tilespmem:$0xE0];
	_ =	sdelay $0x4  }
0x1f3: {  	v63 =	vshll.u32 v3, $0x3  }
0x1f4: {  	v3 =	vand.u32 $0x7, v3;
	v4 =	vand.u32 $0xFFFFFFC0, v63  }
0x1f5: {  	v3 =	vor.u32 v3, v4  }
0x1f6: {  	v4 =	vperm.xlane v3, v0;
	_ =	sdelay $0x1  }
0x1f7: {  	v4 =	vadd.s32 v1, v4;
	_ =	sdelay $0x3  }
0x1f8: {  	s14 =	simm.s32 $0x8100  }
0x1f9: {  	[tilespmem:s14], [sflag:$0x3] =	stream.indirect_vreg.gather [hbm4b:s3+s19], $0x80, v4, vm0, $0xb8;
	[tilespmem:$0x10100] =	vst v63  }
0x1fa: {  	s15 =	simm.s32 $0x8900;
	v3 =	vperm.xlane v3, v2  }
0x1fb: {  	[tilespmem:s15], [sflag:$0x3] =	stream.indirect_vreg.gather [hbm4b:s6+s19], $0x80, v4, vm0, $0xb8;
	[tilespmem:$0x10100] =	vst v63  }
0x1fc: {  	s5 =	simm.s32 $0x9100;
	v3 =	vadd.s32 v1, v3  }
0x1fd: {  	[tilespmem:s5], [sflag:$0x3] =	stream.indirect_vreg.gather [hbm4b:s7+s19], $0x80, v4, vm0, $0xb8;
	[tilespmem:$0x10100] =	vst v63  }
0x1fe: {  	s11 =	simm.s32 $0x9900  }
0x1ff: {  	[tilespmem:s11], [sflag:$0x3] =	stream.indirect_vreg.gather [hbm4b:s9+s19], $0x80, v4, vm0, $0xb8;
	[tilespmem:$0x10100] =	vst v63  }
0x200: {  	s12 =	simm.s32 $0xA100  }
0x201: {  	[tilespmem:s12], [sflag:$0x3] =	stream.indirect_vreg.gather [hbm4b:s3+s19], $0x80, v3, vm0, $0xb8;
	[tilespmem:$0x10100] =	vst v63  }
0x202: {  	s13 =	simm.s32 $0xA900  }
0x203: {  	[tilespmem:s13], [sflag:$0x3] =	stream.indirect_vreg.gather [hbm4b:s6+s19], $0x80, v3, vm0, $0xb8;
	[tilespmem:$0x10100] =	vst v63  }
0x204: {  	s14 =	simm.s32 $0xB100  }
0x205: {  	[tilespmem:s14], [sflag:$0x3] =	stream.indirect_vreg.gather [hbm4b:s7+s19], $0x80, v3, vm0, $0xb8;
	[tilespmem:$0x10100] =	vst v63  }
0x206: {  	s15 =	simm.s32 $0xB900  }
0x207: {  	[tilespmem:s15], [sflag:$0x3] =	stream.indirect_vreg.gather [hbm4b:s9+s19], $0x80, v3, vm0, $0xb8;
	[tilespmem:$0x10100] =	vst v63  }
0x208: {  	_ =	swait.ge [sflag:s31], $0x4000  }
0x209: {  	[sflag:s31] =	ssyncset.done $0x0  }
0x20a: {  	[sflag:s31] =	ssyncadd.s32 $0xFFFFC000  }
0x20b: {  	_ =	swait.ge [sflag:s0], $0x4000  }
0x20c: {  	[sflag:s0] =	ssyncset.done $0x0  }
0x20d: {  	s4 =	simm.s32 $0x0;
	[sflag:s0] =	ssyncadd.s32 $0xFFFFC000  }
.LBB2_22:
0x20e: {  	s5 =	sshll.u32 s4, $0xA;
	s11 =	sshll.u32 s4, $0x7  }
0x20f: {  	s5 =	sand.u32 $0x2000, s5;
	s11 =	sand.u32 $0x380, s11  }
0x210: {  	s15 =	sand.u32 $0x1C00, s19;
	s5 =	sor.u32 s5, s11  }
0x211: {  	s12 =	sand.u32 $0x70, s19;
	s11 =	sor.u32 s15, s5  }
0x212: {  	s11 =	sor.u32 s12, s11  }
0x213: {  	v3 =	vld [tilespmem:s11+$0xC100]  }
0x214: {  	v4 =	vld [tilespmem:s11+$0x4100];
	_ =	sdelay $0x2  }
0x215: {  	s12 =	simm.s32 $0x80  }
0x216: {  	s13 =	simm.s32 $0x10;
	s15 =	sand.u32 $0x1C00, s12  }
0x217: {  	s14 =	sand.u32 $0x70, s13;
	s13 =	simm.s32 $0x20;
	s15 =	sor.u32 s15, s5;
	v3 =	vadd.f32 v3, v4  }
.LBB2_23:
0x218: {  	p0 =	sne.s32 s13, $0x3F0;
	s14 =	sor.u32 s14, s15  }
0x219: {  	v4 =	vld [tilespmem:s14+$0xC100];
	[tilespmem:s11+$0x4100] =	vst v3;
	s11 =	smov.u32 s14  }
0x21a: {  	v3 =	vld [tilespmem:s11+$0x4100]  }
.Ltmp10:
0x21b: {  	(pc) =	sbr.rel @p0 .LBB2_23-.Ltmp10, $4  }
0x21c: {  	_ = 	snop  }
0x21d: {  	s12 =	sadd.s32 $0x80, s12  }
0x21e: {  	s15 =	sand.u32 $0x1C00, s12  }
0x21f: {  	s14 =	sand.u32 $0x70, s13;
	s13 =	sadd.s32 $0x10, s13;
	s15 =	sor.u32 s15, s5;
	v3 =	vadd.f32 v4, v3  }
0x220: {  	s5 =	sor.u32 s14, s15  }
0x221: {  	v4 =	vld [tilespmem:s5+$0xC100];
	[tilespmem:s11+$0x4100] =	vst v3  }
0x222: {  	v3 =	vld [tilespmem:s5+$0x4100]  }
0x223: {  	s4 =	sadd.s32 $0x1, s4  }
0x224: {  	p0 =	sne.s32 s4, $0x10  }
.Ltmp11:
0x225: {  	_ = 	snop;
	(pc) =	sbr.rel @p0 .LBB2_22-.Ltmp11, $3  }
0x226: {  	_ = 	snop  }
0x227: {  	v3 =	vadd.f32 v4, v3;
	_ =	sdelay $0x1  }
0x228: {  	[tilespmem:s5+$0x4100] =	vst v3  }
0x229: {  	s19 =	simm.s32 $0x0;
	s4 =	rddreg [dreg:$0xa]  }
0x22a: {  	[hbm4b:s4+s19] =	stream.linear.scatter [tilespmem:s10], [sflag:$0x5], $0x4000, $0x38;
	[tilespmem:$0x10100] =	vst v63  }
0x22b: {  	_ =	swait.ge [sflag:s18], $0x4000  }
0x22c: {  	[sflag:s18] =	ssyncset.done $0x0  }
0x22d: {  	[sflag:s18] =	ssyncadd.s32 $0xFFFFC000  }
0x22e: {  	v3 =	vld [tilespmem:$0x70];
	_ =	sdelay $0x4  }
0x22f: {  	v4 =	vshll.u32 v3, $0x3  }
0x230: {  	v3 =	vand.u32 $0x7, v3;
	v4 =	vand.u32 $0xFFFFFFC0, v4  }
0x231: {  	v3 =	vor.u32 v3, v4  }
0x232: {  	v4 =	vperm.xlane v3, v0;
	_ =	sdelay $0x1  }
0x233: {  	v4 =	vadd.s32 v1, v4;
	_ =	sdelay $0x4  }
0x234: {  	[tilespmem:s10], [sflag:$0x2] =	stream.indirect_vreg.gather [hbm4b:s3+s19], $0x80, v4, vm0, $0xb8;
	[tilespmem:$0x10100] =	vst v63  }
0x235: {  	s11 =	simm.s32 $0x4900;
	v3 =	vperm.xlane v3, v2  }
0x236: {  	[tilespmem:s11], [sflag:$0x2] =	stream.indirect_vreg.gather [hbm4b:s6+s19], $0x80, v4, vm0, $0xb8;
	[tilespmem:$0x10100] =	vst v63  }
0x237: {  	s12 =	simm.s32 $0x5100;
	v3 =	vadd.s32 v1, v3  }
0x238: {  	[tilespmem:s12], [sflag:$0x2] =	stream.indirect_vreg.gather [hbm4b:s7+s19], $0x80, v4, vm0, $0xb8;
	[tilespmem:$0x10100] =	vst v63  }
0x239: {  	s13 =	simm.s32 $0x5900  }
0x23a: {  	[tilespmem:s13], [sflag:$0x2] =	stream.indirect_vreg.gather [hbm4b:s9+s19], $0x80, v4, vm0, $0xb8;
	[tilespmem:$0x10100] =	vst v63  }
0x23b: {  	s14 =	simm.s32 $0x6100  }
0x23c: {  	[tilespmem:s14], [sflag:$0x2] =	stream.indirect_vreg.gather [hbm4b:s3+s19], $0x80, v3, vm0, $0xb8;
	[tilespmem:$0x10100] =	vst v63  }
0x23d: {  	s15 =	simm.s32 $0x6900  }
0x23e: {  	[tilespmem:s15], [sflag:$0x2] =	stream.indirect_vreg.gather [hbm4b:s6+s19], $0x80, v3, vm0, $0xb8;
	[tilespmem:$0x10100] =	vst v63  }
0x23f: {  	_ = 	snop  }
0x240: {  	[tilespmem:s16], [sflag:$0x2] =	stream.indirect_vreg.gather [hbm4b:s7+s19], $0x80, v3, vm0, $0xb8;
	[tilespmem:$0x10100] =	vst v63  }
0x241: {  	_ = 	snop  }
0x242: {  	[tilespmem:s17], [sflag:$0x2] =	stream.indirect_vreg.gather [hbm4b:s9+s19], $0x80, v3, vm0, $0xb8;
	[tilespmem:$0x10100] =	vst v63  }
0x243: {  	v3 =	vld [tilespmem:$0xF0];
	_ =	sdelay $0x4  }
0x244: {  	v63 =	vshll.u32 v3, $0x3  }
0x245: {  	v3 =	vand.u32 $0x7, v3;
	v4 =	vand.u32 $0xFFFFFFC0, v63  }
0x246: {  	v3 =	vor.u32 v3, v4  }
0x247: {  	v4 =	vperm.xlane v3, v0;
	_ =	sdelay $0x1  }
0x248: {  	v4 =	vadd.s32 v1, v4;
	_ =	sdelay $0x4  }
0x249: {  	[tilespmem:s8], [sflag:$0x4] =	stream.indirect_vreg.gather [hbm4b:s3+s19], $0x80, v4, vm0, $0xb8;
	[tilespmem:$0x10100] =	vst v63  }
0x24a: {  	v3 =	vperm.xlane v3, v2  }
0x24b: {  	[tilespmem:s21], [sflag:$0x4] =	stream.indirect_vreg.gather [hbm4b:s6+s19], $0x80, v4, vm0, $0xb8;
	[tilespmem:$0x10100] =	vst v63  }
0x24c: {  	v3 =	vadd.s32 v1, v3  }
0x24d: {  	[tilespmem:s22], [sflag:$0x4] =	stream.indirect_vreg.gather [hbm4b:s7+s19], $0x80, v4, vm0, $0xb8;
	[tilespmem:$0x10100] =	vst v63  }
0x24e: {  	_ = 	snop  }
0x24f: {  	[tilespmem:s23], [sflag:$0x4] =	stream.indirect_vreg.gather [hbm4b:s9+s19], $0x80, v4, vm0, $0xb8;
	[tilespmem:$0x10100] =	vst v63  }
0x250: {  	_ = 	snop  }
0x251: {  	[tilespmem:s24], [sflag:$0x4] =	stream.indirect_vreg.gather [hbm4b:s3+s19], $0x80, v3, vm0, $0xb8;
	[tilespmem:$0x10100] =	vst v63  }
0x252: {  	_ = 	snop  }
0x253: {  	[tilespmem:s25], [sflag:$0x4] =	stream.indirect_vreg.gather [hbm4b:s6+s19], $0x80, v3, vm0, $0xb8;
	[tilespmem:$0x10100] =	vst v63  }
0x254: {  	_ = 	snop  }
0x255: {  	[tilespmem:s26], [sflag:$0x4] =	stream.indirect_vreg.gather [hbm4b:s7+s19], $0x80, v3, vm0, $0xb8;
	[tilespmem:$0x10100] =	vst v63  }
0x256: {  	_ = 	snop  }
0x257: {  	[tilespmem:s28], [sflag:$0x4] =	stream.indirect_vreg.gather [hbm4b:s9+s19], $0x80, v3, vm0, $0xb8;
	[tilespmem:$0x10100] =	vst v63  }
0x258: {  	_ =	swait.ge [sflag:s29], $0x4000  }
0x259: {  	[sflag:s29] =	ssyncset.done $0x0  }
0x25a: {  	[sflag:s29] =	ssyncadd.s32 $0xFFFFC000  }
0x25b: {  	_ =	swait.ge [sflag:s30], $0x4000  }
0x25c: {  	[sflag:s30] =	ssyncset.done $0x0  }
0x25d: {  	s4 =	simm.s32 $0x0;
	[sflag:s30] =	ssyncadd.s32 $0xFFFFC000  }
.LBB2_26:
0x25e: {  	s5 =	sshll.u32 s4, $0xA;
	s11 =	sshll.u32 s4, $0x7  }
0x25f: {  	s5 =	sand.u32 $0x2000, s5;
	s11 =	sand.u32 $0x380, s11  }
0x260: {  	s15 =	sand.u32 $0x1C00, s19;
	s5 =	sor.u32 s5, s11  }
0x261: {  	s12 =	sand.u32 $0x70, s19;
	s11 =	sor.u32 s15, s5  }
0x262: {  	s11 =	sor.u32 s12, s11  }
0x263: {  	v3 =	vld [tilespmem:s11+$0x8100]  }
0x264: {  	v4 =	vld [tilespmem:s11+$0x100];
	_ =	sdelay $0x2  }
0x265: {  	s12 =	simm.s32 $0x80  }
0x266: {  	s13 =	simm.s32 $0x10;
	s15 =	sand.u32 $0x1C00, s12  }
0x267: {  	s14 =	sand.u32 $0x70, s13;
	s13 =	simm.s32 $0x20;
	s15 =	sor.u32 s15, s5;
	v3 =	vadd.f32 v3, v4  }
.LBB2_27:
0x268: {  	p0 =	sne.s32 s13, $0x3F0;
	s14 =	sor.u32 s14, s15  }
0x269: {  	v4 =	vld [tilespmem:s14+$0x8100];
	[tilespmem:s11+$0x100] =	vst v3;
	s11 =	smov.u32 s14  }
0x26a: {  	v3 =	vld [tilespmem:s11+$0x100]  }
.Ltmp12:
0x26b: {  	(pc) =	sbr.rel @p0 .LBB2_27-.Ltmp12, $4  }
0x26c: {  	_ = 	snop  }
0x26d: {  	s12 =	sadd.s32 $0x80, s12  }
0x26e: {  	s15 =	sand.u32 $0x1C00, s12  }
0x26f: {  	s14 =	sand.u32 $0x70, s13;
	s13 =	sadd.s32 $0x10, s13;
	s15 =	sor.u32 s15, s5;
	v3 =	vadd.f32 v4, v3  }
0x270: {  	s5 =	sor.u32 s14, s15  }
0x271: {  	v4 =	vld [tilespmem:s5+$0x8100];
	[tilespmem:s11+$0x100] =	vst v3  }
0x272: {  	v3 =	vld [tilespmem:s5+$0x100]  }
0x273: {  	s4 =	sadd.s32 $0x1, s4  }
0x274: {  	p0 =	sne.s32 s4, $0x10  }
.Ltmp13:
0x275: {  	_ = 	snop;
	(pc) =	sbr.rel @p0 .LBB2_26-.Ltmp13, $3  }
0x276: {  	_ = 	snop  }
0x277: {  	v3 =	vadd.f32 v4, v3;
	_ =	sdelay $0x1  }
0x278: {  	[tilespmem:s5+$0x100] =	vst v3  }
0x279: {  	s19 =	simm.s32 $0x0;
	s4 =	rddreg [dreg:$0xb]  }
0x27a: {  	[hbm4b:s4+s19] =	stream.linear.scatter [tilespmem:s20], [sflag:$0x5], $0x4000, $0x38;
	[tilespmem:$0x10100] =	vst v63  }
0x27b: {  	_ =	swait.ge [sflag:s18], $0x4000  }
0x27c: {  	[sflag:s18] =	ssyncset.done $0x0  }
0x27d: {  	[sflag:s18] =	ssyncadd.s32 $0xFFFFC000  }
0x27e: {  	_ =	swait.ge [sflag:s31], $0x4000  }
0x27f: {  	[sflag:s31] =	ssyncset.done $0x0  }
0x280: {  	[sflag:s31] =	ssyncadd.s32 $0xFFFFC000  }
0x281: {  	_ =	swait.ge [sflag:s0], $0x4000  }
0x282: {  	[sflag:s0] =	ssyncset.done $0x0  }
0x283: {  	s4 =	simm.s32 $0x0;
	[sflag:s0] =	ssyncadd.s32 $0xFFFFC000  }
.LBB2_30:
0x284: {  	s5 =	sshll.u32 s4, $0xA;
	s11 =	sshll.u32 s4, $0x7  }
0x285: {  	s5 =	sand.u32 $0x2000, s5;
	s11 =	sand.u32 $0x380, s11  }
0x286: {  	s15 =	sand.u32 $0x1C00, s19;
	s5 =	sor.u32 s5, s11  }
0x287: {  	s12 =	sand.u32 $0x70, s19;
	s11 =	sor.u32 s15, s5  }
0x288: {  	s11 =	sor.u32 s12, s11  }
0x289: {  	v3 =	vld [tilespmem:s11+$0xC100]  }
0x28a: {  	v4 =	vld [tilespmem:s11+$0x4100];
	_ =	sdelay $0x2  }
0x28b: {  	s12 =	simm.s32 $0x80  }
0x28c: {  	s13 =	simm.s32 $0x10;
	s15 =	sand.u32 $0x1C00, s12  }
0x28d: {  	s14 =	sand.u32 $0x70, s13;
	s13 =	simm.s32 $0x20;
	s15 =	sor.u32 s15, s5;
	v3 =	vadd.f32 v3, v4  }
.LBB2_31:
0x28e: {  	p0 =	sne.s32 s13, $0x3F0;
	s14 =	sor.u32 s14, s15  }
0x28f: {  	v4 =	vld [tilespmem:s14+$0xC100];
	[tilespmem:s11+$0x4100] =	vst v3;
	s11 =	smov.u32 s14  }
0x290: {  	v3 =	vld [tilespmem:s11+$0x4100]  }
.Ltmp14:
0x291: {  	(pc) =	sbr.rel @p0 .LBB2_31-.Ltmp14, $4  }
0x292: {  	_ = 	snop  }
0x293: {  	s12 =	sadd.s32 $0x80, s12  }
0x294: {  	s15 =	sand.u32 $0x1C00, s12  }
0x295: {  	s14 =	sand.u32 $0x70, s13;
	s13 =	sadd.s32 $0x10, s13;
	s15 =	sor.u32 s15, s5;
	v3 =	vadd.f32 v4, v3  }
0x296: {  	s5 =	sor.u32 s14, s15  }
0x297: {  	v4 =	vld [tilespmem:s5+$0xC100];
	[tilespmem:s11+$0x4100] =	vst v3  }
0x298: {  	v3 =	vld [tilespmem:s5+$0x4100]  }
0x299: {  	s4 =	sadd.s32 $0x1, s4  }
0x29a: {  	p0 =	sne.s32 s4, $0x10  }
.Ltmp15:
0x29b: {  	_ = 	snop;
	(pc) =	sbr.rel @p0 .LBB2_30-.Ltmp15, $3  }
0x29c: {  	_ = 	snop  }
0x29d: {  	v3 =	vadd.f32 v4, v3;
	_ =	sdelay $0x1  }
0x29e: {  	[tilespmem:s5+$0x4100] =	vst v3  }
0x29f: {  	s4 =	rddreg [dreg:$0xc]  }
0x2a0: {  	[hbm4b:s4+s2] =	stream.linear.scatter [tilespmem:s10], [sflag:$0x5], $0x4000, $0x38;
	[tilespmem:$0x10100] =	vst v63  }
0x2a1: {  	_ =	swait.ge [sflag:s18], $0x4000  }
0x2a2: {  	s1 =	sadd.s32 $0x1, s1;
	s19 =	rddreg [dreg:$0xd]  }
0x2a3: {  	p0 =	sne.s32 s1, s19  }
.Ltmp16:
0x2a4: {  	_ = 	snop;
	(pc) =	sbr.rel @p0 .LBB2_1-.Ltmp16, $3  }
0x2a5: {  	_ =	sdelay $0x1  }
0x2a6: {  	[sflag:s18] =	ssyncset.done $0x0  }
0x2a7: {  	[sflag:s18] =	ssyncadd.s32 $0xFFFFC000  }
0x2a8: {  	_ =	sfence.sel $0x180000  }
0x2a9: {  	[bflag:$0x0] =	sbarrier.arrive $0xFFFF  }
0x2aa: {  	_ =	strace $0x9000004A  }
0x2ab: {  	s0 =	stileid.u32;
	[bflag:$0x2] =	sbarrier.arrive $0xFFFF  }
0x2ac: {  	p0 =	sne.s32 s0, $0x0;
	s0 =	rddreg [dreg:$0x2]  }
0x2ad: {  	s0 =	sadd.s32 @!p0 $0x100000, s0  }
0x2ae: {  	[sflag:s0] =	ssyncadd.tile.s32 @!p0 $0x1;
	_ =	shalt  }
.Lfunc_end2:
_tile_overlayer_lowered:
.L_overlay_start_2:
0x2af: {  	(tag) =	ssettag $0x2  }
0x2b0: {  	s0 =	rddreg [dreg:$0x0];
	s2 =	stileid.u32  }
0x2b1: {  	s1 =	rddreg [dreg:$0x1];
	p0 =	sne.s32 s2, $0x0  }
0x2b2: {  	s3 =	rddreg [dreg:$0x2];
	[bflag:$0x3] =	sbarrier.arrive $0xFFFF;
	s2 =	simm.s32 @!p0 $0x1C05  }
0x2b3: {  	[timem:s3], [sflag:s2] =	dma.local @!p0 [hbm:s0], s1  }
0x2b4: {  	s0 =	simm.s32 @!p0 $0x5  }
0x2b5: {  	_ =	swait.ge @!p0 [sflag:s0], s1  }
0x2b6: {  	s1 =	ssub.s32 @!p0 $0x0, s1;
	[sflag:s0] =	ssyncset.done @!p0 $0x0  }
0x2b7: {  	[sflag:s0] =	ssyncadd.s32 @!p0 s1  }
0x2b8: {  	[bflag:$0x3] =	sbarrier.arrive $0xFFFF  }
0x2b9: {  	_ =	shalt  }

</sc_bundles>
